<compile_context>
chip_gen: v7x
topology: tpu7x:2x2x1
jax: 0.10.2.dev20260603
libtpu: 0.0.44.dev20260713+nightly
codegen_flags: <defaults>
</compile_context>

<pallas_src>
import functools
import math

import jax
import jax.numpy as jnp
from jax import lax
from jax.experimental import pallas as pl
from jax.experimental.pallas import tpu as pltpu
from jax.experimental.pallas import tpu_sc as plsc

D_MODEL = 128
SCALE = math.sqrt(float(D_MODEL))
LANES = 16

NUM_CORES = 2
NUM_SUBCORES = 16
NUM_WORKERS = NUM_CORES * NUM_SUBCORES

N_SEQ = 4096
TOK = 50
NI = N_SEQ // NUM_WORKERS
NBUF = 5
LOOKAHEAD = NBUF - 1
NGROUP = TOK // NBUF


_mesh = plsc.VectorSubcoreMesh(core_axis_name="c", subcore_axis_name="s")


@functools.partial(
    pl.kernel,
    out_type=jax.ShapeDtypeStruct((TOK, N_SEQ, D_MODEL), jnp.float32),
    mesh=_mesh,
    compiler_params=pltpu.CompilerParams(use_tc_tiling_on_sc=True),
    scratch_types=[
        pltpu.VMEM((TOK, NI), jnp.int32),
        pltpu.VMEM((NBUF, NI, D_MODEL), jnp.float32),
        pltpu.SemaphoreType.DMA((NBUF,)),
        pltpu.SemaphoreType.DMA((NBUF,)),
        pltpu.SemaphoreType.DMA,
    ],
)
def _embed(xt_hbm, table_hbm, out_hbm, idx_v, rows, sem_g, sem_o, sem_i):
    wid = lax.axis_index("s") * NUM_CORES + lax.axis_index("c")
    i0 = wid * NI
    pltpu.sync_copy(
        xt_hbm.at[pl.ds(0, 8), pl.ds(i0, NI)],
        idx_v.at[pl.ds(0, 8)])
    rest = pltpu.make_async_copy(
        xt_hbm.at[pl.ds(8, TOK - 8), pl.ds(i0, NI)],
        idx_v.at[pl.ds(8, TOK - 8)], sem_i)
    rest.start()

    def gather_start(j, b):
        pltpu.async_copy(
            table_hbm.at[idx_v.at[j]], rows.at[b], sem_g.at[b])

    def gather_wait(b):
        pltpu.make_async_copy(
            table_hbm.at[idx_v.at[0]], rows.at[b], sem_g.at[b]).wait()

    def out_start(j, b):
        pltpu.async_copy(
            rows.at[b], out_hbm.at[j, pl.ds(i0, NI), :], sem_o.at[b])

    def out_wait(b):
        pltpu.make_async_copy(
            rows.at[b], out_hbm.at[0, pl.ds(i0, NI), :], sem_o.at[b]).wait()

    for j in range(LOOKAHEAD):
        gather_start(j, j)
    rest.wait()

    def group_body(p, carry):
        for b in range(NBUF):
            j = p * NBUF + b
            gather_wait(b)

            bn = (b + LOOKAHEAD) % NBUF
            jp = j + LOOKAHEAD

            @pl.when((jp < TOK) & (j >= 1))
            def _():
                out_wait(bn)

            @pl.when(jp < TOK)
            def _():
                gather_start(jp, bn)

            @plsc.parallel_loop(0, NI, unroll=4)
            def _(r):
                for q in range(D_MODEL // LANES):
                    sl = pl.ds(q * LANES, LANES)
                    rows[b, r, sl] = rows[b, r, sl] * SCALE

            out_start(j, b)
        return carry

    lax.fori_loop(0, NGROUP, group_body, 0)
    for b in range(NBUF):
        out_wait(b)


def kernel(x, table):
    xt = jnp.transpose(x.astype(jnp.int32))
    out = _embed(xt, table)
    return jnp.transpose(out, (1, 0, 2))

# --- scband reference (transcript-rebuilt; emitter-appended) ---
"""Pipeline reference for scband-input-embeddings-16904991277558 (READ-ONLY COPY).

The authoritative reference and input builder live on the scoring server;
editing this copy changes nothing except your own understanding.
"""

import jax, jax.numpy as jnp
import numpy as np
import math

D_MODEL = 128
VOCAB_SIZE = 100000

def setup_inputs(seed: int = 0) -> dict:
    key = jax.random.key(seed)
    k1, k2 = jax.random.split(key)
    x = jax.random.randint(k1, (4096, 50), 0, VOCAB_SIZE, dtype=jnp.int64 if jax.config.jax_enable_x64 else jnp.int32)
    table = jax.random.normal(k2, (VOCAB_SIZE, D_MODEL), dtype=jnp.float32) * 0.05
    return {"x": x, "table": table}

def reference(x, table):
    emb = jnp.take(table, x, axis=0)
    return emb * math.sqrt(D_MODEL)

if __name__ == "__main__":
    import jax
    _d = setup_inputs()
    print(jax.jit(kernel)(*tuple(_d.values())))

</pallas_src>

<mosaic_0001>
#map = affine_map<(d0, d1) -> (0, 0)>
#map1 = affine_map<(d0, d1) -> (0, 0, 0)>
module attributes {stable_mosaic.version = 14 : i64} {
  func.func @_embed(%arg0: i32, %arg1: i32, %arg2: memref<50x4096xi32, #tpu.memory_space<hbm>>, %arg3: memref<100000x128xf32, #tpu.memory_space<hbm>>, %arg4: memref<50x4096x128xf32, #tpu.memory_space<hbm>>, %arg5: memref<50x128xi32, #tpu.memory_space<vmem>>, %arg6: memref<5x128x128xf32, #tpu.memory_space<vmem>>, %arg7: memref<5x!tpu.dma_semaphore, #tpu.memory_space<semaphore_mem>>, %arg8: memref<5x!tpu.dma_semaphore, #tpu.memory_space<semaphore_mem>>, %arg9: memref<!tpu.dma_semaphore, #tpu.memory_space<semaphore_mem>>) attributes {dimension_semantics = [#tpu.dimension_semantics<core_parallel>, #tpu.dimension_semantics<subcore_parallel>], iteration_bounds = array<i64: 2, 16>, scalar_prefetch = 0 : i64, scratch_operands = 5 : i64, tpu.core_type = #tpu.core_type<sc_vector_subcore>, window_params = [{transform_indices = #map}, {transform_indices = #map}, {transform_indices = #map1}]} {
    %mul3A = arith.constant 2 : i32
    %mul3A_0 = arith.muli %arg1, %mul3A : i32
    %add3A = arith.addi %mul3A_0, %arg0 : i32
    %mul3A_1 = arith.constant 128 : i32
    %mul3A_2 = arith.muli %add3A, %mul3A_1 : i32
    "tpu.region"() ({
      %run_scoped3A = tpu.sem_alloc : memref<!tpu.dma_semaphore, #tpu.memory_space<semaphore_mem>>
      %dma_start3A_181 = arith.constant 0 : i32
      %dma_start3A_182 = arith.constant 0 : i32
      %dma_start3A_183 = tpu.memref_slice %arg5[%dma_start3A_181, %dma_start3A_182] : memref<50x128xi32, #tpu.memory_space<vmem>> -> memref<8x128xi32, #tpu.memory_space<vmem>>
      %dma_start3A_184 = arith.constant 0 : i32
      %dma_start3A_185 = tpu.memref_slice %arg2[%dma_start3A_184, %mul3A_2] : memref<50x4096xi32, #tpu.memory_space<hbm>> -> memref<8x128xi32, #tpu.memory_space<hbm>>
      %dma_start3A_186 = arith.constant 0 : i32
      %dma_start3A_187 = arith.constant 0 : i32
      %dma_start3A_188 = tpu.memref_slice %arg5[%dma_start3A_186, %dma_start3A_187] : memref<50x128xi32, #tpu.memory_space<vmem>> -> memref<8x128xi32, #tpu.memory_space<vmem>>
      %dma_start3A_189 = arith.constant 0 : i32
      %dma_start3A_190 = tpu.memref_slice %arg2[%dma_start3A_189, %mul3A_2] : memref<50x4096xi32, #tpu.memory_space<hbm>> -> memref<8x128xi32, #tpu.memory_space<hbm>>
      tpu.enqueue_dma source(%dma_start3A_190 : memref<8x128xi32, #tpu.memory_space<hbm>>) target(%dma_start3A_188 : memref<8x128xi32, #tpu.memory_space<vmem>>) target_semaphore(%run_scoped3A : memref<!tpu.dma_semaphore, #tpu.memory_space<semaphore_mem>>)
      %dma_wait3A_191 = arith.constant 0 : i32
      %dma_wait3A_192 = arith.constant 0 : i32
      %dma_wait3A_193 = tpu.memref_slice %arg5[%dma_wait3A_191, %dma_wait3A_192] : memref<50x128xi32, #tpu.memory_space<vmem>> -> memref<8x128xi32, #tpu.memory_space<vmem>>
      %dma_wait3A_194 = arith.constant 0 : i32
      %dma_wait3A_195 = tpu.memref_slice %arg2[%dma_wait3A_194, %mul3A_2] : memref<50x4096xi32, #tpu.memory_space<hbm>> -> memref<8x128xi32, #tpu.memory_space<hbm>>
      %dma_wait3A_196 = arith.constant 0 : i32
      %dma_wait3A_197 = arith.constant 0 : i32
      %dma_wait3A_198 = tpu.memref_slice %arg5[%dma_wait3A_196, %dma_wait3A_197] : memref<50x128xi32, #tpu.memory_space<vmem>> -> memref<8x128xi32, #tpu.memory_space<vmem>>
      %dma_wait3A_199 = arith.constant 0 : i32
      %dma_wait3A_200 = tpu.memref_slice %arg2[%dma_wait3A_199, %mul3A_2] : memref<50x4096xi32, #tpu.memory_space<hbm>> -> memref<8x128xi32, #tpu.memory_space<hbm>>
      tpu.wait_dma2 semaphore(%run_scoped3A : memref<!tpu.dma_semaphore, #tpu.memory_space<semaphore_mem>>) src(%dma_wait3A_200 : memref<8x128xi32, #tpu.memory_space<hbm>>) dst(%dma_wait3A_198 : memref<8x128xi32, #tpu.memory_space<vmem>>)
      tpu.yield
    }) : () -> ()
    %dma_start3A = arith.constant 8 : i32
    %dma_start3A_3 = arith.constant 0 : i32
    %dma_start3A_4 = tpu.memref_slice %arg5[%dma_start3A, %dma_start3A_3] : memref<50x128xi32, #tpu.memory_space<vmem>> -> memref<42x128xi32, #tpu.memory_space<vmem>>
    %dma_start3A_5 = arith.constant 8 : i32
    %dma_start3A_6 = tpu.memref_slice %arg2[%dma_start3A_5, %mul3A_2] : memref<50x4096xi32, #tpu.memory_space<hbm>> -> memref<42x128xi32, #tpu.memory_space<hbm>>
    %dma_start3A_7 = arith.constant 8 : i32
    %dma_start3A_8 = arith.constant 0 : i32
    %dma_start3A_9 = tpu.memref_slice %arg5[%dma_start3A_7, %dma_start3A_8] : memref<50x128xi32, #tpu.memory_space<vmem>> -> memref<42x128xi32, #tpu.memory_space<vmem>>
    %dma_start3A_10 = arith.constant 8 : i32
    %dma_start3A_11 = tpu.memref_slice %arg2[%dma_start3A_10, %mul3A_2] : memref<50x4096xi32, #tpu.memory_space<hbm>> -> memref<42x128xi32, #tpu.memory_space<hbm>>
    tpu.enqueue_dma source(%dma_start3A_11 : memref<42x128xi32, #tpu.memory_space<hbm>>) target(%dma_start3A_9 : memref<42x128xi32, #tpu.memory_space<vmem>>) target_semaphore(%arg9 : memref<!tpu.dma_semaphore, #tpu.memory_space<semaphore_mem>>)
    %dma_start3A_12 = arith.constant 0 : i32
    %dma_start3A_13 = arith.constant 0 : i32
    %dma_start3A_14 = arith.constant 0 : i32
    %dma_start3A_15 = arith.constant 0 : i32
    %dma_start3A_16 = arith.constant 0 : i32
    %dma_start3A_17 = tpu.memref_slice %arg6[%dma_start3A_13, %dma_start3A_15, %dma_start3A_16] : memref<5x128x128xf32, #tpu.memory_space<vmem>> -> memref<1x128x128xf32, #tpu.memory_space<vmem>>
    %dma_start3A_18 = tpu.memref_squeeze %dma_start3A_17 : memref<1x128x128xf32, #tpu.memory_space<vmem>> -> memref<128x128xf32, #tpu.memory_space<vmem>>
    %dma_start3A_19 = arith.constant 0 : i32
    %dma_start3A_20 = tpu.memref_slice %arg5[%dma_start3A_12, %dma_start3A_19] : memref<50x128xi32, #tpu.memory_space<vmem>> -> memref<1x128xi32, #tpu.memory_space<vmem>>
    %dma_start3A_21 = tpu.memref_squeeze %dma_start3A_20 : memref<1x128xi32, #tpu.memory_space<vmem>> -> memref<128xi32, #tpu.memory_space<vmem>>
    %dma_start3A_22 = arith.constant 0 : i32
    %dma_start3A_23 = arith.constant 0 : i32
    %dma_start3A_24 = tpu.memref_slice %arg3[%dma_start3A_22, %dma_start3A_23] : memref<100000x128xf32, #tpu.memory_space<hbm>> -> memref<100000x128xf32, #tpu.memory_space<hbm>>
    %dma_start3A_25 = tpu.memref_slice %arg7[%dma_start3A_14] : memref<5x!tpu.dma_semaphore, #tpu.memory_space<semaphore_mem>> -> memref<1x!tpu.dma_semaphore, #tpu.memory_space<semaphore_mem>>
    %dma_start3A_26 = tpu.memref_squeeze %dma_start3A_25 : memref<1x!tpu.dma_semaphore, #tpu.memory_space<semaphore_mem>> -> memref<!tpu.dma_semaphore, #tpu.memory_space<semaphore_mem>>
    tpu.enqueue_indirect_dma source(%dma_start3A_24 : memref<100000x128xf32, #tpu.memory_space<hbm>>) target(%dma_start3A_18 : memref<128x128xf32, #tpu.memory_space<vmem>>) offsets(%dma_start3A_21 : memref<128xi32, #tpu.memory_space<vmem>>) semaphore(%dma_start3A_26 : memref<!tpu.dma_semaphore, #tpu.memory_space<semaphore_mem>>)
    %dma_start3A_27 = arith.constant 1 : i32
    %dma_start3A_28 = arith.constant 1 : i32
    %dma_start3A_29 = arith.constant 1 : i32
    %dma_start3A_30 = arith.constant 0 : i32
    %dma_start3A_31 = arith.constant 0 : i32
    %dma_start3A_32 = tpu.memref_slice %arg6[%dma_start3A_28, %dma_start3A_30, %dma_start3A_31] : memref<5x128x128xf32, #tpu.memory_space<vmem>> -> memref<1x128x128xf32, #tpu.memory_space<vmem>>
    %dma_start3A_33 = tpu.memref_squeeze %dma_start3A_32 : memref<1x128x128xf32, #tpu.memory_space<vmem>> -> memref<128x128xf32, #tpu.memory_space<vmem>>
    %dma_start3A_34 = arith.constant 0 : i32
    %dma_start3A_35 = tpu.memref_slice %arg5[%dma_start3A_27, %dma_start3A_34] : memref<50x128xi32, #tpu.memory_space<vmem>> -> memref<1x128xi32, #tpu.memory_space<vmem>>
    %dma_start3A_36 = tpu.memref_squeeze %dma_start3A_35 : memref<1x128xi32, #tpu.memory_space<vmem>> -> memref<128xi32, #tpu.memory_space<vmem>>
    %dma_start3A_37 = arith.constant 0 : i32
    %dma_start3A_38 = arith.constant 0 : i32
    %dma_start3A_39 = tpu.memref_slice %arg3[%dma_start3A_37, %dma_start3A_38] : memref<100000x128xf32, #tpu.memory_space<hbm>> -> memref<100000x128xf32, #tpu.memory_space<hbm>>
    %dma_start3A_40 = tpu.memref_slice %arg7[%dma_start3A_29] : memref<5x!tpu.dma_semaphore, #tpu.memory_space<semaphore_mem>> -> memref<1x!tpu.dma_semaphore, #tpu.memory_space<semaphore_mem>>
    %dma_start3A_41 = tpu.memref_squeeze %dma_start3A_40 : memref<1x!tpu.dma_semaphore, #tpu.memory_space<semaphore_mem>> -> memref<!tpu.dma_semaphore, #tpu.memory_space<semaphore_mem>>
    tpu.enqueue_indirect_dma source(%dma_start3A_39 : memref<100000x128xf32, #tpu.memory_space<hbm>>) target(%dma_start3A_33 : memref<128x128xf32, #tpu.memory_space<vmem>>) offsets(%dma_start3A_36 : memref<128xi32, #tpu.memory_space<vmem>>) semaphore(%dma_start3A_41 : memref<!tpu.dma_semaphore, #tpu.memory_space<semaphore_mem>>)
    %dma_start3A_42 = arith.constant 2 : i32
    %dma_start3A_43 = arith.constant 2 : i32
    %dma_start3A_44 = arith.constant 2 : i32
    %dma_start3A_45 = arith.constant 0 : i32
    %dma_start3A_46 = arith.constant 0 : i32
    %dma_start3A_47 = tpu.memref_slice %arg6[%dma_start3A_43, %dma_start3A_45, %dma_start3A_46] : memref<5x128x128xf32, #tpu.memory_space<vmem>> -> memref<1x128x128xf32, #tpu.memory_space<vmem>>
    %dma_start3A_48 = tpu.memref_squeeze %dma_start3A_47 : memref<1x128x128xf32, #tpu.memory_space<vmem>> -> memref<128x128xf32, #tpu.memory_space<vmem>>
    %dma_start3A_49 = arith.constant 0 : i32
    %dma_start3A_50 = tpu.memref_slice %arg5[%dma_start3A_42, %dma_start3A_49] : memref<50x128xi32, #tpu.memory_space<vmem>> -> memref<1x128xi32, #tpu.memory_space<vmem>>
    %dma_start3A_51 = tpu.memref_squeeze %dma_start3A_50 : memref<1x128xi32, #tpu.memory_space<vmem>> -> memref<128xi32, #tpu.memory_space<vmem>>
    %dma_start3A_52 = arith.constant 0 : i32
    %dma_start3A_53 = arith.constant 0 : i32
    %dma_start3A_54 = tpu.memref_slice %arg3[%dma_start3A_52, %dma_start3A_53] : memref<100000x128xf32, #tpu.memory_space<hbm>> -> memref<100000x128xf32, #tpu.memory_space<hbm>>
    %dma_start3A_55 = tpu.memref_slice %arg7[%dma_start3A_44] : memref<5x!tpu.dma_semaphore, #tpu.memory_space<semaphore_mem>> -> memref<1x!tpu.dma_semaphore, #tpu.memory_space<semaphore_mem>>
    %dma_start3A_56 = tpu.memref_squeeze %dma_start3A_55 : memref<1x!tpu.dma_semaphore, #tpu.memory_space<semaphore_mem>> -> memref<!tpu.dma_semaphore, #tpu.memory_space<semaphore_mem>>
    tpu.enqueue_indirect_dma source(%dma_start3A_54 : memref<100000x128xf32, #tpu.memory_space<hbm>>) target(%dma_start3A_48 : memref<128x128xf32, #tpu.memory_space<vmem>>) offsets(%dma_start3A_51 : memref<128xi32, #tpu.memory_space<vmem>>) semaphore(%dma_start3A_56 : memref<!tpu.dma_semaphore, #tpu.memory_space<semaphore_mem>>)
    %dma_start3A_57 = arith.constant 3 : i32
    %dma_start3A_58 = arith.constant 3 : i32
    %dma_start3A_59 = arith.constant 3 : i32
    %dma_start3A_60 = arith.constant 0 : i32
    %dma_start3A_61 = arith.constant 0 : i32
    %dma_start3A_62 = tpu.memref_slice %arg6[%dma_start3A_58, %dma_start3A_60, %dma_start3A_61] : memref<5x128x128xf32, #tpu.memory_space<vmem>> -> memref<1x128x128xf32, #tpu.memory_space<vmem>>
    %dma_start3A_63 = tpu.memref_squeeze %dma_start3A_62 : memref<1x128x128xf32, #tpu.memory_space<vmem>> -> memref<128x128xf32, #tpu.memory_space<vmem>>
    %dma_start3A_64 = arith.constant 0 : i32
    %dma_start3A_65 = tpu.memref_slice %arg5[%dma_start3A_57, %dma_start3A_64] : memref<50x128xi32, #tpu.memory_space<vmem>> -> memref<1x128xi32, #tpu.memory_space<vmem>>
    %dma_start3A_66 = tpu.memref_squeeze %dma_start3A_65 : memref<1x128xi32, #tpu.memory_space<vmem>> -> memref<128xi32, #tpu.memory_space<vmem>>
    %dma_start3A_67 = arith.constant 0 : i32
    %dma_start3A_68 = arith.constant 0 : i32
    %dma_start3A_69 = tpu.memref_slice %arg3[%dma_start3A_67, %dma_start3A_68] : memref<100000x128xf32, #tpu.memory_space<hbm>> -> memref<100000x128xf32, #tpu.memory_space<hbm>>
    %dma_start3A_70 = tpu.memref_slice %arg7[%dma_start3A_59] : memref<5x!tpu.dma_semaphore, #tpu.memory_space<semaphore_mem>> -> memref<1x!tpu.dma_semaphore, #tpu.memory_space<semaphore_mem>>
    %dma_start3A_71 = tpu.memref_squeeze %dma_start3A_70 : memref<1x!tpu.dma_semaphore, #tpu.memory_space<semaphore_mem>> -> memref<!tpu.dma_semaphore, #tpu.memory_space<semaphore_mem>>
    tpu.enqueue_indirect_dma source(%dma_start3A_69 : memref<100000x128xf32, #tpu.memory_space<hbm>>) target(%dma_start3A_63 : memref<128x128xf32, #tpu.memory_space<vmem>>) offsets(%dma_start3A_66 : memref<128xi32, #tpu.memory_space<vmem>>) semaphore(%dma_start3A_71 : memref<!tpu.dma_semaphore, #tpu.memory_space<semaphore_mem>>)
    %dma_wait3A = arith.constant 8 : i32
    %dma_wait3A_72 = arith.constant 0 : i32
    %dma_wait3A_73 = tpu.memref_slice %arg5[%dma_wait3A, %dma_wait3A_72] : memref<50x128xi32, #tpu.memory_space<vmem>> -> memref<42x128xi32, #tpu.memory_space<vmem>>
    %dma_wait3A_74 = arith.constant 8 : i32
    %dma_wait3A_75 = tpu.memref_slice %arg2[%dma_wait3A_74, %mul3A_2] : memref<50x4096xi32, #tpu.memory_space<hbm>> -> memref<42x128xi32, #tpu.memory_space<hbm>>
    %dma_wait3A_76 = arith.constant 8 : i32
    %dma_wait3A_77 = arith.constant 0 : i32
    %dma_wait3A_78 = tpu.memref_slice %arg5[%dma_wait3A_76, %dma_wait3A_77] : memref<50x128xi32, #tpu.memory_space<vmem>> -> memref<42x128xi32, #tpu.memory_space<vmem>>
    %dma_wait3A_79 = arith.constant 8 : i32
    %dma_wait3A_80 = tpu.memref_slice %arg2[%dma_wait3A_79, %mul3A_2] : memref<50x4096xi32, #tpu.memory_space<hbm>> -> memref<42x128xi32, #tpu.memory_space<hbm>>
    tpu.wait_dma2 semaphore(%arg9 : memref<!tpu.dma_semaphore, #tpu.memory_space<semaphore_mem>>) src(%dma_wait3A_80 : memref<42x128xi32, #tpu.memory_space<hbm>>) dst(%dma_wait3A_78 : memref<42x128xi32, #tpu.memory_space<vmem>>)
    %scan3A = arith.constant 0 : i32
    %scan3A_81 = arith.constant 0 : i32
    %scan3A_82 = arith.constant 10 : i32
    %scan3A_83 = arith.addi %scan3A_81, %scan3A_82 : i32
    %scan3A_84 = arith.constant 1 : i32
    scf.for %scan3A_181 = %scan3A_81 to %scan3A_83 step %scan3A_84  : i32 {
      %mul3A_182 = arith.constant 5 : i32
      %mul3A_183 = arith.muli %scan3A_181, %mul3A_182 : i32
      %add3A_184 = arith.constant 0 : i32
      %add3A_185 = arith.addi %mul3A_183, %add3A_184 : i32
      %dma_wait3A_186 = arith.constant 0 : i32
      %dma_wait3A_187 = arith.constant 0 : i32
      %dma_wait3A_188 = arith.constant 0 : i32
      %dma_wait3A_189 = arith.constant 0 : i32
      %dma_wait3A_190 = arith.constant 0 : i32
      %dma_wait3A_191 = tpu.memref_slice %arg6[%dma_wait3A_187, %dma_wait3A_189, %dma_wait3A_190] : memref<5x128x128xf32, #tpu.memory_space<vmem>> -> memref<1x128x128xf32, #tpu.memory_space<vmem>>
      %dma_wait3A_192 = tpu.memref_squeeze %dma_wait3A_191 : memref<1x128x128xf32, #tpu.memory_space<vmem>> -> memref<128x128xf32, #tpu.memory_space<vmem>>
      %dma_wait3A_193 = arith.constant 0 : i32
      %dma_wait3A_194 = tpu.memref_slice %arg5[%dma_wait3A_186, %dma_wait3A_193] : memref<50x128xi32, #tpu.memory_space<vmem>> -> memref<1x128xi32, #tpu.memory_space<vmem>>
      %dma_wait3A_195 = tpu.memref_squeeze %dma_wait3A_194 : memref<1x128xi32, #tpu.memory_space<vmem>> -> memref<128xi32, #tpu.memory_space<vmem>>
      %dma_wait3A_196 = arith.constant 0 : i32
      %dma_wait3A_197 = arith.constant 0 : i32
      %dma_wait3A_198 = tpu.memref_slice %arg3[%dma_wait3A_196, %dma_wait3A_197] : memref<100000x128xf32, #tpu.memory_space<hbm>> -> memref<100000x128xf32, #tpu.memory_space<hbm>>
      %dma_wait3A_199 = tpu.memref_slice %arg7[%dma_wait3A_188] : memref<5x!tpu.dma_semaphore, #tpu.memory_space<semaphore_mem>> -> memref<1x!tpu.dma_semaphore, #tpu.memory_space<semaphore_mem>>
      %dma_wait3A_200 = tpu.memref_squeeze %dma_wait3A_199 : memref<1x!tpu.dma_semaphore, #tpu.memory_space<semaphore_mem>> -> memref<!tpu.dma_semaphore, #tpu.memory_space<semaphore_mem>>
      tpu.wait_indirect_dma semaphore(%dma_wait3A_200 : memref<!tpu.dma_semaphore, #tpu.memory_space<semaphore_mem>>) src(%dma_wait3A_198 : memref<100000x128xf32, #tpu.memory_space<hbm>>) dst(%dma_wait3A_192 : memref<128x128xf32, #tpu.memory_space<vmem>>)
      %add3A_201 = arith.constant 4 : i32
      %add3A_202 = arith.addi %add3A_185, %add3A_201 : i32
      %lt3A = arith.constant 50 : i32
      %lt3A_203 = arith.cmpi slt, %add3A_202, %lt3A : i32
      %ge3A = arith.constant 1 : i32
      %ge3A_204 = arith.cmpi sge, %add3A_185, %ge3A : i32
      %and3A = arith.andi %lt3A_203, %ge3A_204 : i1
      %convert_element_type3A = arith.extui %and3A : i1 to i32
      %cond3A = arith.constant 0 : i32
      %cond3A_205 = arith.cmpi ne, %convert_element_type3A, %cond3A : i32
      scf.if %cond3A_205 {
        %dma_wait3A_451 = arith.constant 4 : i32
        %dma_wait3A_452 = arith.constant 0 : i32
        %dma_wait3A_453 = arith.constant 4 : i32
        %dma_wait3A_454 = arith.constant 0 : i32
        %dma_wait3A_455 = arith.constant 0 : i32
        %dma_wait3A_456 = tpu.memref_slice %arg6[%dma_wait3A_451, %dma_wait3A_454, %dma_wait3A_455] : memref<5x128x128xf32, #tpu.memory_space<vmem>> -> memref<1x128x128xf32, #tpu.memory_space<vmem>>
        %dma_wait3A_457 = tpu.memref_squeeze %dma_wait3A_456 : memref<1x128x128xf32, #tpu.memory_space<vmem>> -> memref<128x128xf32, #tpu.memory_space<vmem>>
        %dma_wait3A_458 = arith.constant 0 : i32
        %dma_wait3A_459 = tpu.memref_slice %arg4[%dma_wait3A_452, %mul3A_2, %dma_wait3A_458] : memref<50x4096x128xf32, #tpu.memory_space<hbm>> -> memref<1x128x128xf32, #tpu.memory_space<hbm>>
        %dma_wait3A_460 = tpu.memref_squeeze %dma_wait3A_459 : memref<1x128x128xf32, #tpu.memory_space<hbm>> -> memref<128x128xf32, #tpu.memory_space<hbm>>
        %dma_wait3A_461 = tpu.memref_slice %arg8[%dma_wait3A_453] : memref<5x!tpu.dma_semaphore, #tpu.memory_space<semaphore_mem>> -> memref<1x!tpu.dma_semaphore, #tpu.memory_space<semaphore_mem>>
        %dma_wait3A_462 = tpu.memref_squeeze %dma_wait3A_461 : memref<1x!tpu.dma_semaphore, #tpu.memory_space<semaphore_mem>> -> memref<!tpu.dma_semaphore, #tpu.memory_space<semaphore_mem>>
        %dma_wait3A_463 = arith.constant 0 : i32
        %dma_wait3A_464 = tpu.memref_slice %arg4[%dma_wait3A_452, %mul3A_2, %dma_wait3A_463] : memref<50x4096x128xf32, #tpu.memory_space<hbm>> -> memref<1x128x128xf32, #tpu.memory_space<hbm>>
        %dma_wait3A_465 = tpu.memref_squeeze %dma_wait3A_464 : memref<1x128x128xf32, #tpu.memory_space<hbm>> -> memref<128x128xf32, #tpu.memory_space<hbm>>
        %dma_wait3A_466 = arith.constant 0 : i32
        %dma_wait3A_467 = arith.constant 0 : i32
        %dma_wait3A_468 = tpu.memref_slice %arg6[%dma_wait3A_451, %dma_wait3A_466, %dma_wait3A_467] : memref<5x128x128xf32, #tpu.memory_space<vmem>> -> memref<1x128x128xf32, #tpu.memory_space<vmem>>
        %dma_wait3A_469 = tpu.memref_squeeze %dma_wait3A_468 : memref<1x128x128xf32, #tpu.memory_space<vmem>> -> memref<128x128xf32, #tpu.memory_space<vmem>>
        tpu.wait_dma2 semaphore(%dma_wait3A_462 : memref<!tpu.dma_semaphore, #tpu.memory_space<semaphore_mem>>) src(%dma_wait3A_469 : memref<128x128xf32, #tpu.memory_space<vmem>>) dst(%dma_wait3A_465 : memref<128x128xf32, #tpu.memory_space<hbm>>)
      } else {
      }
      %lt3A_206 = arith.constant 50 : i32
      %lt3A_207 = arith.cmpi slt, %add3A_202, %lt3A_206 : i32
      %convert_element_type3A_208 = arith.extui %lt3A_207 : i1 to i32
      %cond3A_209 = arith.constant 0 : i32
      %cond3A_210 = arith.cmpi ne, %convert_element_type3A_208, %cond3A_209 : i32
      scf.if %cond3A_210 {
        %dma_start3A_451 = arith.constant 4 : i32
        %dma_start3A_452 = arith.constant 4 : i32
        %dma_start3A_453 = arith.constant 0 : i32
        %dma_start3A_454 = arith.constant 0 : i32
        %dma_start3A_455 = tpu.memref_slice %arg6[%dma_start3A_451, %dma_start3A_453, %dma_start3A_454] : memref<5x128x128xf32, #tpu.memory_space<vmem>> -> memref<1x128x128xf32, #tpu.memory_space<vmem>>
        %dma_start3A_456 = tpu.memref_squeeze %dma_start3A_455 : memref<1x128x128xf32, #tpu.memory_space<vmem>> -> memref<128x128xf32, #tpu.memory_space<vmem>>
        %dma_start3A_457 = arith.constant 0 : i32
        %dma_start3A_458 = tpu.memref_slice %arg5[%add3A_202, %dma_start3A_457] : memref<50x128xi32, #tpu.memory_space<vmem>> -> memref<1x128xi32, #tpu.memory_space<vmem>>
        %dma_start3A_459 = tpu.memref_squeeze %dma_start3A_458 : memref<1x128xi32, #tpu.memory_space<vmem>> -> memref<128xi32, #tpu.memory_space<vmem>>
        %dma_start3A_460 = arith.constant 0 : i32
        %dma_start3A_461 = arith.constant 0 : i32
        %dma_start3A_462 = tpu.memref_slice %arg3[%dma_start3A_460, %dma_start3A_461] : memref<100000x128xf32, #tpu.memory_space<hbm>> -> memref<100000x128xf32, #tpu.memory_space<hbm>>
        %dma_start3A_463 = tpu.memref_slice %arg7[%dma_start3A_452] : memref<5x!tpu.dma_semaphore, #tpu.memory_space<semaphore_mem>> -> memref<1x!tpu.dma_semaphore, #tpu.memory_space<semaphore_mem>>
        %dma_start3A_464 = tpu.memref_squeeze %dma_start3A_463 : memref<1x!tpu.dma_semaphore, #tpu.memory_space<semaphore_mem>> -> memref<!tpu.dma_semaphore, #tpu.memory_space<semaphore_mem>>
        tpu.enqueue_indirect_dma source(%dma_start3A_462 : memref<100000x128xf32, #tpu.memory_space<hbm>>) target(%dma_start3A_456 : memref<128x128xf32, #tpu.memory_space<vmem>>) offsets(%dma_start3A_459 : memref<128xi32, #tpu.memory_space<vmem>>) semaphore(%dma_start3A_464 : memref<!tpu.dma_semaphore, #tpu.memory_space<semaphore_mem>>)
      } else {
      }
      %parallel_loop3A = arith.constant 0 : i32
      %parallel_loop3A_211 = arith.constant 128 : i32
      %parallel_loop3A_212 = arith.constant 1 : i32
      scf.for %parallel_loop3A_451 = %parallel_loop3A to %parallel_loop3A_211 step %parallel_loop3A_212  : i32 {
        %parallel_loop3A_452 = arith.constant 0 : i32
        %parallel_loop3A_453 = arith.index_cast %parallel_loop3A_452 : i32 to index
        %parallel_loop3A_454 = arith.index_cast %parallel_loop3A_451 : i32 to index
        %parallel_loop3A_455 = arith.constant 0 : index
        %parallel_loop3A_456 = tpu.vector_load %arg6[%parallel_loop3A_453, %parallel_loop3A_454, %parallel_loop3A_455] {strides = array<i32>} : memref<5x128x128xf32, #tpu.memory_space<vmem>>, vector<1x1x16xf32>,
        %parallel_loop3A_457 = vector.shape_cast %parallel_loop3A_456 : vector<1x1x16xf32> to vector<16xf32>
        %parallel_loop3A_458 = arith.constant 11.3137083 : f32
        %parallel_loop3A_459 = vector.broadcast %parallel_loop3A_458 : f32 to vector<16xf32>
        %parallel_loop3A_460 = arith.mulf %parallel_loop3A_457, %parallel_loop3A_459 : vector<16xf32>
        %parallel_loop3A_461 = arith.constant 0 : i32
        %parallel_loop3A_462 = arith.index_cast %parallel_loop3A_461 : i32 to index
        %parallel_loop3A_463 = arith.index_cast %parallel_loop3A_451 : i32 to index
        %parallel_loop3A_464 = arith.constant 0 : index
        %parallel_loop3A_465 = tpu.vector_load %arg6[%parallel_loop3A_462, %parallel_loop3A_463, %parallel_loop3A_464] {strides = array<i32>} : memref<5x128x128xf32, #tpu.memory_space<vmem>>, vector<1x1x16xf32>,
        %parallel_loop3A_466 = vector.shape_cast %parallel_loop3A_465 : vector<1x1x16xf32> to vector<16xf32>
        %parallel_loop3A_467 = vector.shape_cast %parallel_loop3A_460 : vector<16xf32> to vector<1x1x16xf32>
        tpu.vector_store %arg6[%parallel_loop3A_462, %parallel_loop3A_463, %parallel_loop3A_464], %parallel_loop3A_467 {strides = array<i32>} : memref<5x128x128xf32, #tpu.memory_space<vmem>>, vector<1x1x16xf32>,
        %parallel_loop3A_468 = arith.constant 0 : i32
        %parallel_loop3A_469 = arith.index_cast %parallel_loop3A_468 : i32 to index
        %parallel_loop3A_470 = arith.index_cast %parallel_loop3A_451 : i32 to index
        %parallel_loop3A_471 = arith.constant 16 : index
        %parallel_loop3A_472 = tpu.vector_load %arg6[%parallel_loop3A_469, %parallel_loop3A_470, %parallel_loop3A_471] {strides = array<i32>} : memref<5x128x128xf32, #tpu.memory_space<vmem>>, vector<1x1x16xf32>,
        %parallel_loop3A_473 = vector.shape_cast %parallel_loop3A_472 : vector<1x1x16xf32> to vector<16xf32>
        %parallel_loop3A_474 = arith.constant 11.3137083 : f32
        %parallel_loop3A_475 = vector.broadcast %parallel_loop3A_474 : f32 to vector<16xf32>
        %parallel_loop3A_476 = arith.mulf %parallel_loop3A_473, %parallel_loop3A_475 : vector<16xf32>
        %parallel_loop3A_477 = arith.constant 0 : i32
        %parallel_loop3A_478 = arith.index_cast %parallel_loop3A_477 : i32 to index
        %parallel_loop3A_479 = arith.index_cast %parallel_loop3A_451 : i32 to index
        %parallel_loop3A_480 = arith.constant 16 : index
        %parallel_loop3A_481 = tpu.vector_load %arg6[%parallel_loop3A_478, %parallel_loop3A_479, %parallel_loop3A_480] {strides = array<i32>} : memref<5x128x128xf32, #tpu.memory_space<vmem>>, vector<1x1x16xf32>,
        %parallel_loop3A_482 = vector.shape_cast %parallel_loop3A_481 : vector<1x1x16xf32> to vector<16xf32>
        %parallel_loop3A_483 = vector.shape_cast %parallel_loop3A_476 : vector<16xf32> to vector<1x1x16xf32>
        tpu.vector_store %arg6[%parallel_loop3A_478, %parallel_loop3A_479, %parallel_loop3A_480], %parallel_loop3A_483 {strides = array<i32>} : memref<5x128x128xf32, #tpu.memory_space<vmem>>, vector<1x1x16xf32>,
        %parallel_loop3A_484 = arith.constant 0 : i32
        %parallel_loop3A_485 = arith.index_cast %parallel_loop3A_484 : i32 to index
        %parallel_loop3A_486 = arith.index_cast %parallel_loop3A_451 : i32 to index
        %parallel_loop3A_487 = arith.constant 32 : index
        %parallel_loop3A_488 = tpu.vector_load %arg6[%parallel_loop3A_485, %parallel_loop3A_486, %parallel_loop3A_487] {strides = array<i32>} : memref<5x128x128xf32, #tpu.memory_space<vmem>>, vector<1x1x16xf32>,
        %parallel_loop3A_489 = vector.shape_cast %parallel_loop3A_488 : vector<1x1x16xf32> to vector<16xf32>
        %parallel_loop3A_490 = arith.constant 11.3137083 : f32
        %parallel_loop3A_491 = vector.broadcast %parallel_loop3A_490 : f32 to vector<16xf32>
        %parallel_loop3A_492 = arith.mulf %parallel_loop3A_489, %parallel_loop3A_491 : vector<16xf32>
        %parallel_loop3A_493 = arith.constant 0 : i32
        %parallel_loop3A_494 = arith.index_cast %parallel_loop3A_493 : i32 to index
        %parallel_loop3A_495 = arith.index_cast %parallel_loop3A_451 : i32 to index
        %parallel_loop3A_496 = arith.constant 32 : index
        %parallel_loop3A_497 = tpu.vector_load %arg6[%parallel_loop3A_494, %parallel_loop3A_495, %parallel_loop3A_496] {strides = array<i32>} : memref<5x128x128xf32, #tpu.memory_space<vmem>>, vector<1x1x16xf32>,
        %parallel_loop3A_498 = vector.shape_cast %parallel_loop3A_497 : vector<1x1x16xf32> to vector<16xf32>
        %parallel_loop3A_499 = vector.shape_cast %parallel_loop3A_492 : vector<16xf32> to vector<1x1x16xf32>
        tpu.vector_store %arg6[%parallel_loop3A_494, %parallel_loop3A_495, %parallel_loop3A_496], %parallel_loop3A_499 {strides = array<i32>} : memref<5x128x128xf32, #tpu.memory_space<vmem>>, vector<1x1x16xf32>,
        %parallel_loop3A_500 = arith.constant 0 : i32
        %parallel_loop3A_501 = arith.index_cast %parallel_loop3A_500 : i32 to index
        %parallel_loop3A_502 = arith.index_cast %parallel_loop3A_451 : i32 to index
        %parallel_loop3A_503 = arith.constant 48 : index
        %parallel_loop3A_504 = tpu.vector_load %arg6[%parallel_loop3A_501, %parallel_loop3A_502, %parallel_loop3A_503] {strides = array<i32>} : memref<5x128x128xf32, #tpu.memory_space<vmem>>, vector<1x1x16xf32>,
        %parallel_loop3A_505 = vector.shape_cast %parallel_loop3A_504 : vector<1x1x16xf32> to vector<16xf32>
        %parallel_loop3A_506 = arith.constant 11.3137083 : f32
        %parallel_loop3A_507 = vector.broadcast %parallel_loop3A_506 : f32 to vector<16xf32>
        %parallel_loop3A_508 = arith.mulf %parallel_loop3A_505, %parallel_loop3A_507 : vector<16xf32>
        %parallel_loop3A_509 = arith.constant 0 : i32
        %parallel_loop3A_510 = arith.index_cast %parallel_loop3A_509 : i32 to index
        %parallel_loop3A_511 = arith.index_cast %parallel_loop3A_451 : i32 to index
        %parallel_loop3A_512 = arith.constant 48 : index
        %parallel_loop3A_513 = tpu.vector_load %arg6[%parallel_loop3A_510, %parallel_loop3A_511, %parallel_loop3A_512] {strides = array<i32>} : memref<5x128x128xf32, #tpu.memory_space<vmem>>, vector<1x1x16xf32>,
        %parallel_loop3A_514 = vector.shape_cast %parallel_loop3A_513 : vector<1x1x16xf32> to vector<16xf32>
        %parallel_loop3A_515 = vector.shape_cast %parallel_loop3A_508 : vector<16xf32> to vector<1x1x16xf32>
        tpu.vector_store %arg6[%parallel_loop3A_510, %parallel_loop3A_511, %parallel_loop3A_512], %parallel_loop3A_515 {strides = array<i32>} : memref<5x128x128xf32, #tpu.memory_space<vmem>>, vector<1x1x16xf32>,
        %parallel_loop3A_516 = arith.constant 0 : i32
        %parallel_loop3A_517 = arith.index_cast %parallel_loop3A_516 : i32 to index
        %parallel_loop3A_518 = arith.index_cast %parallel_loop3A_451 : i32 to index
        %parallel_loop3A_519 = arith.constant 64 : index
        %parallel_loop3A_520 = tpu.vector_load %arg6[%parallel_loop3A_517, %parallel_loop3A_518, %parallel_loop3A_519] {strides = array<i32>} : memref<5x128x128xf32, #tpu.memory_space<vmem>>, vector<1x1x16xf32>,
        %parallel_loop3A_521 = vector.shape_cast %parallel_loop3A_520 : vector<1x1x16xf32> to vector<16xf32>
        %parallel_loop3A_522 = arith.constant 11.3137083 : f32
        %parallel_loop3A_523 = vector.broadcast %parallel_loop3A_522 : f32 to vector<16xf32>
        %parallel_loop3A_524 = arith.mulf %parallel_loop3A_521, %parallel_loop3A_523 : vector<16xf32>
        %parallel_loop3A_525 = arith.constant 0 : i32
        %parallel_loop3A_526 = arith.index_cast %parallel_loop3A_525 : i32 to index
        %parallel_loop3A_527 = arith.index_cast %parallel_loop3A_451 : i32 to index
        %parallel_loop3A_528 = arith.constant 64 : index
        %parallel_loop3A_529 = tpu.vector_load %arg6[%parallel_loop3A_526, %parallel_loop3A_527, %parallel_loop3A_528] {strides = array<i32>} : memref<5x128x128xf32, #tpu.memory_space<vmem>>, vector<1x1x16xf32>,
        %parallel_loop3A_530 = vector.shape_cast %parallel_loop3A_529 : vector<1x1x16xf32> to vector<16xf32>
        %parallel_loop3A_531 = vector.shape_cast %parallel_loop3A_524 : vector<16xf32> to vector<1x1x16xf32>
        tpu.vector_store %arg6[%parallel_loop3A_526, %parallel_loop3A_527, %parallel_loop3A_528], %parallel_loop3A_531 {strides = array<i32>} : memref<5x128x128xf32, #tpu.memory_space<vmem>>, vector<1x1x16xf32>,
        %parallel_loop3A_532 = arith.constant 0 : i32
        %parallel_loop3A_533 = arith.index_cast %parallel_loop3A_532 : i32 to index
        %parallel_loop3A_534 = arith.index_cast %parallel_loop3A_451 : i32 to index
        %parallel_loop3A_535 = arith.constant 80 : index
        %parallel_loop3A_536 = tpu.vector_load %arg6[%parallel_loop3A_533, %parallel_loop3A_534, %parallel_loop3A_535] {strides = array<i32>} : memref<5x128x128xf32, #tpu.memory_space<vmem>>, vector<1x1x16xf32>,
        %parallel_loop3A_537 = vector.shape_cast %parallel_loop3A_536 : vector<1x1x16xf32> to vector<16xf32>
        %parallel_loop3A_538 = arith.constant 11.3137083 : f32
        %parallel_loop3A_539 = vector.broadcast %parallel_loop3A_538 : f32 to vector<16xf32>
        %parallel_loop3A_540 = arith.mulf %parallel_loop3A_537, %parallel_loop3A_539 : vector<16xf32>
        %parallel_loop3A_541 = arith.constant 0 : i32
        %parallel_loop3A_542 = arith.index_cast %parallel_loop3A_541 : i32 to index
        %parallel_loop3A_543 = arith.index_cast %parallel_loop3A_451 : i32 to index
        %parallel_loop3A_544 = arith.constant 80 : index
        %parallel_loop3A_545 = tpu.vector_load %arg6[%parallel_loop3A_542, %parallel_loop3A_543, %parallel_loop3A_544] {strides = array<i32>} : memref<5x128x128xf32, #tpu.memory_space<vmem>>, vector<1x1x16xf32>,
        %parallel_loop3A_546 = vector.shape_cast %parallel_loop3A_545 : vector<1x1x16xf32> to vector<16xf32>
        %parallel_loop3A_547 = vector.shape_cast %parallel_loop3A_540 : vector<16xf32> to vector<1x1x16xf32>
        tpu.vector_store %arg6[%parallel_loop3A_542, %parallel_loop3A_543, %parallel_loop3A_544], %parallel_loop3A_547 {strides = array<i32>} : memref<5x128x128xf32, #tpu.memory_space<vmem>>, vector<1x1x16xf32>,
        %parallel_loop3A_548 = arith.constant 0 : i32
        %parallel_loop3A_549 = arith.index_cast %parallel_loop3A_548 : i32 to index
        %parallel_loop3A_550 = arith.index_cast %parallel_loop3A_451 : i32 to index
        %parallel_loop3A_551 = arith.constant 96 : index
        %parallel_loop3A_552 = tpu.vector_load %arg6[%parallel_loop3A_549, %parallel_loop3A_550, %parallel_loop3A_551] {strides = array<i32>} : memref<5x128x128xf32, #tpu.memory_space<vmem>>, vector<1x1x16xf32>,
        %parallel_loop3A_553 = vector.shape_cast %parallel_loop3A_552 : vector<1x1x16xf32> to vector<16xf32>
        %parallel_loop3A_554 = arith.constant 11.3137083 : f32
        %parallel_loop3A_555 = vector.broadcast %parallel_loop3A_554 : f32 to vector<16xf32>
        %parallel_loop3A_556 = arith.mulf %parallel_loop3A_553, %parallel_loop3A_555 : vector<16xf32>
        %parallel_loop3A_557 = arith.constant 0 : i32
        %parallel_loop3A_558 = arith.index_cast %parallel_loop3A_557 : i32 to index
        %parallel_loop3A_559 = arith.index_cast %parallel_loop3A_451 : i32 to index
        %parallel_loop3A_560 = arith.constant 96 : index
        %parallel_loop3A_561 = tpu.vector_load %arg6[%parallel_loop3A_558, %parallel_loop3A_559, %parallel_loop3A_560] {strides = array<i32>} : memref<5x128x128xf32, #tpu.memory_space<vmem>>, vector<1x1x16xf32>,
        %parallel_loop3A_562 = vector.shape_cast %parallel_loop3A_561 : vector<1x1x16xf32> to vector<16xf32>
        %parallel_loop3A_563 = vector.shape_cast %parallel_loop3A_556 : vector<16xf32> to vector<1x1x16xf32>
        tpu.vector_store %arg6[%parallel_loop3A_558, %parallel_loop3A_559, %parallel_loop3A_560], %parallel_loop3A_563 {strides = array<i32>} : memref<5x128x128xf32, #tpu.memory_space<vmem>>, vector<1x1x16xf32>,
        %parallel_loop3A_564 = arith.constant 0 : i32
        %parallel_loop3A_565 = arith.index_cast %parallel_loop3A_564 : i32 to index
        %parallel_loop3A_566 = arith.index_cast %parallel_loop3A_451 : i32 to index
        %parallel_loop3A_567 = arith.constant 112 : index
        %parallel_loop3A_568 = tpu.vector_load %arg6[%parallel_loop3A_565, %parallel_loop3A_566, %parallel_loop3A_567] {strides = array<i32>} : memref<5x128x128xf32, #tpu.memory_space<vmem>>, vector<1x1x16xf32>,
        %parallel_loop3A_569 = vector.shape_cast %parallel_loop3A_568 : vector<1x1x16xf32> to vector<16xf32>
        %parallel_loop3A_570 = arith.constant 11.3137083 : f32
        %parallel_loop3A_571 = vector.broadcast %parallel_loop3A_570 : f32 to vector<16xf32>
        %parallel_loop3A_572 = arith.mulf %parallel_loop3A_569, %parallel_loop3A_571 : vector<16xf32>
        %parallel_loop3A_573 = arith.constant 0 : i32
        %parallel_loop3A_574 = arith.index_cast %parallel_loop3A_573 : i32 to index
        %parallel_loop3A_575 = arith.index_cast %parallel_loop3A_451 : i32 to index
        %parallel_loop3A_576 = arith.constant 112 : index
        %parallel_loop3A_577 = tpu.vector_load %arg6[%parallel_loop3A_574, %parallel_loop3A_575, %parallel_loop3A_576] {strides = array<i32>} : memref<5x128x128xf32, #tpu.memory_space<vmem>>, vector<1x1x16xf32>,
        %parallel_loop3A_578 = vector.shape_cast %parallel_loop3A_577 : vector<1x1x16xf32> to vector<16xf32>
        %parallel_loop3A_579 = vector.shape_cast %parallel_loop3A_572 : vector<16xf32> to vector<1x1x16xf32>
        tpu.vector_store %arg6[%parallel_loop3A_574, %parallel_loop3A_575, %parallel_loop3A_576], %parallel_loop3A_579 {strides = array<i32>} : memref<5x128x128xf32, #tpu.memory_space<vmem>>, vector<1x1x16xf32>,
      } {sc.loop_unroll_factor = 4 : i64, sc.parallel_access}
      %dma_start3A_213 = arith.constant 0 : i32
      %dma_start3A_214 = arith.constant 0 : i32
      %dma_start3A_215 = arith.constant 0 : i32
      %dma_start3A_216 = arith.constant 0 : i32
      %dma_start3A_217 = tpu.memref_slice %arg6[%dma_start3A_213, %dma_start3A_215, %dma_start3A_216] : memref<5x128x128xf32, #tpu.memory_space<vmem>> -> memref<1x128x128xf32, #tpu.memory_space<vmem>>
      %dma_start3A_218 = tpu.memref_squeeze %dma_start3A_217 : memref<1x128x128xf32, #tpu.memory_space<vmem>> -> memref<128x128xf32, #tpu.memory_space<vmem>>
      %dma_start3A_219 = arith.constant 0 : i32
      %dma_start3A_220 = tpu.memref_slice %arg4[%add3A_185, %mul3A_2, %dma_start3A_219] : memref<50x4096x128xf32, #tpu.memory_space<hbm>> -> memref<1x128x128xf32, #tpu.memory_space<hbm>>
      %dma_start3A_221 = tpu.memref_squeeze %dma_start3A_220 : memref<1x128x128xf32, #tpu.memory_space<hbm>> -> memref<128x128xf32, #tpu.memory_space<hbm>>
      %dma_start3A_222 = tpu.memref_slice %arg8[%dma_start3A_214] : memref<5x!tpu.dma_semaphore, #tpu.memory_space<semaphore_mem>> -> memref<1x!tpu.dma_semaphore, #tpu.memory_space<semaphore_mem>>
      %dma_start3A_223 = tpu.memref_squeeze %dma_start3A_222 : memref<1x!tpu.dma_semaphore, #tpu.memory_space<semaphore_mem>> -> memref<!tpu.dma_semaphore, #tpu.memory_space<semaphore_mem>>
      %dma_start3A_224 = arith.constant 0 : i32
      %dma_start3A_225 = tpu.memref_slice %arg4[%add3A_185, %mul3A_2, %dma_start3A_224] : memref<50x4096x128xf32, #tpu.memory_space<hbm>> -> memref<1x128x128xf32, #tpu.memory_space<hbm>>
      %dma_start3A_226 = tpu.memref_squeeze %dma_start3A_225 : memref<1x128x128xf32, #tpu.memory_space<hbm>> -> memref<128x128xf32, #tpu.memory_space<hbm>>
      %dma_start3A_227 = arith.constant 0 : i32
      %dma_start3A_228 = arith.constant 0 : i32
      %dma_start3A_229 = tpu.memref_slice %arg6[%dma_start3A_213, %dma_start3A_227, %dma_start3A_228] : memref<5x128x128xf32, #tpu.memory_space<vmem>> -> memref<1x128x128xf32, #tpu.memory_space<vmem>>
      %dma_start3A_230 = tpu.memref_squeeze %dma_start3A_229 : memref<1x128x128xf32, #tpu.memory_space<vmem>> -> memref<128x128xf32, #tpu.memory_space<vmem>>
      tpu.enqueue_dma source(%dma_start3A_230 : memref<128x128xf32, #tpu.memory_space<vmem>>) target(%dma_start3A_226 : memref<128x128xf32, #tpu.memory_space<hbm>>) target_semaphore(%dma_start3A_223 : memref<!tpu.dma_semaphore, #tpu.memory_space<semaphore_mem>>)
      %mul3A_231 = arith.constant 5 : i32
      %mul3A_232 = arith.muli %scan3A_181, %mul3A_231 : i32
      %add3A_233 = arith.constant 1 : i32
      %add3A_234 = arith.addi %mul3A_232, %add3A_233 : i32
      %dma_wait3A_235 = arith.constant 0 : i32
      %dma_wait3A_236 = arith.constant 1 : i32
      %dma_wait3A_237 = arith.constant 1 : i32
      %dma_wait3A_238 = arith.constant 0 : i32
      %dma_wait3A_239 = arith.constant 0 : i32
      %dma_wait3A_240 = tpu.memref_slice %arg6[%dma_wait3A_236, %dma_wait3A_238, %dma_wait3A_239] : memref<5x128x128xf32, #tpu.memory_space<vmem>> -> memref<1x128x128xf32, #tpu.memory_space<vmem>>
      %dma_wait3A_241 = tpu.memref_squeeze %dma_wait3A_240 : memref<1x128x128xf32, #tpu.memory_space<vmem>> -> memref<128x128xf32, #tpu.memory_space<vmem>>
      %dma_wait3A_242 = arith.constant 0 : i32
      %dma_wait3A_243 = tpu.memref_slice %arg5[%dma_wait3A_235, %dma_wait3A_242] : memref<50x128xi32, #tpu.memory_space<vmem>> -> memref<1x128xi32, #tpu.memory_space<vmem>>
      %dma_wait3A_244 = tpu.memref_squeeze %dma_wait3A_243 : memref<1x128xi32, #tpu.memory_space<vmem>> -> memref<128xi32, #tpu.memory_space<vmem>>
      %dma_wait3A_245 = arith.constant 0 : i32
      %dma_wait3A_246 = arith.constant 0 : i32
      %dma_wait3A_247 = tpu.memref_slice %arg3[%dma_wait3A_245, %dma_wait3A_246] : memref<100000x128xf32, #tpu.memory_space<hbm>> -> memref<100000x128xf32, #tpu.memory_space<hbm>>
      %dma_wait3A_248 = tpu.memref_slice %arg7[%dma_wait3A_237] : memref<5x!tpu.dma_semaphore, #tpu.memory_space<semaphore_mem>> -> memref<1x!tpu.dma_semaphore, #tpu.memory_space<semaphore_mem>>
      %dma_wait3A_249 = tpu.memref_squeeze %dma_wait3A_248 : memref<1x!tpu.dma_semaphore, #tpu.memory_space<semaphore_mem>> -> memref<!tpu.dma_semaphore, #tpu.memory_space<semaphore_mem>>
      tpu.wait_indirect_dma semaphore(%dma_wait3A_249 : memref<!tpu.dma_semaphore, #tpu.memory_space<semaphore_mem>>) src(%dma_wait3A_247 : memref<100000x128xf32, #tpu.memory_space<hbm>>) dst(%dma_wait3A_241 : memref<128x128xf32, #tpu.memory_space<vmem>>)
      %add3A_250 = arith.constant 4 : i32
      %add3A_251 = arith.addi %add3A_234, %add3A_250 : i32
      %lt3A_252 = arith.constant 50 : i32
      %lt3A_253 = arith.cmpi slt, %add3A_251, %lt3A_252 : i32
      %ge3A_254 = arith.constant 1 : i32
      %ge3A_255 = arith.cmpi sge, %add3A_234, %ge3A_254 : i32
      %and3A_256 = arith.andi %lt3A_253, %ge3A_255 : i1
      %convert_element_type3A_257 = arith.extui %and3A_256 : i1 to i32
      %cond3A_258 = arith.constant 0 : i32
      %cond3A_259 = arith.cmpi ne, %convert_element_type3A_257, %cond3A_258 : i32
      scf.if %cond3A_259 {
        %dma_wait3A_451 = arith.constant 0 : i32
        %dma_wait3A_452 = arith.constant 0 : i32
        %dma_wait3A_453 = arith.constant 0 : i32
        %dma_wait3A_454 = arith.constant 0 : i32
        %dma_wait3A_455 = arith.constant 0 : i32
        %dma_wait3A_456 = tpu.memref_slice %arg6[%dma_wait3A_451, %dma_wait3A_454, %dma_wait3A_455] : memref<5x128x128xf32, #tpu.memory_space<vmem>> -> memref<1x128x128xf32, #tpu.memory_space<vmem>>
        %dma_wait3A_457 = tpu.memref_squeeze %dma_wait3A_456 : memref<1x128x128xf32, #tpu.memory_space<vmem>> -> memref<128x128xf32, #tpu.memory_space<vmem>>
        %dma_wait3A_458 = arith.constant 0 : i32
        %dma_wait3A_459 = tpu.memref_slice %arg4[%dma_wait3A_452, %mul3A_2, %dma_wait3A_458] : memref<50x4096x128xf32, #tpu.memory_space<hbm>> -> memref<1x128x128xf32, #tpu.memory_space<hbm>>
        %dma_wait3A_460 = tpu.memref_squeeze %dma_wait3A_459 : memref<1x128x128xf32, #tpu.memory_space<hbm>> -> memref<128x128xf32, #tpu.memory_space<hbm>>
        %dma_wait3A_461 = tpu.memref_slice %arg8[%dma_wait3A_453] : memref<5x!tpu.dma_semaphore, #tpu.memory_space<semaphore_mem>> -> memref<1x!tpu.dma_semaphore, #tpu.memory_space<semaphore_mem>>
        %dma_wait3A_462 = tpu.memref_squeeze %dma_wait3A_461 : memref<1x!tpu.dma_semaphore, #tpu.memory_space<semaphore_mem>> -> memref<!tpu.dma_semaphore, #tpu.memory_space<semaphore_mem>>
        %dma_wait3A_463 = arith.constant 0 : i32
        %dma_wait3A_464 = tpu.memref_slice %arg4[%dma_wait3A_452, %mul3A_2, %dma_wait3A_463] : memref<50x4096x128xf32, #tpu.memory_space<hbm>> -> memref<1x128x128xf32, #tpu.memory_space<hbm>>
        %dma_wait3A_465 = tpu.memref_squeeze %dma_wait3A_464 : memref<1x128x128xf32, #tpu.memory_space<hbm>> -> memref<128x128xf32, #tpu.memory_space<hbm>>
        %dma_wait3A_466 = arith.constant 0 : i32
        %dma_wait3A_467 = arith.constant 0 : i32
        %dma_wait3A_468 = tpu.memref_slice %arg6[%dma_wait3A_451, %dma_wait3A_466, %dma_wait3A_467] : memref<5x128x128xf32, #tpu.memory_space<vmem>> -> memref<1x128x128xf32, #tpu.memory_space<vmem>>
        %dma_wait3A_469 = tpu.memref_squeeze %dma_wait3A_468 : memref<1x128x128xf32, #tpu.memory_space<vmem>> -> memref<128x128xf32, #tpu.memory_space<vmem>>
        tpu.wait_dma2 semaphore(%dma_wait3A_462 : memref<!tpu.dma_semaphore, #tpu.memory_space<semaphore_mem>>) src(%dma_wait3A_469 : memref<128x128xf32, #tpu.memory_space<vmem>>) dst(%dma_wait3A_465 : memref<128x128xf32, #tpu.memory_space<hbm>>)
      } else {
      }
      %lt3A_260 = arith.constant 50 : i32
      %lt3A_261 = arith.cmpi slt, %add3A_251, %lt3A_260 : i32
      %convert_element_type3A_262 = arith.extui %lt3A_261 : i1 to i32
      %cond3A_263 = arith.constant 0 : i32
      %cond3A_264 = arith.cmpi ne, %convert_element_type3A_262, %cond3A_263 : i32
      scf.if %cond3A_264 {
        %dma_start3A_451 = arith.constant 0 : i32
        %dma_start3A_452 = arith.constant 0 : i32
        %dma_start3A_453 = arith.constant 0 : i32
        %dma_start3A_454 = arith.constant 0 : i32
        %dma_start3A_455 = tpu.memref_slice %arg6[%dma_start3A_451, %dma_start3A_453, %dma_start3A_454] : memref<5x128x128xf32, #tpu.memory_space<vmem>> -> memref<1x128x128xf32, #tpu.memory_space<vmem>>
        %dma_start3A_456 = tpu.memref_squeeze %dma_start3A_455 : memref<1x128x128xf32, #tpu.memory_space<vmem>> -> memref<128x128xf32, #tpu.memory_space<vmem>>
        %dma_start3A_457 = arith.constant 0 : i32
        %dma_start3A_458 = tpu.memref_slice %arg5[%add3A_251, %dma_start3A_457] : memref<50x128xi32, #tpu.memory_space<vmem>> -> memref<1x128xi32, #tpu.memory_space<vmem>>
        %dma_start3A_459 = tpu.memref_squeeze %dma_start3A_458 : memref<1x128xi32, #tpu.memory_space<vmem>> -> memref<128xi32, #tpu.memory_space<vmem>>
        %dma_start3A_460 = arith.constant 0 : i32
        %dma_start3A_461 = arith.constant 0 : i32
        %dma_start3A_462 = tpu.memref_slice %arg3[%dma_start3A_460, %dma_start3A_461] : memref<100000x128xf32, #tpu.memory_space<hbm>> -> memref<100000x128xf32, #tpu.memory_space<hbm>>
        %dma_start3A_463 = tpu.memref_slice %arg7[%dma_start3A_452] : memref<5x!tpu.dma_semaphore, #tpu.memory_space<semaphore_mem>> -> memref<1x!tpu.dma_semaphore, #tpu.memory_space<semaphore_mem>>
        %dma_start3A_464 = tpu.memref_squeeze %dma_start3A_463 : memref<1x!tpu.dma_semaphore, #tpu.memory_space<semaphore_mem>> -> memref<!tpu.dma_semaphore, #tpu.memory_space<semaphore_mem>>
        tpu.enqueue_indirect_dma source(%dma_start3A_462 : memref<100000x128xf32, #tpu.memory_space<hbm>>) target(%dma_start3A_456 : memref<128x128xf32, #tpu.memory_space<vmem>>) offsets(%dma_start3A_459 : memref<128xi32, #tpu.memory_space<vmem>>) semaphore(%dma_start3A_464 : memref<!tpu.dma_semaphore, #tpu.memory_space<semaphore_mem>>)
      } else {
      }
      %parallel_loop3A_265 = arith.constant 0 : i32
      %parallel_loop3A_266 = arith.constant 128 : i32
      %parallel_loop3A_267 = arith.constant 1 : i32
      scf.for %parallel_loop3A_451 = %parallel_loop3A_265 to %parallel_loop3A_266 step %parallel_loop3A_267  : i32 {
        %parallel_loop3A_452 = arith.constant 1 : i32
        %parallel_loop3A_453 = arith.index_cast %parallel_loop3A_452 : i32 to index
        %parallel_loop3A_454 = arith.index_cast %parallel_loop3A_451 : i32 to index
        %parallel_loop3A_455 = arith.constant 0 : index
        %parallel_loop3A_456 = tpu.vector_load %arg6[%parallel_loop3A_453, %parallel_loop3A_454, %parallel_loop3A_455] {strides = array<i32>} : memref<5x128x128xf32, #tpu.memory_space<vmem>>, vector<1x1x16xf32>,
        %parallel_loop3A_457 = vector.shape_cast %parallel_loop3A_456 : vector<1x1x16xf32> to vector<16xf32>
        %parallel_loop3A_458 = arith.constant 11.3137083 : f32
        %parallel_loop3A_459 = vector.broadcast %parallel_loop3A_458 : f32 to vector<16xf32>
        %parallel_loop3A_460 = arith.mulf %parallel_loop3A_457, %parallel_loop3A_459 : vector<16xf32>
        %parallel_loop3A_461 = arith.constant 1 : i32
        %parallel_loop3A_462 = arith.index_cast %parallel_loop3A_461 : i32 to index
        %parallel_loop3A_463 = arith.index_cast %parallel_loop3A_451 : i32 to index
        %parallel_loop3A_464 = arith.constant 0 : index
        %parallel_loop3A_465 = tpu.vector_load %arg6[%parallel_loop3A_462, %parallel_loop3A_463, %parallel_loop3A_464] {strides = array<i32>} : memref<5x128x128xf32, #tpu.memory_space<vmem>>, vector<1x1x16xf32>,
        %parallel_loop3A_466 = vector.shape_cast %parallel_loop3A_465 : vector<1x1x16xf32> to vector<16xf32>
        %parallel_loop3A_467 = vector.shape_cast %parallel_loop3A_460 : vector<16xf32> to vector<1x1x16xf32>
        tpu.vector_store %arg6[%parallel_loop3A_462, %parallel_loop3A_463, %parallel_loop3A_464], %parallel_loop3A_467 {strides = array<i32>} : memref<5x128x128xf32, #tpu.memory_space<vmem>>, vector<1x1x16xf32>,
        %parallel_loop3A_468 = arith.constant 1 : i32
        %parallel_loop3A_469 = arith.index_cast %parallel_loop3A_468 : i32 to index
        %parallel_loop3A_470 = arith.index_cast %parallel_loop3A_451 : i32 to index
        %parallel_loop3A_471 = arith.constant 16 : index
        %parallel_loop3A_472 = tpu.vector_load %arg6[%parallel_loop3A_469, %parallel_loop3A_470, %parallel_loop3A_471] {strides = array<i32>} : memref<5x128x128xf32, #tpu.memory_space<vmem>>, vector<1x1x16xf32>,
        %parallel_loop3A_473 = vector.shape_cast %parallel_loop3A_472 : vector<1x1x16xf32> to vector<16xf32>
        %parallel_loop3A_474 = arith.constant 11.3137083 : f32
        %parallel_loop3A_475 = vector.broadcast %parallel_loop3A_474 : f32 to vector<16xf32>
        %parallel_loop3A_476 = arith.mulf %parallel_loop3A_473, %parallel_loop3A_475 : vector<16xf32>
        %parallel_loop3A_477 = arith.constant 1 : i32
        %parallel_loop3A_478 = arith.index_cast %parallel_loop3A_477 : i32 to index
        %parallel_loop3A_479 = arith.index_cast %parallel_loop3A_451 : i32 to index
        %parallel_loop3A_480 = arith.constant 16 : index
        %parallel_loop3A_481 = tpu.vector_load %arg6[%parallel_loop3A_478, %parallel_loop3A_479, %parallel_loop3A_480] {strides = array<i32>} : memref<5x128x128xf32, #tpu.memory_space<vmem>>, vector<1x1x16xf32>,
        %parallel_loop3A_482 = vector.shape_cast %parallel_loop3A_481 : vector<1x1x16xf32> to vector<16xf32>
        %parallel_loop3A_483 = vector.shape_cast %parallel_loop3A_476 : vector<16xf32> to vector<1x1x16xf32>
        tpu.vector_store %arg6[%parallel_loop3A_478, %parallel_loop3A_479, %parallel_loop3A_480], %parallel_loop3A_483 {strides = array<i32>} : memref<5x128x128xf32, #tpu.memory_space<vmem>>, vector<1x1x16xf32>,
        %parallel_loop3A_484 = arith.constant 1 : i32
        %parallel_loop3A_485 = arith.index_cast %parallel_loop3A_484 : i32 to index
        %parallel_loop3A_486 = arith.index_cast %parallel_loop3A_451 : i32 to index
        %parallel_loop3A_487 = arith.constant 32 : index
        %parallel_loop3A_488 = tpu.vector_load %arg6[%parallel_loop3A_485, %parallel_loop3A_486, %parallel_loop3A_487] {strides = array<i32>} : memref<5x128x128xf32, #tpu.memory_space<vmem>>, vector<1x1x16xf32>,
        %parallel_loop3A_489 = vector.shape_cast %parallel_loop3A_488 : vector<1x1x16xf32> to vector<16xf32>
        %parallel_loop3A_490 = arith.constant 11.3137083 : f32
        %parallel_loop3A_491 = vector.broadcast %parallel_loop3A_490 : f32 to vector<16xf32>
        %parallel_loop3A_492 = arith.mulf %parallel_loop3A_489, %parallel_loop3A_491 : vector<16xf32>
        %parallel_loop3A_493 = arith.constant 1 : i32
        %parallel_loop3A_494 = arith.index_cast %parallel_loop3A_493 : i32 to index
        %parallel_loop3A_495 = arith.index_cast %parallel_loop3A_451 : i32 to index
        %parallel_loop3A_496 = arith.constant 32 : index
        %parallel_loop3A_497 = tpu.vector_load %arg6[%parallel_loop3A_494, %parallel_loop3A_495, %parallel_loop3A_496] {strides = array<i32>} : memref<5x128x128xf32, #tpu.memory_space<vmem>>, vector<1x1x16xf32>,
        %parallel_loop3A_498 = vector.shape_cast %parallel_loop3A_497 : vector<1x1x16xf32> to vector<16xf32>
        %parallel_loop3A_499 = vector.shape_cast %parallel_loop3A_492 : vector<16xf32> to vector<1x1x16xf32>
        tpu.vector_store %arg6[%parallel_loop3A_494, %parallel_loop3A_495, %parallel_loop3A_496], %parallel_loop3A_499 {strides = array<i32>} : memref<5x128x128xf32, #tpu.memory_space<vmem>>, vector<1x1x16xf32>,
        %parallel_loop3A_500 = arith.constant 1 : i32
        %parallel_loop3A_501 = arith.index_cast %parallel_loop3A_500 : i32 to index
        %parallel_loop3A_502 = arith.index_cast %parallel_loop3A_451 : i32 to index
        %parallel_loop3A_503 = arith.constant 48 : index
        %parallel_loop3A_504 = tpu.vector_load %arg6[%parallel_loop3A_501, %parallel_loop3A_502, %parallel_loop3A_503] {strides = array<i32>} : memref<5x128x128xf32, #tpu.memory_space<vmem>>, vector<1x1x16xf32>,
        %parallel_loop3A_505 = vector.shape_cast %parallel_loop3A_504 : vector<1x1x16xf32> to vector<16xf32>
        %parallel_loop3A_506 = arith.constant 11.3137083 : f32
        %parallel_loop3A_507 = vector.broadcast %parallel_loop3A_506 : f32 to vector<16xf32>
        %parallel_loop3A_508 = arith.mulf %parallel_loop3A_505, %parallel_loop3A_507 : vector<16xf32>
        %parallel_loop3A_509 = arith.constant 1 : i32
        %parallel_loop3A_510 = arith.index_cast %parallel_loop3A_509 : i32 to index
        %parallel_loop3A_511 = arith.index_cast %parallel_loop3A_451 : i32 to index
        %parallel_loop3A_512 = arith.constant 48 : index
        %parallel_loop3A_513 = tpu.vector_load %arg6[%parallel_loop3A_510, %parallel_loop3A_511, %parallel_loop3A_512] {strides = array<i32>} : memref<5x128x128xf32, #tpu.memory_space<vmem>>, vector<1x1x16xf32>,
        %parallel_loop3A_514 = vector.shape_cast %parallel_loop3A_513 : vector<1x1x16xf32> to vector<16xf32>
        %parallel_loop3A_515 = vector.shape_cast %parallel_loop3A_508 : vector<16xf32> to vector<1x1x16xf32>
        tpu.vector_store %arg6[%parallel_loop3A_510, %parallel_loop3A_511, %parallel_loop3A_512], %parallel_loop3A_515 {strides = array<i32>} : memref<5x128x128xf32, #tpu.memory_space<vmem>>, vector<1x1x16xf32>,
        %parallel_loop3A_516 = arith.constant 1 : i32
        %parallel_loop3A_517 = arith.index_cast %parallel_loop3A_516 : i32 to index
        %parallel_loop3A_518 = arith.index_cast %parallel_loop3A_451 : i32 to index
        %parallel_loop3A_519 = arith.constant 64 : index
        %parallel_loop3A_520 = tpu.vector_load %arg6[%parallel_loop3A_517, %parallel_loop3A_518, %parallel_loop3A_519] {strides = array<i32>} : memref<5x128x128xf32, #tpu.memory_space<vmem>>, vector<1x1x16xf32>,
        %parallel_loop3A_521 = vector.shape_cast %parallel_loop3A_520 : vector<1x1x16xf32> to vector<16xf32>
        %parallel_loop3A_522 = arith.constant 11.3137083 : f32
        %parallel_loop3A_523 = vector.broadcast %parallel_loop3A_522 : f32 to vector<16xf32>
        %parallel_loop3A_524 = arith.mulf %parallel_loop3A_521, %parallel_loop3A_523 : vector<16xf32>
        %parallel_loop3A_525 = arith.constant 1 : i32
        %parallel_loop3A_526 = arith.index_cast %parallel_loop3A_525 : i32 to index
        %parallel_loop3A_527 = arith.index_cast %parallel_loop3A_451 : i32 to index
        %parallel_loop3A_528 = arith.constant 64 : index
        %parallel_loop3A_529 = tpu.vector_load %arg6[%parallel_loop3A_526, %parallel_loop3A_527, %parallel_loop3A_528] {strides = array<i32>} : memref<5x128x128xf32, #tpu.memory_space<vmem>>, vector<1x1x16xf32>,
        %parallel_loop3A_530 = vector.shape_cast %parallel_loop3A_529 : vector<1x1x16xf32> to vector<16xf32>
        %parallel_loop3A_531 = vector.shape_cast %parallel_loop3A_524 : vector<16xf32> to vector<1x1x16xf32>
        tpu.vector_store %arg6[%parallel_loop3A_526, %parallel_loop3A_527, %parallel_loop3A_528], %parallel_loop3A_531 {strides = array<i32>} : memref<5x128x128xf32, #tpu.memory_space<vmem>>, vector<1x1x16xf32>,
        %parallel_loop3A_532 = arith.constant 1 : i32
        %parallel_loop3A_533 = arith.index_cast %parallel_loop3A_532 : i32 to index
        %parallel_loop3A_534 = arith.index_cast %parallel_loop3A_451 : i32 to index
        %parallel_loop3A_535 = arith.constant 80 : index
        %parallel_loop3A_536 = tpu.vector_load %arg6[%parallel_loop3A_533, %parallel_loop3A_534, %parallel_loop3A_535] {strides = array<i32>} : memref<5x128x128xf32, #tpu.memory_space<vmem>>, vector<1x1x16xf32>,
        %parallel_loop3A_537 = vector.shape_cast %parallel_loop3A_536 : vector<1x1x16xf32> to vector<16xf32>
        %parallel_loop3A_538 = arith.constant 11.3137083 : f32
        %parallel_loop3A_539 = vector.broadcast %parallel_loop3A_538 : f32 to vector<16xf32>
        %parallel_loop3A_540 = arith.mulf %parallel_loop3A_537, %parallel_loop3A_539 : vector<16xf32>
        %parallel_loop3A_541 = arith.constant 1 : i32
        %parallel_loop3A_542 = arith.index_cast %parallel_loop3A_541 : i32 to index
        %parallel_loop3A_543 = arith.index_cast %parallel_loop3A_451 : i32 to index
        %parallel_loop3A_544 = arith.constant 80 : index
        %parallel_loop3A_545 = tpu.vector_load %arg6[%parallel_loop3A_542, %parallel_loop3A_543, %parallel_loop3A_544] {strides = array<i32>} : memref<5x128x128xf32, #tpu.memory_space<vmem>>, vector<1x1x16xf32>,
        %parallel_loop3A_546 = vector.shape_cast %parallel_loop3A_545 : vector<1x1x16xf32> to vector<16xf32>
        %parallel_loop3A_547 = vector.shape_cast %parallel_loop3A_540 : vector<16xf32> to vector<1x1x16xf32>
        tpu.vector_store %arg6[%parallel_loop3A_542, %parallel_loop3A_543, %parallel_loop3A_544], %parallel_loop3A_547 {strides = array<i32>} : memref<5x128x128xf32, #tpu.memory_space<vmem>>, vector<1x1x16xf32>,
        %parallel_loop3A_548 = arith.constant 1 : i32
        %parallel_loop3A_549 = arith.index_cast %parallel_loop3A_548 : i32 to index
        %parallel_loop3A_550 = arith.index_cast %parallel_loop3A_451 : i32 to index
        %parallel_loop3A_551 = arith.constant 96 : index
        %parallel_loop3A_552 = tpu.vector_load %arg6[%parallel_loop3A_549, %parallel_loop3A_550, %parallel_loop3A_551] {strides = array<i32>} : memref<5x128x128xf32, #tpu.memory_space<vmem>>, vector<1x1x16xf32>,
        %parallel_loop3A_553 = vector.shape_cast %parallel_loop3A_552 : vector<1x1x16xf32> to vector<16xf32>
        %parallel_loop3A_554 = arith.constant 11.3137083 : f32
        %parallel_loop3A_555 = vector.broadcast %parallel_loop3A_554 : f32 to vector<16xf32>
        %parallel_loop3A_556 = arith.mulf %parallel_loop3A_553, %parallel_loop3A_555 : vector<16xf32>
        %parallel_loop3A_557 = arith.constant 1 : i32
        %parallel_loop3A_558 = arith.index_cast %parallel_loop3A_557 : i32 to index
        %parallel_loop3A_559 = arith.index_cast %parallel_loop3A_451 : i32 to index
        %parallel_loop3A_560 = arith.constant 96 : index
        %parallel_loop3A_561 = tpu.vector_load %arg6[%parallel_loop3A_558, %parallel_loop3A_559, %parallel_loop3A_560] {strides = array<i32>} : memref<5x128x128xf32, #tpu.memory_space<vmem>>, vector<1x1x16xf32>,
        %parallel_loop3A_562 = vector.shape_cast %parallel_loop3A_561 : vector<1x1x16xf32> to vector<16xf32>
        %parallel_loop3A_563 = vector.shape_cast %parallel_loop3A_556 : vector<16xf32> to vector<1x1x16xf32>
        tpu.vector_store %arg6[%parallel_loop3A_558, %parallel_loop3A_559, %parallel_loop3A_560], %parallel_loop3A_563 {strides = array<i32>} : memref<5x128x128xf32, #tpu.memory_space<vmem>>, vector<1x1x16xf32>,
        %parallel_loop3A_564 = arith.constant 1 : i32
        %parallel_loop3A_565 = arith.index_cast %parallel_loop3A_564 : i32 to index
        %parallel_loop3A_566 = arith.index_cast %parallel_loop3A_451 : i32 to index
        %parallel_loop3A_567 = arith.constant 112 : index
        %parallel_loop3A_568 = tpu.vector_load %arg6[%parallel_loop3A_565, %parallel_loop3A_566, %parallel_loop3A_567] {strides = array<i32>} : memref<5x128x128xf32, #tpu.memory_space<vmem>>, vector<1x1x16xf32>,
        %parallel_loop3A_569 = vector.shape_cast %parallel_loop3A_568 : vector<1x1x16xf32> to vector<16xf32>
        %parallel_loop3A_570 = arith.constant 11.3137083 : f32
        %parallel_loop3A_571 = vector.broadcast %parallel_loop3A_570 : f32 to vector<16xf32>
        %parallel_loop3A_572 = arith.mulf %parallel_loop3A_569, %parallel_loop3A_571 : vector<16xf32>
        %parallel_loop3A_573 = arith.constant 1 : i32
        %parallel_loop3A_574 = arith.index_cast %parallel_loop3A_573 : i32 to index
        %parallel_loop3A_575 = arith.index_cast %parallel_loop3A_451 : i32 to index
        %parallel_loop3A_576 = arith.constant 112 : index
        %parallel_loop3A_577 = tpu.vector_load %arg6[%parallel_loop3A_574, %parallel_loop3A_575, %parallel_loop3A_576] {strides = array<i32>} : memref<5x128x128xf32, #tpu.memory_space<vmem>>, vector<1x1x16xf32>,
        %parallel_loop3A_578 = vector.shape_cast %parallel_loop3A_577 : vector<1x1x16xf32> to vector<16xf32>
        %parallel_loop3A_579 = vector.shape_cast %parallel_loop3A_572 : vector<16xf32> to vector<1x1x16xf32>
        tpu.vector_store %arg6[%parallel_loop3A_574, %parallel_loop3A_575, %parallel_loop3A_576], %parallel_loop3A_579 {strides = array<i32>} : memref<5x128x128xf32, #tpu.memory_space<vmem>>, vector<1x1x16xf32>,
      } {sc.loop_unroll_factor = 4 : i64, sc.parallel_access}
      %dma_start3A_268 = arith.constant 1 : i32
      %dma_start3A_269 = arith.constant 1 : i32
      %dma_start3A_270 = arith.constant 0 : i32
      %dma_start3A_271 = arith.constant 0 : i32
      %dma_start3A_272 = tpu.memref_slice %arg6[%dma_start3A_268, %dma_start3A_270, %dma_start3A_271] : memref<5x128x128xf32, #tpu.memory_space<vmem>> -> memref<1x128x128xf32, #tpu.memory_space<vmem>>
      %dma_start3A_273 = tpu.memref_squeeze %dma_start3A_272 : memref<1x128x128xf32, #tpu.memory_space<vmem>> -> memref<128x128xf32, #tpu.memory_space<vmem>>
      %dma_start3A_274 = arith.constant 0 : i32
      %dma_start3A_275 = tpu.memref_slice %arg4[%add3A_234, %mul3A_2, %dma_start3A_274] : memref<50x4096x128xf32, #tpu.memory_space<hbm>> -> memref<1x128x128xf32, #tpu.memory_space<hbm>>
      %dma_start3A_276 = tpu.memref_squeeze %dma_start3A_275 : memref<1x128x128xf32, #tpu.memory_space<hbm>> -> memref<128x128xf32, #tpu.memory_space<hbm>>
      %dma_start3A_277 = tpu.memref_slice %arg8[%dma_start3A_269] : memref<5x!tpu.dma_semaphore, #tpu.memory_space<semaphore_mem>> -> memref<1x!tpu.dma_semaphore, #tpu.memory_space<semaphore_mem>>
      %dma_start3A_278 = tpu.memref_squeeze %dma_start3A_277 : memref<1x!tpu.dma_semaphore, #tpu.memory_space<semaphore_mem>> -> memref<!tpu.dma_semaphore, #tpu.memory_space<semaphore_mem>>
      %dma_start3A_279 = arith.constant 0 : i32
      %dma_start3A_280 = tpu.memref_slice %arg4[%add3A_234, %mul3A_2, %dma_start3A_279] : memref<50x4096x128xf32, #tpu.memory_space<hbm>> -> memref<1x128x128xf32, #tpu.memory_space<hbm>>
      %dma_start3A_281 = tpu.memref_squeeze %dma_start3A_280 : memref<1x128x128xf32, #tpu.memory_space<hbm>> -> memref<128x128xf32, #tpu.memory_space<hbm>>
      %dma_start3A_282 = arith.constant 0 : i32
      %dma_start3A_283 = arith.constant 0 : i32
      %dma_start3A_284 = tpu.memref_slice %arg6[%dma_start3A_268, %dma_start3A_282, %dma_start3A_283] : memref<5x128x128xf32, #tpu.memory_space<vmem>> -> memref<1x128x128xf32, #tpu.memory_space<vmem>>
      %dma_start3A_285 = tpu.memref_squeeze %dma_start3A_284 : memref<1x128x128xf32, #tpu.memory_space<vmem>> -> memref<128x128xf32, #tpu.memory_space<vmem>>
      tpu.enqueue_dma source(%dma_start3A_285 : memref<128x128xf32, #tpu.memory_space<vmem>>) target(%dma_start3A_281 : memref<128x128xf32, #tpu.memory_space<hbm>>) target_semaphore(%dma_start3A_278 : memref<!tpu.dma_semaphore, #tpu.memory_space<semaphore_mem>>)
      %mul3A_286 = arith.constant 5 : i32
      %mul3A_287 = arith.muli %scan3A_181, %mul3A_286 : i32
      %add3A_288 = arith.constant 2 : i32
      %add3A_289 = arith.addi %mul3A_287, %add3A_288 : i32
      %dma_wait3A_290 = arith.constant 0 : i32
      %dma_wait3A_291 = arith.constant 2 : i32
      %dma_wait3A_292 = arith.constant 2 : i32
      %dma_wait3A_293 = arith.constant 0 : i32
      %dma_wait3A_294 = arith.constant 0 : i32
      %dma_wait3A_295 = tpu.memref_slice %arg6[%dma_wait3A_291, %dma_wait3A_293, %dma_wait3A_294] : memref<5x128x128xf32, #tpu.memory_space<vmem>> -> memref<1x128x128xf32, #tpu.memory_space<vmem>>
      %dma_wait3A_296 = tpu.memref_squeeze %dma_wait3A_295 : memref<1x128x128xf32, #tpu.memory_space<vmem>> -> memref<128x128xf32, #tpu.memory_space<vmem>>
      %dma_wait3A_297 = arith.constant 0 : i32
      %dma_wait3A_298 = tpu.memref_slice %arg5[%dma_wait3A_290, %dma_wait3A_297] : memref<50x128xi32, #tpu.memory_space<vmem>> -> memref<1x128xi32, #tpu.memory_space<vmem>>
      %dma_wait3A_299 = tpu.memref_squeeze %dma_wait3A_298 : memref<1x128xi32, #tpu.memory_space<vmem>> -> memref<128xi32, #tpu.memory_space<vmem>>
      %dma_wait3A_300 = arith.constant 0 : i32
      %dma_wait3A_301 = arith.constant 0 : i32
      %dma_wait3A_302 = tpu.memref_slice %arg3[%dma_wait3A_300, %dma_wait3A_301] : memref<100000x128xf32, #tpu.memory_space<hbm>> -> memref<100000x128xf32, #tpu.memory_space<hbm>>
      %dma_wait3A_303 = tpu.memref_slice %arg7[%dma_wait3A_292] : memref<5x!tpu.dma_semaphore, #tpu.memory_space<semaphore_mem>> -> memref<1x!tpu.dma_semaphore, #tpu.memory_space<semaphore_mem>>
      %dma_wait3A_304 = tpu.memref_squeeze %dma_wait3A_303 : memref<1x!tpu.dma_semaphore, #tpu.memory_space<semaphore_mem>> -> memref<!tpu.dma_semaphore, #tpu.memory_space<semaphore_mem>>
      tpu.wait_indirect_dma semaphore(%dma_wait3A_304 : memref<!tpu.dma_semaphore, #tpu.memory_space<semaphore_mem>>) src(%dma_wait3A_302 : memref<100000x128xf32, #tpu.memory_space<hbm>>) dst(%dma_wait3A_296 : memref<128x128xf32, #tpu.memory_space<vmem>>)
      %add3A_305 = arith.constant 4 : i32
      %add3A_306 = arith.addi %add3A_289, %add3A_305 : i32
      %lt3A_307 = arith.constant 50 : i32
      %lt3A_308 = arith.cmpi slt, %add3A_306, %lt3A_307 : i32
      %ge3A_309 = arith.constant 1 : i32
      %ge3A_310 = arith.cmpi sge, %add3A_289, %ge3A_309 : i32
      %and3A_311 = arith.andi %lt3A_308, %ge3A_310 : i1
      %convert_element_type3A_312 = arith.extui %and3A_311 : i1 to i32
      %cond3A_313 = arith.constant 0 : i32
      %cond3A_314 = arith.cmpi ne, %convert_element_type3A_312, %cond3A_313 : i32
      scf.if %cond3A_314 {
        %dma_wait3A_451 = arith.constant 1 : i32
        %dma_wait3A_452 = arith.constant 0 : i32
        %dma_wait3A_453 = arith.constant 1 : i32
        %dma_wait3A_454 = arith.constant 0 : i32
        %dma_wait3A_455 = arith.constant 0 : i32
        %dma_wait3A_456 = tpu.memref_slice %arg6[%dma_wait3A_451, %dma_wait3A_454, %dma_wait3A_455] : memref<5x128x128xf32, #tpu.memory_space<vmem>> -> memref<1x128x128xf32, #tpu.memory_space<vmem>>
        %dma_wait3A_457 = tpu.memref_squeeze %dma_wait3A_456 : memref<1x128x128xf32, #tpu.memory_space<vmem>> -> memref<128x128xf32, #tpu.memory_space<vmem>>
        %dma_wait3A_458 = arith.constant 0 : i32
        %dma_wait3A_459 = tpu.memref_slice %arg4[%dma_wait3A_452, %mul3A_2, %dma_wait3A_458] : memref<50x4096x128xf32, #tpu.memory_space<hbm>> -> memref<1x128x128xf32, #tpu.memory_space<hbm>>
        %dma_wait3A_460 = tpu.memref_squeeze %dma_wait3A_459 : memref<1x128x128xf32, #tpu.memory_space<hbm>> -> memref<128x128xf32, #tpu.memory_space<hbm>>
        %dma_wait3A_461 = tpu.memref_slice %arg8[%dma_wait3A_453] : memref<5x!tpu.dma_semaphore, #tpu.memory_space<semaphore_mem>> -> memref<1x!tpu.dma_semaphore, #tpu.memory_space<semaphore_mem>>
        %dma_wait3A_462 = tpu.memref_squeeze %dma_wait3A_461 : memref<1x!tpu.dma_semaphore, #tpu.memory_space<semaphore_mem>> -> memref<!tpu.dma_semaphore, #tpu.memory_space<semaphore_mem>>
        %dma_wait3A_463 = arith.constant 0 : i32
        %dma_wait3A_464 = tpu.memref_slice %arg4[%dma_wait3A_452, %mul3A_2, %dma_wait3A_463] : memref<50x4096x128xf32, #tpu.memory_space<hbm>> -> memref<1x128x128xf32, #tpu.memory_space<hbm>>
        %dma_wait3A_465 = tpu.memref_squeeze %dma_wait3A_464 : memref<1x128x128xf32, #tpu.memory_space<hbm>> -> memref<128x128xf32, #tpu.memory_space<hbm>>
        %dma_wait3A_466 = arith.constant 0 : i32
        %dma_wait3A_467 = arith.constant 0 : i32
        %dma_wait3A_468 = tpu.memref_slice %arg6[%dma_wait3A_451, %dma_wait3A_466, %dma_wait3A_467] : memref<5x128x128xf32, #tpu.memory_space<vmem>> -> memref<1x128x128xf32, #tpu.memory_space<vmem>>
        %dma_wait3A_469 = tpu.memref_squeeze %dma_wait3A_468 : memref<1x128x128xf32, #tpu.memory_space<vmem>> -> memref<128x128xf32, #tpu.memory_space<vmem>>
        tpu.wait_dma2 semaphore(%dma_wait3A_462 : memref<!tpu.dma_semaphore, #tpu.memory_space<semaphore_mem>>) src(%dma_wait3A_469 : memref<128x128xf32, #tpu.memory_space<vmem>>) dst(%dma_wait3A_465 : memref<128x128xf32, #tpu.memory_space<hbm>>)
      } else {
      }
      %lt3A_315 = arith.constant 50 : i32
      %lt3A_316 = arith.cmpi slt, %add3A_306, %lt3A_315 : i32
      %convert_element_type3A_317 = arith.extui %lt3A_316 : i1 to i32
      %cond3A_318 = arith.constant 0 : i32
      %cond3A_319 = arith.cmpi ne, %convert_element_type3A_317, %cond3A_318 : i32
      scf.if %cond3A_319 {
        %dma_start3A_451 = arith.constant 1 : i32
        %dma_start3A_452 = arith.constant 1 : i32
        %dma_start3A_453 = arith.constant 0 : i32
        %dma_start3A_454 = arith.constant 0 : i32
        %dma_start3A_455 = tpu.memref_slice %arg6[%dma_start3A_451, %dma_start3A_453, %dma_start3A_454] : memref<5x128x128xf32, #tpu.memory_space<vmem>> -> memref<1x128x128xf32, #tpu.memory_space<vmem>>
        %dma_start3A_456 = tpu.memref_squeeze %dma_start3A_455 : memref<1x128x128xf32, #tpu.memory_space<vmem>> -> memref<128x128xf32, #tpu.memory_space<vmem>>
        %dma_start3A_457 = arith.constant 0 : i32
        %dma_start3A_458 = tpu.memref_slice %arg5[%add3A_306, %dma_start3A_457] : memref<50x128xi32, #tpu.memory_space<vmem>> -> memref<1x128xi32, #tpu.memory_space<vmem>>
        %dma_start3A_459 = tpu.memref_squeeze %dma_start3A_458 : memref<1x128xi32, #tpu.memory_space<vmem>> -> memref<128xi32, #tpu.memory_space<vmem>>
        %dma_start3A_460 = arith.constant 0 : i32
        %dma_start3A_461 = arith.constant 0 : i32
        %dma_start3A_462 = tpu.memref_slice %arg3[%dma_start3A_460, %dma_start3A_461] : memref<100000x128xf32, #tpu.memory_space<hbm>> -> memref<100000x128xf32, #tpu.memory_space<hbm>>
        %dma_start3A_463 = tpu.memref_slice %arg7[%dma_start3A_452] : memref<5x!tpu.dma_semaphore, #tpu.memory_space<semaphore_mem>> -> memref<1x!tpu.dma_semaphore, #tpu.memory_space<semaphore_mem>>
        %dma_start3A_464 = tpu.memref_squeeze %dma_start3A_463 : memref<1x!tpu.dma_semaphore, #tpu.memory_space<semaphore_mem>> -> memref<!tpu.dma_semaphore, #tpu.memory_space<semaphore_mem>>
        tpu.enqueue_indirect_dma source(%dma_start3A_462 : memref<100000x128xf32, #tpu.memory_space<hbm>>) target(%dma_start3A_456 : memref<128x128xf32, #tpu.memory_space<vmem>>) offsets(%dma_start3A_459 : memref<128xi32, #tpu.memory_space<vmem>>) semaphore(%dma_start3A_464 : memref<!tpu.dma_semaphore, #tpu.memory_space<semaphore_mem>>)
      } else {
      }
      %parallel_loop3A_320 = arith.constant 0 : i32
      %parallel_loop3A_321 = arith.constant 128 : i32
      %parallel_loop3A_322 = arith.constant 1 : i32
      scf.for %parallel_loop3A_451 = %parallel_loop3A_320 to %parallel_loop3A_321 step %parallel_loop3A_322  : i32 {
        %parallel_loop3A_452 = arith.constant 2 : i32
        %parallel_loop3A_453 = arith.index_cast %parallel_loop3A_452 : i32 to index
        %parallel_loop3A_454 = arith.index_cast %parallel_loop3A_451 : i32 to index
        %parallel_loop3A_455 = arith.constant 0 : index
        %parallel_loop3A_456 = tpu.vector_load %arg6[%parallel_loop3A_453, %parallel_loop3A_454, %parallel_loop3A_455] {strides = array<i32>} : memref<5x128x128xf32, #tpu.memory_space<vmem>>, vector<1x1x16xf32>,
        %parallel_loop3A_457 = vector.shape_cast %parallel_loop3A_456 : vector<1x1x16xf32> to vector<16xf32>
        %parallel_loop3A_458 = arith.constant 11.3137083 : f32
        %parallel_loop3A_459 = vector.broadcast %parallel_loop3A_458 : f32 to vector<16xf32>
        %parallel_loop3A_460 = arith.mulf %parallel_loop3A_457, %parallel_loop3A_459 : vector<16xf32>
        %parallel_loop3A_461 = arith.constant 2 : i32
        %parallel_loop3A_462 = arith.index_cast %parallel_loop3A_461 : i32 to index
        %parallel_loop3A_463 = arith.index_cast %parallel_loop3A_451 : i32 to index
        %parallel_loop3A_464 = arith.constant 0 : index
        %parallel_loop3A_465 = tpu.vector_load %arg6[%parallel_loop3A_462, %parallel_loop3A_463, %parallel_loop3A_464] {strides = array<i32>} : memref<5x128x128xf32, #tpu.memory_space<vmem>>, vector<1x1x16xf32>,
        %parallel_loop3A_466 = vector.shape_cast %parallel_loop3A_465 : vector<1x1x16xf32> to vector<16xf32>
        %parallel_loop3A_467 = vector.shape_cast %parallel_loop3A_460 : vector<16xf32> to vector<1x1x16xf32>
        tpu.vector_store %arg6[%parallel_loop3A_462, %parallel_loop3A_463, %parallel_loop3A_464], %parallel_loop3A_467 {strides = array<i32>} : memref<5x128x128xf32, #tpu.memory_space<vmem>>, vector<1x1x16xf32>,
        %parallel_loop3A_468 = arith.constant 2 : i32
        %parallel_loop3A_469 = arith.index_cast %parallel_loop3A_468 : i32 to index
        %parallel_loop3A_470 = arith.index_cast %parallel_loop3A_451 : i32 to index
        %parallel_loop3A_471 = arith.constant 16 : index
        %parallel_loop3A_472 = tpu.vector_load %arg6[%parallel_loop3A_469, %parallel_loop3A_470, %parallel_loop3A_471] {strides = array<i32>} : memref<5x128x128xf32, #tpu.memory_space<vmem>>, vector<1x1x16xf32>,
        %parallel_loop3A_473 = vector.shape_cast %parallel_loop3A_472 : vector<1x1x16xf32> to vector<16xf32>
        %parallel_loop3A_474 = arith.constant 11.3137083 : f32
        %parallel_loop3A_475 = vector.broadcast %parallel_loop3A_474 : f32 to vector<16xf32>
        %parallel_loop3A_476 = arith.mulf %parallel_loop3A_473, %parallel_loop3A_475 : vector<16xf32>
        %parallel_loop3A_477 = arith.constant 2 : i32
        %parallel_loop3A_478 = arith.index_cast %parallel_loop3A_477 : i32 to index
        %parallel_loop3A_479 = arith.index_cast %parallel_loop3A_451 : i32 to index
        %parallel_loop3A_480 = arith.constant 16 : index
        %parallel_loop3A_481 = tpu.vector_load %arg6[%parallel_loop3A_478, %parallel_loop3A_479, %parallel_loop3A_480] {strides = array<i32>} : memref<5x128x128xf32, #tpu.memory_space<vmem>>, vector<1x1x16xf32>,
        %parallel_loop3A_482 = vector.shape_cast %parallel_loop3A_481 : vector<1x1x16xf32> to vector<16xf32>
        %parallel_loop3A_483 = vector.shape_cast %parallel_loop3A_476 : vector<16xf32> to vector<1x1x16xf32>
        tpu.vector_store %arg6[%parallel_loop3A_478, %parallel_loop3A_479, %parallel_loop3A_480], %parallel_loop3A_483 {strides = array<i32>} : memref<5x128x128xf32, #tpu.memory_space<vmem>>, vector<1x1x16xf32>,
        %parallel_loop3A_484 = arith.constant 2 : i32
        %parallel_loop3A_485 = arith.index_cast %parallel_loop3A_484 : i32 to index
        %parallel_loop3A_486 = arith.index_cast %parallel_loop3A_451 : i32 to index
        %parallel_loop3A_487 = arith.constant 32 : index
        %parallel_loop3A_488 = tpu.vector_load %arg6[%parallel_loop3A_485, %parallel_loop3A_486, %parallel_loop3A_487] {strides = array<i32>} : memref<5x128x128xf32, #tpu.memory_space<vmem>>, vector<1x1x16xf32>,
        %parallel_loop3A_489 = vector.shape_cast %parallel_loop3A_488 : vector<1x1x16xf32> to vector<16xf32>
        %parallel_loop3A_490 = arith.constant 11.3137083 : f32
        %parallel_loop3A_491 = vector.broadcast %parallel_loop3A_490 : f32 to vector<16xf32>
        %parallel_loop3A_492 = arith.mulf %parallel_loop3A_489, %parallel_loop3A_491 : vector<16xf32>
        %parallel_loop3A_493 = arith.constant 2 : i32
        %parallel_loop3A_494 = arith.index_cast %parallel_loop3A_493 : i32 to index
        %parallel_loop3A_495 = arith.index_cast %parallel_loop3A_451 : i32 to index
        %parallel_loop3A_496 = arith.constant 32 : index
        %parallel_loop3A_497 = tpu.vector_load %arg6[%parallel_loop3A_494, %parallel_loop3A_495, %parallel_loop3A_496] {strides = array<i32>} : memref<5x128x128xf32, #tpu.memory_space<vmem>>, vector<1x1x16xf32>,
        %parallel_loop3A_498 = vector.shape_cast %parallel_loop3A_497 : vector<1x1x16xf32> to vector<16xf32>
        %parallel_loop3A_499 = vector.shape_cast %parallel_loop3A_492 : vector<16xf32> to vector<1x1x16xf32>
        tpu.vector_store %arg6[%parallel_loop3A_494, %parallel_loop3A_495, %parallel_loop3A_496], %parallel_loop3A_499 {strides = array<i32>} : memref<5x128x128xf32, #tpu.memory_space<vmem>>, vector<1x1x16xf32>,
        %parallel_loop3A_500 = arith.constant 2 : i32
        %parallel_loop3A_501 = arith.index_cast %parallel_loop3A_500 : i32 to index
        %parallel_loop3A_502 = arith.index_cast %parallel_loop3A_451 : i32 to index
        %parallel_loop3A_503 = arith.constant 48 : index
        %parallel_loop3A_504 = tpu.vector_load %arg6[%parallel_loop3A_501, %parallel_loop3A_502, %parallel_loop3A_503] {strides = array<i32>} : memref<5x128x128xf32, #tpu.memory_space<vmem>>, vector<1x1x16xf32>,
        %parallel_loop3A_505 = vector.shape_cast %parallel_loop3A_504 : vector<1x1x16xf32> to vector<16xf32>
        %parallel_loop3A_506 = arith.constant 11.3137083 : f32
        %parallel_loop3A_507 = vector.broadcast %parallel_loop3A_506 : f32 to vector<16xf32>
        %parallel_loop3A_508 = arith.mulf %parallel_loop3A_505, %parallel_loop3A_507 : vector<16xf32>
        %parallel_loop3A_509 = arith.constant 2 : i32
        %parallel_loop3A_510 = arith.index_cast %parallel_loop3A_509 : i32 to index
        %parallel_loop3A_511 = arith.index_cast %parallel_loop3A_451 : i32 to index
        %parallel_loop3A_512 = arith.constant 48 : index
        %parallel_loop3A_513 = tpu.vector_load %arg6[%parallel_loop3A_510, %parallel_loop3A_511, %parallel_loop3A_512] {strides = array<i32>} : memref<5x128x128xf32, #tpu.memory_space<vmem>>, vector<1x1x16xf32>,
        %parallel_loop3A_514 = vector.shape_cast %parallel_loop3A_513 : vector<1x1x16xf32> to vector<16xf32>
        %parallel_loop3A_515 = vector.shape_cast %parallel_loop3A_508 : vector<16xf32> to vector<1x1x16xf32>
        tpu.vector_store %arg6[%parallel_loop3A_510, %parallel_loop3A_511, %parallel_loop3A_512], %parallel_loop3A_515 {strides = array<i32>} : memref<5x128x128xf32, #tpu.memory_space<vmem>>, vector<1x1x16xf32>,
        %parallel_loop3A_516 = arith.constant 2 : i32
        %parallel_loop3A_517 = arith.index_cast %parallel_loop3A_516 : i32 to index
        %parallel_loop3A_518 = arith.index_cast %parallel_loop3A_451 : i32 to index
        %parallel_loop3A_519 = arith.constant 64 : index
        %parallel_loop3A_520 = tpu.vector_load %arg6[%parallel_loop3A_517, %parallel_loop3A_518, %parallel_loop3A_519] {strides = array<i32>} : memref<5x128x128xf32, #tpu.memory_space<vmem>>, vector<1x1x16xf32>,
        %parallel_loop3A_521 = vector.shape_cast %parallel_loop3A_520 : vector<1x1x16xf32> to vector<16xf32>
        %parallel_loop3A_522 = arith.constant 11.3137083 : f32
        %parallel_loop3A_523 = vector.broadcast %parallel_loop3A_522 : f32 to vector<16xf32>
        %parallel_loop3A_524 = arith.mulf %parallel_loop3A_521, %parallel_loop3A_523 : vector<16xf32>
        %parallel_loop3A_525 = arith.constant 2 : i32
        %parallel_loop3A_526 = arith.index_cast %parallel_loop3A_525 : i32 to index
        %parallel_loop3A_527 = arith.index_cast %parallel_loop3A_451 : i32 to index
        %parallel_loop3A_528 = arith.constant 64 : index
        %parallel_loop3A_529 = tpu.vector_load %arg6[%parallel_loop3A_526, %parallel_loop3A_527, %parallel_loop3A_528] {strides = array<i32>} : memref<5x128x128xf32, #tpu.memory_space<vmem>>, vector<1x1x16xf32>,
        %parallel_loop3A_530 = vector.shape_cast %parallel_loop3A_529 : vector<1x1x16xf32> to vector<16xf32>
        %parallel_loop3A_531 = vector.shape_cast %parallel_loop3A_524 : vector<16xf32> to vector<1x1x16xf32>
        tpu.vector_store %arg6[%parallel_loop3A_526, %parallel_loop3A_527, %parallel_loop3A_528], %parallel_loop3A_531 {strides = array<i32>} : memref<5x128x128xf32, #tpu.memory_space<vmem>>, vector<1x1x16xf32>,
        %parallel_loop3A_532 = arith.constant 2 : i32
        %parallel_loop3A_533 = arith.index_cast %parallel_loop3A_532 : i32 to index
        %parallel_loop3A_534 = arith.index_cast %parallel_loop3A_451 : i32 to index
        %parallel_loop3A_535 = arith.constant 80 : index
        %parallel_loop3A_536 = tpu.vector_load %arg6[%parallel_loop3A_533, %parallel_loop3A_534, %parallel_loop3A_535] {strides = array<i32>} : memref<5x128x128xf32, #tpu.memory_space<vmem>>, vector<1x1x16xf32>,
        %parallel_loop3A_537 = vector.shape_cast %parallel_loop3A_536 : vector<1x1x16xf32> to vector<16xf32>
        %parallel_loop3A_538 = arith.constant 11.3137083 : f32
        %parallel_loop3A_539 = vector.broadcast %parallel_loop3A_538 : f32 to vector<16xf32>
        %parallel_loop3A_540 = arith.mulf %parallel_loop3A_537, %parallel_loop3A_539 : vector<16xf32>
        %parallel_loop3A_541 = arith.constant 2 : i32
        %parallel_loop3A_542 = arith.index_cast %parallel_loop3A_541 : i32 to index
        %parallel_loop3A_543 = arith.index_cast %parallel_loop3A_451 : i32 to index
        %parallel_loop3A_544 = arith.constant 80 : index
        %parallel_loop3A_545 = tpu.vector_load %arg6[%parallel_loop3A_542, %parallel_loop3A_543, %parallel_loop3A_544] {strides = array<i32>} : memref<5x128x128xf32, #tpu.memory_space<vmem>>, vector<1x1x16xf32>,
        %parallel_loop3A_546 = vector.shape_cast %parallel_loop3A_545 : vector<1x1x16xf32> to vector<16xf32>
        %parallel_loop3A_547 = vector.shape_cast %parallel_loop3A_540 : vector<16xf32> to vector<1x1x16xf32>
        tpu.vector_store %arg6[%parallel_loop3A_542, %parallel_loop3A_543, %parallel_loop3A_544], %parallel_loop3A_547 {strides = array<i32>} : memref<5x128x128xf32, #tpu.memory_space<vmem>>, vector<1x1x16xf32>,
        %parallel_loop3A_548 = arith.constant 2 : i32
        %parallel_loop3A_549 = arith.index_cast %parallel_loop3A_548 : i32 to index
        %parallel_loop3A_550 = arith.index_cast %parallel_loop3A_451 : i32 to index
        %parallel_loop3A_551 = arith.constant 96 : index
        %parallel_loop3A_552 = tpu.vector_load %arg6[%parallel_loop3A_549, %parallel_loop3A_550, %parallel_loop3A_551] {strides = array<i32>} : memref<5x128x128xf32, #tpu.memory_space<vmem>>, vector<1x1x16xf32>,
        %parallel_loop3A_553 = vector.shape_cast %parallel_loop3A_552 : vector<1x1x16xf32> to vector<16xf32>
        %parallel_loop3A_554 = arith.constant 11.3137083 : f32
        %parallel_loop3A_555 = vector.broadcast %parallel_loop3A_554 : f32 to vector<16xf32>
        %parallel_loop3A_556 = arith.mulf %parallel_loop3A_553, %parallel_loop3A_555 : vector<16xf32>
        %parallel_loop3A_557 = arith.constant 2 : i32
        %parallel_loop3A_558 = arith.index_cast %parallel_loop3A_557 : i32 to index
        %parallel_loop3A_559 = arith.index_cast %parallel_loop3A_451 : i32 to index
        %parallel_loop3A_560 = arith.constant 96 : index
        %parallel_loop3A_561 = tpu.vector_load %arg6[%parallel_loop3A_558, %parallel_loop3A_559, %parallel_loop3A_560] {strides = array<i32>} : memref<5x128x128xf32, #tpu.memory_space<vmem>>, vector<1x1x16xf32>,
        %parallel_loop3A_562 = vector.shape_cast %parallel_loop3A_561 : vector<1x1x16xf32> to vector<16xf32>
        %parallel_loop3A_563 = vector.shape_cast %parallel_loop3A_556 : vector<16xf32> to vector<1x1x16xf32>
        tpu.vector_store %arg6[%parallel_loop3A_558, %parallel_loop3A_559, %parallel_loop3A_560], %parallel_loop3A_563 {strides = array<i32>} : memref<5x128x128xf32, #tpu.memory_space<vmem>>, vector<1x1x16xf32>,
        %parallel_loop3A_564 = arith.constant 2 : i32
        %parallel_loop3A_565 = arith.index_cast %parallel_loop3A_564 : i32 to index
        %parallel_loop3A_566 = arith.index_cast %parallel_loop3A_451 : i32 to index
        %parallel_loop3A_567 = arith.constant 112 : index
        %parallel_loop3A_568 = tpu.vector_load %arg6[%parallel_loop3A_565, %parallel_loop3A_566, %parallel_loop3A_567] {strides = array<i32>} : memref<5x128x128xf32, #tpu.memory_space<vmem>>, vector<1x1x16xf32>,
        %parallel_loop3A_569 = vector.shape_cast %parallel_loop3A_568 : vector<1x1x16xf32> to vector<16xf32>
        %parallel_loop3A_570 = arith.constant 11.3137083 : f32
        %parallel_loop3A_571 = vector.broadcast %parallel_loop3A_570 : f32 to vector<16xf32>
        %parallel_loop3A_572 = arith.mulf %parallel_loop3A_569, %parallel_loop3A_571 : vector<16xf32>
        %parallel_loop3A_573 = arith.constant 2 : i32
        %parallel_loop3A_574 = arith.index_cast %parallel_loop3A_573 : i32 to index
        %parallel_loop3A_575 = arith.index_cast %parallel_loop3A_451 : i32 to index
        %parallel_loop3A_576 = arith.constant 112 : index
        %parallel_loop3A_577 = tpu.vector_load %arg6[%parallel_loop3A_574, %parallel_loop3A_575, %parallel_loop3A_576] {strides = array<i32>} : memref<5x128x128xf32, #tpu.memory_space<vmem>>, vector<1x1x16xf32>,
        %parallel_loop3A_578 = vector.shape_cast %parallel_loop3A_577 : vector<1x1x16xf32> to vector<16xf32>
        %parallel_loop3A_579 = vector.shape_cast %parallel_loop3A_572 : vector<16xf32> to vector<1x1x16xf32>
        tpu.vector_store %arg6[%parallel_loop3A_574, %parallel_loop3A_575, %parallel_loop3A_576], %parallel_loop3A_579 {strides = array<i32>} : memref<5x128x128xf32, #tpu.memory_space<vmem>>, vector<1x1x16xf32>,
      } {sc.loop_unroll_factor = 4 : i64, sc.parallel_access}
      %dma_start3A_323 = arith.constant 2 : i32
      %dma_start3A_324 = arith.constant 2 : i32
      %dma_start3A_325 = arith.constant 0 : i32
      %dma_start3A_326 = arith.constant 0 : i32
      %dma_start3A_327 = tpu.memref_slice %arg6[%dma_start3A_323, %dma_start3A_325, %dma_start3A_326] : memref<5x128x128xf32, #tpu.memory_space<vmem>> -> memref<1x128x128xf32, #tpu.memory_space<vmem>>
      %dma_start3A_328 = tpu.memref_squeeze %dma_start3A_327 : memref<1x128x128xf32, #tpu.memory_space<vmem>> -> memref<128x128xf32, #tpu.memory_space<vmem>>
      %dma_start3A_329 = arith.constant 0 : i32
      %dma_start3A_330 = tpu.memref_slice %arg4[%add3A_289, %mul3A_2, %dma_start3A_329] : memref<50x4096x128xf32, #tpu.memory_space<hbm>> -> memref<1x128x128xf32, #tpu.memory_space<hbm>>
      %dma_start3A_331 = tpu.memref_squeeze %dma_start3A_330 : memref<1x128x128xf32, #tpu.memory_space<hbm>> -> memref<128x128xf32, #tpu.memory_space<hbm>>
      %dma_start3A_332 = tpu.memref_slice %arg8[%dma_start3A_324] : memref<5x!tpu.dma_semaphore, #tpu.memory_space<semaphore_mem>> -> memref<1x!tpu.dma_semaphore, #tpu.memory_space<semaphore_mem>>
      %dma_start3A_333 = tpu.memref_squeeze %dma_start3A_332 : memref<1x!tpu.dma_semaphore, #tpu.memory_space<semaphore_mem>> -> memref<!tpu.dma_semaphore, #tpu.memory_space<semaphore_mem>>
      %dma_start3A_334 = arith.constant 0 : i32
      %dma_start3A_335 = tpu.memref_slice %arg4[%add3A_289, %mul3A_2, %dma_start3A_334] : memref<50x4096x128xf32, #tpu.memory_space<hbm>> -> memref<1x128x128xf32, #tpu.memory_space<hbm>>
      %dma_start3A_336 = tpu.memref_squeeze %dma_start3A_335 : memref<1x128x128xf32, #tpu.memory_space<hbm>> -> memref<128x128xf32, #tpu.memory_space<hbm>>
      %dma_start3A_337 = arith.constant 0 : i32
      %dma_start3A_338 = arith.constant 0 : i32
      %dma_start3A_339 = tpu.memref_slice %arg6[%dma_start3A_323, %dma_start3A_337, %dma_start3A_338] : memref<5x128x128xf32, #tpu.memory_space<vmem>> -> memref<1x128x128xf32, #tpu.memory_space<vmem>>
      %dma_start3A_340 = tpu.memref_squeeze %dma_start3A_339 : memref<1x128x128xf32, #tpu.memory_space<vmem>> -> memref<128x128xf32, #tpu.memory_space<vmem>>
      tpu.enqueue_dma source(%dma_start3A_340 : memref<128x128xf32, #tpu.memory_space<vmem>>) target(%dma_start3A_336 : memref<128x128xf32, #tpu.memory_space<hbm>>) target_semaphore(%dma_start3A_333 : memref<!tpu.dma_semaphore, #tpu.memory_space<semaphore_mem>>)
      %mul3A_341 = arith.constant 5 : i32
      %mul3A_342 = arith.muli %scan3A_181, %mul3A_341 : i32
      %add3A_343 = arith.constant 3 : i32
      %add3A_344 = arith.addi %mul3A_342, %add3A_343 : i32
      %dma_wait3A_345 = arith.constant 0 : i32
      %dma_wait3A_346 = arith.constant 3 : i32
      %dma_wait3A_347 = arith.constant 3 : i32
      %dma_wait3A_348 = arith.constant 0 : i32
      %dma_wait3A_349 = arith.constant 0 : i32
      %dma_wait3A_350 = tpu.memref_slice %arg6[%dma_wait3A_346, %dma_wait3A_348, %dma_wait3A_349] : memref<5x128x128xf32, #tpu.memory_space<vmem>> -> memref<1x128x128xf32, #tpu.memory_space<vmem>>
      %dma_wait3A_351 = tpu.memref_squeeze %dma_wait3A_350 : memref<1x128x128xf32, #tpu.memory_space<vmem>> -> memref<128x128xf32, #tpu.memory_space<vmem>>
      %dma_wait3A_352 = arith.constant 0 : i32
      %dma_wait3A_353 = tpu.memref_slice %arg5[%dma_wait3A_345, %dma_wait3A_352] : memref<50x128xi32, #tpu.memory_space<vmem>> -> memref<1x128xi32, #tpu.memory_space<vmem>>
      %dma_wait3A_354 = tpu.memref_squeeze %dma_wait3A_353 : memref<1x128xi32, #tpu.memory_space<vmem>> -> memref<128xi32, #tpu.memory_space<vmem>>
      %dma_wait3A_355 = arith.constant 0 : i32
      %dma_wait3A_356 = arith.constant 0 : i32
      %dma_wait3A_357 = tpu.memref_slice %arg3[%dma_wait3A_355, %dma_wait3A_356] : memref<100000x128xf32, #tpu.memory_space<hbm>> -> memref<100000x128xf32, #tpu.memory_space<hbm>>
      %dma_wait3A_358 = tpu.memref_slice %arg7[%dma_wait3A_347] : memref<5x!tpu.dma_semaphore, #tpu.memory_space<semaphore_mem>> -> memref<1x!tpu.dma_semaphore, #tpu.memory_space<semaphore_mem>>
      %dma_wait3A_359 = tpu.memref_squeeze %dma_wait3A_358 : memref<1x!tpu.dma_semaphore, #tpu.memory_space<semaphore_mem>> -> memref<!tpu.dma_semaphore, #tpu.memory_space<semaphore_mem>>
      tpu.wait_indirect_dma semaphore(%dma_wait3A_359 : memref<!tpu.dma_semaphore, #tpu.memory_space<semaphore_mem>>) src(%dma_wait3A_357 : memref<100000x128xf32, #tpu.memory_space<hbm>>) dst(%dma_wait3A_351 : memref<128x128xf32, #tpu.memory_space<vmem>>)
      %add3A_360 = arith.constant 4 : i32
      %add3A_361 = arith.addi %add3A_344, %add3A_360 : i32
      %lt3A_362 = arith.constant 50 : i32
      %lt3A_363 = arith.cmpi slt, %add3A_361, %lt3A_362 : i32
      %ge3A_364 = arith.constant 1 : i32
      %ge3A_365 = arith.cmpi sge, %add3A_344, %ge3A_364 : i32
      %and3A_366 = arith.andi %lt3A_363, %ge3A_365 : i1
      %convert_element_type3A_367 = arith.extui %and3A_366 : i1 to i32
      %cond3A_368 = arith.constant 0 : i32
      %cond3A_369 = arith.cmpi ne, %convert_element_type3A_367, %cond3A_368 : i32
      scf.if %cond3A_369 {
        %dma_wait3A_451 = arith.constant 2 : i32
        %dma_wait3A_452 = arith.constant 0 : i32
        %dma_wait3A_453 = arith.constant 2 : i32
        %dma_wait3A_454 = arith.constant 0 : i32
        %dma_wait3A_455 = arith.constant 0 : i32
        %dma_wait3A_456 = tpu.memref_slice %arg6[%dma_wait3A_451, %dma_wait3A_454, %dma_wait3A_455] : memref<5x128x128xf32, #tpu.memory_space<vmem>> -> memref<1x128x128xf32, #tpu.memory_space<vmem>>
        %dma_wait3A_457 = tpu.memref_squeeze %dma_wait3A_456 : memref<1x128x128xf32, #tpu.memory_space<vmem>> -> memref<128x128xf32, #tpu.memory_space<vmem>>
        %dma_wait3A_458 = arith.constant 0 : i32
        %dma_wait3A_459 = tpu.memref_slice %arg4[%dma_wait3A_452, %mul3A_2, %dma_wait3A_458] : memref<50x4096x128xf32, #tpu.memory_space<hbm>> -> memref<1x128x128xf32, #tpu.memory_space<hbm>>
        %dma_wait3A_460 = tpu.memref_squeeze %dma_wait3A_459 : memref<1x128x128xf32, #tpu.memory_space<hbm>> -> memref<128x128xf32, #tpu.memory_space<hbm>>
        %dma_wait3A_461 = tpu.memref_slice %arg8[%dma_wait3A_453] : memref<5x!tpu.dma_semaphore, #tpu.memory_space<semaphore_mem>> -> memref<1x!tpu.dma_semaphore, #tpu.memory_space<semaphore_mem>>
        %dma_wait3A_462 = tpu.memref_squeeze %dma_wait3A_461 : memref<1x!tpu.dma_semaphore, #tpu.memory_space<semaphore_mem>> -> memref<!tpu.dma_semaphore, #tpu.memory_space<semaphore_mem>>
        %dma_wait3A_463 = arith.constant 0 : i32
        %dma_wait3A_464 = tpu.memref_slice %arg4[%dma_wait3A_452, %mul3A_2, %dma_wait3A_463] : memref<50x4096x128xf32, #tpu.memory_space<hbm>> -> memref<1x128x128xf32, #tpu.memory_space<hbm>>
        %dma_wait3A_465 = tpu.memref_squeeze %dma_wait3A_464 : memref<1x128x128xf32, #tpu.memory_space<hbm>> -> memref<128x128xf32, #tpu.memory_space<hbm>>
        %dma_wait3A_466 = arith.constant 0 : i32
        %dma_wait3A_467 = arith.constant 0 : i32
        %dma_wait3A_468 = tpu.memref_slice %arg6[%dma_wait3A_451, %dma_wait3A_466, %dma_wait3A_467] : memref<5x128x128xf32, #tpu.memory_space<vmem>> -> memref<1x128x128xf32, #tpu.memory_space<vmem>>
        %dma_wait3A_469 = tpu.memref_squeeze %dma_wait3A_468 : memref<1x128x128xf32, #tpu.memory_space<vmem>> -> memref<128x128xf32, #tpu.memory_space<vmem>>
        tpu.wait_dma2 semaphore(%dma_wait3A_462 : memref<!tpu.dma_semaphore, #tpu.memory_space<semaphore_mem>>) src(%dma_wait3A_469 : memref<128x128xf32, #tpu.memory_space<vmem>>) dst(%dma_wait3A_465 : memref<128x128xf32, #tpu.memory_space<hbm>>)
      } else {
      }
      %lt3A_370 = arith.constant 50 : i32
      %lt3A_371 = arith.cmpi slt, %add3A_361, %lt3A_370 : i32
      %convert_element_type3A_372 = arith.extui %lt3A_371 : i1 to i32
      %cond3A_373 = arith.constant 0 : i32
      %cond3A_374 = arith.cmpi ne, %convert_element_type3A_372, %cond3A_373 : i32
      scf.if %cond3A_374 {
        %dma_start3A_451 = arith.constant 2 : i32
        %dma_start3A_452 = arith.constant 2 : i32
        %dma_start3A_453 = arith.constant 0 : i32
        %dma_start3A_454 = arith.constant 0 : i32
        %dma_start3A_455 = tpu.memref_slice %arg6[%dma_start3A_451, %dma_start3A_453, %dma_start3A_454] : memref<5x128x128xf32, #tpu.memory_space<vmem>> -> memref<1x128x128xf32, #tpu.memory_space<vmem>>
        %dma_start3A_456 = tpu.memref_squeeze %dma_start3A_455 : memref<1x128x128xf32, #tpu.memory_space<vmem>> -> memref<128x128xf32, #tpu.memory_space<vmem>>
        %dma_start3A_457 = arith.constant 0 : i32
        %dma_start3A_458 = tpu.memref_slice %arg5[%add3A_361, %dma_start3A_457] : memref<50x128xi32, #tpu.memory_space<vmem>> -> memref<1x128xi32, #tpu.memory_space<vmem>>
        %dma_start3A_459 = tpu.memref_squeeze %dma_start3A_458 : memref<1x128xi32, #tpu.memory_space<vmem>> -> memref<128xi32, #tpu.memory_space<vmem>>
        %dma_start3A_460 = arith.constant 0 : i32
        %dma_start3A_461 = arith.constant 0 : i32
        %dma_start3A_462 = tpu.memref_slice %arg3[%dma_start3A_460, %dma_start3A_461] : memref<100000x128xf32, #tpu.memory_space<hbm>> -> memref<100000x128xf32, #tpu.memory_space<hbm>>
        %dma_start3A_463 = tpu.memref_slice %arg7[%dma_start3A_452] : memref<5x!tpu.dma_semaphore, #tpu.memory_space<semaphore_mem>> -> memref<1x!tpu.dma_semaphore, #tpu.memory_space<semaphore_mem>>
        %dma_start3A_464 = tpu.memref_squeeze %dma_start3A_463 : memref<1x!tpu.dma_semaphore, #tpu.memory_space<semaphore_mem>> -> memref<!tpu.dma_semaphore, #tpu.memory_space<semaphore_mem>>
        tpu.enqueue_indirect_dma source(%dma_start3A_462 : memref<100000x128xf32, #tpu.memory_space<hbm>>) target(%dma_start3A_456 : memref<128x128xf32, #tpu.memory_space<vmem>>) offsets(%dma_start3A_459 : memref<128xi32, #tpu.memory_space<vmem>>) semaphore(%dma_start3A_464 : memref<!tpu.dma_semaphore, #tpu.memory_space<semaphore_mem>>)
      } else {
      }
      %parallel_loop3A_375 = arith.constant 0 : i32
      %parallel_loop3A_376 = arith.constant 128 : i32
      %parallel_loop3A_377 = arith.constant 1 : i32
      scf.for %parallel_loop3A_451 = %parallel_loop3A_375 to %parallel_loop3A_376 step %parallel_loop3A_377  : i32 {
        %parallel_loop3A_452 = arith.constant 3 : i32
        %parallel_loop3A_453 = arith.index_cast %parallel_loop3A_452 : i32 to index
        %parallel_loop3A_454 = arith.index_cast %parallel_loop3A_451 : i32 to index
        %parallel_loop3A_455 = arith.constant 0 : index
        %parallel_loop3A_456 = tpu.vector_load %arg6[%parallel_loop3A_453, %parallel_loop3A_454, %parallel_loop3A_455] {strides = array<i32>} : memref<5x128x128xf32, #tpu.memory_space<vmem>>, vector<1x1x16xf32>,
        %parallel_loop3A_457 = vector.shape_cast %parallel_loop3A_456 : vector<1x1x16xf32> to vector<16xf32>
        %parallel_loop3A_458 = arith.constant 11.3137083 : f32
        %parallel_loop3A_459 = vector.broadcast %parallel_loop3A_458 : f32 to vector<16xf32>
        %parallel_loop3A_460 = arith.mulf %parallel_loop3A_457, %parallel_loop3A_459 : vector<16xf32>
        %parallel_loop3A_461 = arith.constant 3 : i32
        %parallel_loop3A_462 = arith.index_cast %parallel_loop3A_461 : i32 to index
        %parallel_loop3A_463 = arith.index_cast %parallel_loop3A_451 : i32 to index
        %parallel_loop3A_464 = arith.constant 0 : index
        %parallel_loop3A_465 = tpu.vector_load %arg6[%parallel_loop3A_462, %parallel_loop3A_463, %parallel_loop3A_464] {strides = array<i32>} : memref<5x128x128xf32, #tpu.memory_space<vmem>>, vector<1x1x16xf32>,
        %parallel_loop3A_466 = vector.shape_cast %parallel_loop3A_465 : vector<1x1x16xf32> to vector<16xf32>
        %parallel_loop3A_467 = vector.shape_cast %parallel_loop3A_460 : vector<16xf32> to vector<1x1x16xf32>
        tpu.vector_store %arg6[%parallel_loop3A_462, %parallel_loop3A_463, %parallel_loop3A_464], %parallel_loop3A_467 {strides = array<i32>} : memref<5x128x128xf32, #tpu.memory_space<vmem>>, vector<1x1x16xf32>,
        %parallel_loop3A_468 = arith.constant 3 : i32
        %parallel_loop3A_469 = arith.index_cast %parallel_loop3A_468 : i32 to index
        %parallel_loop3A_470 = arith.index_cast %parallel_loop3A_451 : i32 to index
        %parallel_loop3A_471 = arith.constant 16 : index
        %parallel_loop3A_472 = tpu.vector_load %arg6[%parallel_loop3A_469, %parallel_loop3A_470, %parallel_loop3A_471] {strides = array<i32>} : memref<5x128x128xf32, #tpu.memory_space<vmem>>, vector<1x1x16xf32>,
        %parallel_loop3A_473 = vector.shape_cast %parallel_loop3A_472 : vector<1x1x16xf32> to vector<16xf32>
        %parallel_loop3A_474 = arith.constant 11.3137083 : f32
        %parallel_loop3A_475 = vector.broadcast %parallel_loop3A_474 : f32 to vector<16xf32>
        %parallel_loop3A_476 = arith.mulf %parallel_loop3A_473, %parallel_loop3A_475 : vector<16xf32>
        %parallel_loop3A_477 = arith.constant 3 : i32
        %parallel_loop3A_478 = arith.index_cast %parallel_loop3A_477 : i32 to index
        %parallel_loop3A_479 = arith.index_cast %parallel_loop3A_451 : i32 to index
        %parallel_loop3A_480 = arith.constant 16 : index
        %parallel_loop3A_481 = tpu.vector_load %arg6[%parallel_loop3A_478, %parallel_loop3A_479, %parallel_loop3A_480] {strides = array<i32>} : memref<5x128x128xf32, #tpu.memory_space<vmem>>, vector<1x1x16xf32>,
        %parallel_loop3A_482 = vector.shape_cast %parallel_loop3A_481 : vector<1x1x16xf32> to vector<16xf32>
        %parallel_loop3A_483 = vector.shape_cast %parallel_loop3A_476 : vector<16xf32> to vector<1x1x16xf32>
        tpu.vector_store %arg6[%parallel_loop3A_478, %parallel_loop3A_479, %parallel_loop3A_480], %parallel_loop3A_483 {strides = array<i32>} : memref<5x128x128xf32, #tpu.memory_space<vmem>>, vector<1x1x16xf32>,
        %parallel_loop3A_484 = arith.constant 3 : i32
        %parallel_loop3A_485 = arith.index_cast %parallel_loop3A_484 : i32 to index
        %parallel_loop3A_486 = arith.index_cast %parallel_loop3A_451 : i32 to index
        %parallel_loop3A_487 = arith.constant 32 : index
        %parallel_loop3A_488 = tpu.vector_load %arg6[%parallel_loop3A_485, %parallel_loop3A_486, %parallel_loop3A_487] {strides = array<i32>} : memref<5x128x128xf32, #tpu.memory_space<vmem>>, vector<1x1x16xf32>,
        %parallel_loop3A_489 = vector.shape_cast %parallel_loop3A_488 : vector<1x1x16xf32> to vector<16xf32>
        %parallel_loop3A_490 = arith.constant 11.3137083 : f32
        %parallel_loop3A_491 = vector.broadcast %parallel_loop3A_490 : f32 to vector<16xf32>
        %parallel_loop3A_492 = arith.mulf %parallel_loop3A_489, %parallel_loop3A_491 : vector<16xf32>
        %parallel_loop3A_493 = arith.constant 3 : i32
        %parallel_loop3A_494 = arith.index_cast %parallel_loop3A_493 : i32 to index
        %parallel_loop3A_495 = arith.index_cast %parallel_loop3A_451 : i32 to index
        %parallel_loop3A_496 = arith.constant 32 : index
        %parallel_loop3A_497 = tpu.vector_load %arg6[%parallel_loop3A_494, %parallel_loop3A_495, %parallel_loop3A_496] {strides = array<i32>} : memref<5x128x128xf32, #tpu.memory_space<vmem>>, vector<1x1x16xf32>,
        %parallel_loop3A_498 = vector.shape_cast %parallel_loop3A_497 : vector<1x1x16xf32> to vector<16xf32>
        %parallel_loop3A_499 = vector.shape_cast %parallel_loop3A_492 : vector<16xf32> to vector<1x1x16xf32>
        tpu.vector_store %arg6[%parallel_loop3A_494, %parallel_loop3A_495, %parallel_loop3A_496], %parallel_loop3A_499 {strides = array<i32>} : memref<5x128x128xf32, #tpu.memory_space<vmem>>, vector<1x1x16xf32>,
        %parallel_loop3A_500 = arith.constant 3 : i32
        %parallel_loop3A_501 = arith.index_cast %parallel_loop3A_500 : i32 to index
        %parallel_loop3A_502 = arith.index_cast %parallel_loop3A_451 : i32 to index
        %parallel_loop3A_503 = arith.constant 48 : index
        %parallel_loop3A_504 = tpu.vector_load %arg6[%parallel_loop3A_501, %parallel_loop3A_502, %parallel_loop3A_503] {strides = array<i32>} : memref<5x128x128xf32, #tpu.memory_space<vmem>>, vector<1x1x16xf32>,
        %parallel_loop3A_505 = vector.shape_cast %parallel_loop3A_504 : vector<1x1x16xf32> to vector<16xf32>
        %parallel_loop3A_506 = arith.constant 11.3137083 : f32
        %parallel_loop3A_507 = vector.broadcast %parallel_loop3A_506 : f32 to vector<16xf32>
        %parallel_loop3A_508 = arith.mulf %parallel_loop3A_505, %parallel_loop3A_507 : vector<16xf32>
        %parallel_loop3A_509 = arith.constant 3 : i32
        %parallel_loop3A_510 = arith.index_cast %parallel_loop3A_509 : i32 to index
        %parallel_loop3A_511 = arith.index_cast %parallel_loop3A_451 : i32 to index
        %parallel_loop3A_512 = arith.constant 48 : index
        %parallel_loop3A_513 = tpu.vector_load %arg6[%parallel_loop3A_510, %parallel_loop3A_511, %parallel_loop3A_512] {strides = array<i32>} : memref<5x128x128xf32, #tpu.memory_space<vmem>>, vector<1x1x16xf32>,
        %parallel_loop3A_514 = vector.shape_cast %parallel_loop3A_513 : vector<1x1x16xf32> to vector<16xf32>
        %parallel_loop3A_515 = vector.shape_cast %parallel_loop3A_508 : vector<16xf32> to vector<1x1x16xf32>
        tpu.vector_store %arg6[%parallel_loop3A_510, %parallel_loop3A_511, %parallel_loop3A_512], %parallel_loop3A_515 {strides = array<i32>} : memref<5x128x128xf32, #tpu.memory_space<vmem>>, vector<1x1x16xf32>,
        %parallel_loop3A_516 = arith.constant 3 : i32
        %parallel_loop3A_517 = arith.index_cast %parallel_loop3A_516 : i32 to index
        %parallel_loop3A_518 = arith.index_cast %parallel_loop3A_451 : i32 to index
        %parallel_loop3A_519 = arith.constant 64 : index
        %parallel_loop3A_520 = tpu.vector_load %arg6[%parallel_loop3A_517, %parallel_loop3A_518, %parallel_loop3A_519] {strides = array<i32>} : memref<5x128x128xf32, #tpu.memory_space<vmem>>, vector<1x1x16xf32>,
        %parallel_loop3A_521 = vector.shape_cast %parallel_loop3A_520 : vector<1x1x16xf32> to vector<16xf32>
        %parallel_loop3A_522 = arith.constant 11.3137083 : f32
        %parallel_loop3A_523 = vector.broadcast %parallel_loop3A_522 : f32 to vector<16xf32>
        %parallel_loop3A_524 = arith.mulf %parallel_loop3A_521, %parallel_loop3A_523 : vector<16xf32>
        %parallel_loop3A_525 = arith.constant 3 : i32
        %parallel_loop3A_526 = arith.index_cast %parallel_loop3A_525 : i32 to index
        %parallel_loop3A_527 = arith.index_cast %parallel_loop3A_451 : i32 to index
        %parallel_loop3A_528 = arith.constant 64 : index
        %parallel_loop3A_529 = tpu.vector_load %arg6[%parallel_loop3A_526, %parallel_loop3A_527, %parallel_loop3A_528] {strides = array<i32>} : memref<5x128x128xf32, #tpu.memory_space<vmem>>, vector<1x1x16xf32>,
        %parallel_loop3A_530 = vector.shape_cast %parallel_loop3A_529 : vector<1x1x16xf32> to vector<16xf32>
        %parallel_loop3A_531 = vector.shape_cast %parallel_loop3A_524 : vector<16xf32> to vector<1x1x16xf32>
        tpu.vector_store %arg6[%parallel_loop3A_526, %parallel_loop3A_527, %parallel_loop3A_528], %parallel_loop3A_531 {strides = array<i32>} : memref<5x128x128xf32, #tpu.memory_space<vmem>>, vector<1x1x16xf32>,
        %parallel_loop3A_532 = arith.constant 3 : i32
        %parallel_loop3A_533 = arith.index_cast %parallel_loop3A_532 : i32 to index
        %parallel_loop3A_534 = arith.index_cast %parallel_loop3A_451 : i32 to index
        %parallel_loop3A_535 = arith.constant 80 : index
        %parallel_loop3A_536 = tpu.vector_load %arg6[%parallel_loop3A_533, %parallel_loop3A_534, %parallel_loop3A_535] {strides = array<i32>} : memref<5x128x128xf32, #tpu.memory_space<vmem>>, vector<1x1x16xf32>,
        %parallel_loop3A_537 = vector.shape_cast %parallel_loop3A_536 : vector<1x1x16xf32> to vector<16xf32>
        %parallel_loop3A_538 = arith.constant 11.3137083 : f32
        %parallel_loop3A_539 = vector.broadcast %parallel_loop3A_538 : f32 to vector<16xf32>
        %parallel_loop3A_540 = arith.mulf %parallel_loop3A_537, %parallel_loop3A_539 : vector<16xf32>
        %parallel_loop3A_541 = arith.constant 3 : i32
        %parallel_loop3A_542 = arith.index_cast %parallel_loop3A_541 : i32 to index
        %parallel_loop3A_543 = arith.index_cast %parallel_loop3A_451 : i32 to index
        %parallel_loop3A_544 = arith.constant 80 : index
        %parallel_loop3A_545 = tpu.vector_load %arg6[%parallel_loop3A_542, %parallel_loop3A_543, %parallel_loop3A_544] {strides = array<i32>} : memref<5x128x128xf32, #tpu.memory_space<vmem>>, vector<1x1x16xf32>,
        %parallel_loop3A_546 = vector.shape_cast %parallel_loop3A_545 : vector<1x1x16xf32> to vector<16xf32>
        %parallel_loop3A_547 = vector.shape_cast %parallel_loop3A_540 : vector<16xf32> to vector<1x1x16xf32>
        tpu.vector_store %arg6[%parallel_loop3A_542, %parallel_loop3A_543, %parallel_loop3A_544], %parallel_loop3A_547 {strides = array<i32>} : memref<5x128x128xf32, #tpu.memory_space<vmem>>, vector<1x1x16xf32>,
        %parallel_loop3A_548 = arith.constant 3 : i32
        %parallel_loop3A_549 = arith.index_cast %parallel_loop3A_548 : i32 to index
        %parallel_loop3A_550 = arith.index_cast %parallel_loop3A_451 : i32 to index
        %parallel_loop3A_551 = arith.constant 96 : index
        %parallel_loop3A_552 = tpu.vector_load %arg6[%parallel_loop3A_549, %parallel_loop3A_550, %parallel_loop3A_551] {strides = array<i32>} : memref<5x128x128xf32, #tpu.memory_space<vmem>>, vector<1x1x16xf32>,
        %parallel_loop3A_553 = vector.shape_cast %parallel_loop3A_552 : vector<1x1x16xf32> to vector<16xf32>
        %parallel_loop3A_554 = arith.constant 11.3137083 : f32
        %parallel_loop3A_555 = vector.broadcast %parallel_loop3A_554 : f32 to vector<16xf32>
        %parallel_loop3A_556 = arith.mulf %parallel_loop3A_553, %parallel_loop3A_555 : vector<16xf32>
        %parallel_loop3A_557 = arith.constant 3 : i32
        %parallel_loop3A_558 = arith.index_cast %parallel_loop3A_557 : i32 to index
        %parallel_loop3A_559 = arith.index_cast %parallel_loop3A_451 : i32 to index
        %parallel_loop3A_560 = arith.constant 96 : index
        %parallel_loop3A_561 = tpu.vector_load %arg6[%parallel_loop3A_558, %parallel_loop3A_559, %parallel_loop3A_560] {strides = array<i32>} : memref<5x128x128xf32, #tpu.memory_space<vmem>>, vector<1x1x16xf32>,
        %parallel_loop3A_562 = vector.shape_cast %parallel_loop3A_561 : vector<1x1x16xf32> to vector<16xf32>
        %parallel_loop3A_563 = vector.shape_cast %parallel_loop3A_556 : vector<16xf32> to vector<1x1x16xf32>
        tpu.vector_store %arg6[%parallel_loop3A_558, %parallel_loop3A_559, %parallel_loop3A_560], %parallel_loop3A_563 {strides = array<i32>} : memref<5x128x128xf32, #tpu.memory_space<vmem>>, vector<1x1x16xf32>,
        %parallel_loop3A_564 = arith.constant 3 : i32
        %parallel_loop3A_565 = arith.index_cast %parallel_loop3A_564 : i32 to index
        %parallel_loop3A_566 = arith.index_cast %parallel_loop3A_451 : i32 to index
        %parallel_loop3A_567 = arith.constant 112 : index
        %parallel_loop3A_568 = tpu.vector_load %arg6[%parallel_loop3A_565, %parallel_loop3A_566, %parallel_loop3A_567] {strides = array<i32>} : memref<5x128x128xf32, #tpu.memory_space<vmem>>, vector<1x1x16xf32>,
        %parallel_loop3A_569 = vector.shape_cast %parallel_loop3A_568 : vector<1x1x16xf32> to vector<16xf32>
        %parallel_loop3A_570 = arith.constant 11.3137083 : f32
        %parallel_loop3A_571 = vector.broadcast %parallel_loop3A_570 : f32 to vector<16xf32>
        %parallel_loop3A_572 = arith.mulf %parallel_loop3A_569, %parallel_loop3A_571 : vector<16xf32>
        %parallel_loop3A_573 = arith.constant 3 : i32
        %parallel_loop3A_574 = arith.index_cast %parallel_loop3A_573 : i32 to index
        %parallel_loop3A_575 = arith.index_cast %parallel_loop3A_451 : i32 to index
        %parallel_loop3A_576 = arith.constant 112 : index
        %parallel_loop3A_577 = tpu.vector_load %arg6[%parallel_loop3A_574, %parallel_loop3A_575, %parallel_loop3A_576] {strides = array<i32>} : memref<5x128x128xf32, #tpu.memory_space<vmem>>, vector<1x1x16xf32>,
        %parallel_loop3A_578 = vector.shape_cast %parallel_loop3A_577 : vector<1x1x16xf32> to vector<16xf32>
        %parallel_loop3A_579 = vector.shape_cast %parallel_loop3A_572 : vector<16xf32> to vector<1x1x16xf32>
        tpu.vector_store %arg6[%parallel_loop3A_574, %parallel_loop3A_575, %parallel_loop3A_576], %parallel_loop3A_579 {strides = array<i32>} : memref<5x128x128xf32, #tpu.memory_space<vmem>>, vector<1x1x16xf32>,
      } {sc.loop_unroll_factor = 4 : i64, sc.parallel_access}
      %dma_start3A_378 = arith.constant 3 : i32
      %dma_start3A_379 = arith.constant 3 : i32
      %dma_start3A_380 = arith.constant 0 : i32
      %dma_start3A_381 = arith.constant 0 : i32
      %dma_start3A_382 = tpu.memref_slice %arg6[%dma_start3A_378, %dma_start3A_380, %dma_start3A_381] : memref<5x128x128xf32, #tpu.memory_space<vmem>> -> memref<1x128x128xf32, #tpu.memory_space<vmem>>
      %dma_start3A_383 = tpu.memref_squeeze %dma_start3A_382 : memref<1x128x128xf32, #tpu.memory_space<vmem>> -> memref<128x128xf32, #tpu.memory_space<vmem>>
      %dma_start3A_384 = arith.constant 0 : i32
      %dma_start3A_385 = tpu.memref_slice %arg4[%add3A_344, %mul3A_2, %dma_start3A_384] : memref<50x4096x128xf32, #tpu.memory_space<hbm>> -> memref<1x128x128xf32, #tpu.memory_space<hbm>>
      %dma_start3A_386 = tpu.memref_squeeze %dma_start3A_385 : memref<1x128x128xf32, #tpu.memory_space<hbm>> -> memref<128x128xf32, #tpu.memory_space<hbm>>
      %dma_start3A_387 = tpu.memref_slice %arg8[%dma_start3A_379] : memref<5x!tpu.dma_semaphore, #tpu.memory_space<semaphore_mem>> -> memref<1x!tpu.dma_semaphore, #tpu.memory_space<semaphore_mem>>
      %dma_start3A_388 = tpu.memref_squeeze %dma_start3A_387 : memref<1x!tpu.dma_semaphore, #tpu.memory_space<semaphore_mem>> -> memref<!tpu.dma_semaphore, #tpu.memory_space<semaphore_mem>>
      %dma_start3A_389 = arith.constant 0 : i32
      %dma_start3A_390 = tpu.memref_slice %arg4[%add3A_344, %mul3A_2, %dma_start3A_389] : memref<50x4096x128xf32, #tpu.memory_space<hbm>> -> memref<1x128x128xf32, #tpu.memory_space<hbm>>
      %dma_start3A_391 = tpu.memref_squeeze %dma_start3A_390 : memref<1x128x128xf32, #tpu.memory_space<hbm>> -> memref<128x128xf32, #tpu.memory_space<hbm>>
      %dma_start3A_392 = arith.constant 0 : i32
      %dma_start3A_393 = arith.constant 0 : i32
      %dma_start3A_394 = tpu.memref_slice %arg6[%dma_start3A_378, %dma_start3A_392, %dma_start3A_393] : memref<5x128x128xf32, #tpu.memory_space<vmem>> -> memref<1x128x128xf32, #tpu.memory_space<vmem>>
      %dma_start3A_395 = tpu.memref_squeeze %dma_start3A_394 : memref<1x128x128xf32, #tpu.memory_space<vmem>> -> memref<128x128xf32, #tpu.memory_space<vmem>>
      tpu.enqueue_dma source(%dma_start3A_395 : memref<128x128xf32, #tpu.memory_space<vmem>>) target(%dma_start3A_391 : memref<128x128xf32, #tpu.memory_space<hbm>>) target_semaphore(%dma_start3A_388 : memref<!tpu.dma_semaphore, #tpu.memory_space<semaphore_mem>>)
      %mul3A_396 = arith.constant 5 : i32
      %mul3A_397 = arith.muli %scan3A_181, %mul3A_396 : i32
      %add3A_398 = arith.constant 4 : i32
      %add3A_399 = arith.addi %mul3A_397, %add3A_398 : i32
      %dma_wait3A_400 = arith.constant 0 : i32
      %dma_wait3A_401 = arith.constant 4 : i32
      %dma_wait3A_402 = arith.constant 4 : i32
      %dma_wait3A_403 = arith.constant 0 : i32
      %dma_wait3A_404 = arith.constant 0 : i32
      %dma_wait3A_405 = tpu.memref_slice %arg6[%dma_wait3A_401, %dma_wait3A_403, %dma_wait3A_404] : memref<5x128x128xf32, #tpu.memory_space<vmem>> -> memref<1x128x128xf32, #tpu.memory_space<vmem>>
      %dma_wait3A_406 = tpu.memref_squeeze %dma_wait3A_405 : memref<1x128x128xf32, #tpu.memory_space<vmem>> -> memref<128x128xf32, #tpu.memory_space<vmem>>
      %dma_wait3A_407 = arith.constant 0 : i32
      %dma_wait3A_408 = tpu.memref_slice %arg5[%dma_wait3A_400, %dma_wait3A_407] : memref<50x128xi32, #tpu.memory_space<vmem>> -> memref<1x128xi32, #tpu.memory_space<vmem>>
      %dma_wait3A_409 = tpu.memref_squeeze %dma_wait3A_408 : memref<1x128xi32, #tpu.memory_space<vmem>> -> memref<128xi32, #tpu.memory_space<vmem>>
      %dma_wait3A_410 = arith.constant 0 : i32
      %dma_wait3A_411 = arith.constant 0 : i32
      %dma_wait3A_412 = tpu.memref_slice %arg3[%dma_wait3A_410, %dma_wait3A_411] : memref<100000x128xf32, #tpu.memory_space<hbm>> -> memref<100000x128xf32, #tpu.memory_space<hbm>>
      %dma_wait3A_413 = tpu.memref_slice %arg7[%dma_wait3A_402] : memref<5x!tpu.dma_semaphore, #tpu.memory_space<semaphore_mem>> -> memref<1x!tpu.dma_semaphore, #tpu.memory_space<semaphore_mem>>
      %dma_wait3A_414 = tpu.memref_squeeze %dma_wait3A_413 : memref<1x!tpu.dma_semaphore, #tpu.memory_space<semaphore_mem>> -> memref<!tpu.dma_semaphore, #tpu.memory_space<semaphore_mem>>
      tpu.wait_indirect_dma semaphore(%dma_wait3A_414 : memref<!tpu.dma_semaphore, #tpu.memory_space<semaphore_mem>>) src(%dma_wait3A_412 : memref<100000x128xf32, #tpu.memory_space<hbm>>) dst(%dma_wait3A_406 : memref<128x128xf32, #tpu.memory_space<vmem>>)
      %add3A_415 = arith.constant 4 : i32
      %add3A_416 = arith.addi %add3A_399, %add3A_415 : i32
      %lt3A_417 = arith.constant 50 : i32
      %lt3A_418 = arith.cmpi slt, %add3A_416, %lt3A_417 : i32
      %ge3A_419 = arith.constant 1 : i32
      %ge3A_420 = arith.cmpi sge, %add3A_399, %ge3A_419 : i32
      %and3A_421 = arith.andi %lt3A_418, %ge3A_420 : i1
      %convert_element_type3A_422 = arith.extui %and3A_421 : i1 to i32
      %cond3A_423 = arith.constant 0 : i32
      %cond3A_424 = arith.cmpi ne, %convert_element_type3A_422, %cond3A_423 : i32
      scf.if %cond3A_424 {
        %dma_wait3A_451 = arith.constant 3 : i32
        %dma_wait3A_452 = arith.constant 0 : i32
        %dma_wait3A_453 = arith.constant 3 : i32
        %dma_wait3A_454 = arith.constant 0 : i32
        %dma_wait3A_455 = arith.constant 0 : i32
        %dma_wait3A_456 = tpu.memref_slice %arg6[%dma_wait3A_451, %dma_wait3A_454, %dma_wait3A_455] : memref<5x128x128xf32, #tpu.memory_space<vmem>> -> memref<1x128x128xf32, #tpu.memory_space<vmem>>
        %dma_wait3A_457 = tpu.memref_squeeze %dma_wait3A_456 : memref<1x128x128xf32, #tpu.memory_space<vmem>> -> memref<128x128xf32, #tpu.memory_space<vmem>>
        %dma_wait3A_458 = arith.constant 0 : i32
        %dma_wait3A_459 = tpu.memref_slice %arg4[%dma_wait3A_452, %mul3A_2, %dma_wait3A_458] : memref<50x4096x128xf32, #tpu.memory_space<hbm>> -> memref<1x128x128xf32, #tpu.memory_space<hbm>>
        %dma_wait3A_460 = tpu.memref_squeeze %dma_wait3A_459 : memref<1x128x128xf32, #tpu.memory_space<hbm>> -> memref<128x128xf32, #tpu.memory_space<hbm>>
        %dma_wait3A_461 = tpu.memref_slice %arg8[%dma_wait3A_453] : memref<5x!tpu.dma_semaphore, #tpu.memory_space<semaphore_mem>> -> memref<1x!tpu.dma_semaphore, #tpu.memory_space<semaphore_mem>>
        %dma_wait3A_462 = tpu.memref_squeeze %dma_wait3A_461 : memref<1x!tpu.dma_semaphore, #tpu.memory_space<semaphore_mem>> -> memref<!tpu.dma_semaphore, #tpu.memory_space<semaphore_mem>>
        %dma_wait3A_463 = arith.constant 0 : i32
        %dma_wait3A_464 = tpu.memref_slice %arg4[%dma_wait3A_452, %mul3A_2, %dma_wait3A_463] : memref<50x4096x128xf32, #tpu.memory_space<hbm>> -> memref<1x128x128xf32, #tpu.memory_space<hbm>>
        %dma_wait3A_465 = tpu.memref_squeeze %dma_wait3A_464 : memref<1x128x128xf32, #tpu.memory_space<hbm>> -> memref<128x128xf32, #tpu.memory_space<hbm>>
        %dma_wait3A_466 = arith.constant 0 : i32
        %dma_wait3A_467 = arith.constant 0 : i32
        %dma_wait3A_468 = tpu.memref_slice %arg6[%dma_wait3A_451, %dma_wait3A_466, %dma_wait3A_467] : memref<5x128x128xf32, #tpu.memory_space<vmem>> -> memref<1x128x128xf32, #tpu.memory_space<vmem>>
        %dma_wait3A_469 = tpu.memref_squeeze %dma_wait3A_468 : memref<1x128x128xf32, #tpu.memory_space<vmem>> -> memref<128x128xf32, #tpu.memory_space<vmem>>
        tpu.wait_dma2 semaphore(%dma_wait3A_462 : memref<!tpu.dma_semaphore, #tpu.memory_space<semaphore_mem>>) src(%dma_wait3A_469 : memref<128x128xf32, #tpu.memory_space<vmem>>) dst(%dma_wait3A_465 : memref<128x128xf32, #tpu.memory_space<hbm>>)
      } else {
      }
      %lt3A_425 = arith.constant 50 : i32
      %lt3A_426 = arith.cmpi slt, %add3A_416, %lt3A_425 : i32
      %convert_element_type3A_427 = arith.extui %lt3A_426 : i1 to i32
      %cond3A_428 = arith.constant 0 : i32
      %cond3A_429 = arith.cmpi ne, %convert_element_type3A_427, %cond3A_428 : i32
      scf.if %cond3A_429 {
        %dma_start3A_451 = arith.constant 3 : i32
        %dma_start3A_452 = arith.constant 3 : i32
        %dma_start3A_453 = arith.constant 0 : i32
        %dma_start3A_454 = arith.constant 0 : i32
        %dma_start3A_455 = tpu.memref_slice %arg6[%dma_start3A_451, %dma_start3A_453, %dma_start3A_454] : memref<5x128x128xf32, #tpu.memory_space<vmem>> -> memref<1x128x128xf32, #tpu.memory_space<vmem>>
        %dma_start3A_456 = tpu.memref_squeeze %dma_start3A_455 : memref<1x128x128xf32, #tpu.memory_space<vmem>> -> memref<128x128xf32, #tpu.memory_space<vmem>>
        %dma_start3A_457 = arith.constant 0 : i32
        %dma_start3A_458 = tpu.memref_slice %arg5[%add3A_416, %dma_start3A_457] : memref<50x128xi32, #tpu.memory_space<vmem>> -> memref<1x128xi32, #tpu.memory_space<vmem>>
        %dma_start3A_459 = tpu.memref_squeeze %dma_start3A_458 : memref<1x128xi32, #tpu.memory_space<vmem>> -> memref<128xi32, #tpu.memory_space<vmem>>
        %dma_start3A_460 = arith.constant 0 : i32
        %dma_start3A_461 = arith.constant 0 : i32
        %dma_start3A_462 = tpu.memref_slice %arg3[%dma_start3A_460, %dma_start3A_461] : memref<100000x128xf32, #tpu.memory_space<hbm>> -> memref<100000x128xf32, #tpu.memory_space<hbm>>
        %dma_start3A_463 = tpu.memref_slice %arg7[%dma_start3A_452] : memref<5x!tpu.dma_semaphore, #tpu.memory_space<semaphore_mem>> -> memref<1x!tpu.dma_semaphore, #tpu.memory_space<semaphore_mem>>
        %dma_start3A_464 = tpu.memref_squeeze %dma_start3A_463 : memref<1x!tpu.dma_semaphore, #tpu.memory_space<semaphore_mem>> -> memref<!tpu.dma_semaphore, #tpu.memory_space<semaphore_mem>>
        tpu.enqueue_indirect_dma source(%dma_start3A_462 : memref<100000x128xf32, #tpu.memory_space<hbm>>) target(%dma_start3A_456 : memref<128x128xf32, #tpu.memory_space<vmem>>) offsets(%dma_start3A_459 : memref<128xi32, #tpu.memory_space<vmem>>) semaphore(%dma_start3A_464 : memref<!tpu.dma_semaphore, #tpu.memory_space<semaphore_mem>>)
      } else {
      }
      %parallel_loop3A_430 = arith.constant 0 : i32
      %parallel_loop3A_431 = arith.constant 128 : i32
      %parallel_loop3A_432 = arith.constant 1 : i32
      scf.for %parallel_loop3A_451 = %parallel_loop3A_430 to %parallel_loop3A_431 step %parallel_loop3A_432  : i32 {
        %parallel_loop3A_452 = arith.constant 4 : i32
        %parallel_loop3A_453 = arith.index_cast %parallel_loop3A_452 : i32 to index
        %parallel_loop3A_454 = arith.index_cast %parallel_loop3A_451 : i32 to index
        %parallel_loop3A_455 = arith.constant 0 : index
        %parallel_loop3A_456 = tpu.vector_load %arg6[%parallel_loop3A_453, %parallel_loop3A_454, %parallel_loop3A_455] {strides = array<i32>} : memref<5x128x128xf32, #tpu.memory_space<vmem>>, vector<1x1x16xf32>,
        %parallel_loop3A_457 = vector.shape_cast %parallel_loop3A_456 : vector<1x1x16xf32> to vector<16xf32>
        %parallel_loop3A_458 = arith.constant 11.3137083 : f32
        %parallel_loop3A_459 = vector.broadcast %parallel_loop3A_458 : f32 to vector<16xf32>
        %parallel_loop3A_460 = arith.mulf %parallel_loop3A_457, %parallel_loop3A_459 : vector<16xf32>
        %parallel_loop3A_461 = arith.constant 4 : i32
        %parallel_loop3A_462 = arith.index_cast %parallel_loop3A_461 : i32 to index
        %parallel_loop3A_463 = arith.index_cast %parallel_loop3A_451 : i32 to index
        %parallel_loop3A_464 = arith.constant 0 : index
        %parallel_loop3A_465 = tpu.vector_load %arg6[%parallel_loop3A_462, %parallel_loop3A_463, %parallel_loop3A_464] {strides = array<i32>} : memref<5x128x128xf32, #tpu.memory_space<vmem>>, vector<1x1x16xf32>,
        %parallel_loop3A_466 = vector.shape_cast %parallel_loop3A_465 : vector<1x1x16xf32> to vector<16xf32>
        %parallel_loop3A_467 = vector.shape_cast %parallel_loop3A_460 : vector<16xf32> to vector<1x1x16xf32>
        tpu.vector_store %arg6[%parallel_loop3A_462, %parallel_loop3A_463, %parallel_loop3A_464], %parallel_loop3A_467 {strides = array<i32>} : memref<5x128x128xf32, #tpu.memory_space<vmem>>, vector<1x1x16xf32>,
        %parallel_loop3A_468 = arith.constant 4 : i32
        %parallel_loop3A_469 = arith.index_cast %parallel_loop3A_468 : i32 to index
        %parallel_loop3A_470 = arith.index_cast %parallel_loop3A_451 : i32 to index
        %parallel_loop3A_471 = arith.constant 16 : index
        %parallel_loop3A_472 = tpu.vector_load %arg6[%parallel_loop3A_469, %parallel_loop3A_470, %parallel_loop3A_471] {strides = array<i32>} : memref<5x128x128xf32, #tpu.memory_space<vmem>>, vector<1x1x16xf32>,
        %parallel_loop3A_473 = vector.shape_cast %parallel_loop3A_472 : vector<1x1x16xf32> to vector<16xf32>
        %parallel_loop3A_474 = arith.constant 11.3137083 : f32
        %parallel_loop3A_475 = vector.broadcast %parallel_loop3A_474 : f32 to vector<16xf32>
        %parallel_loop3A_476 = arith.mulf %parallel_loop3A_473, %parallel_loop3A_475 : vector<16xf32>
        %parallel_loop3A_477 = arith.constant 4 : i32
        %parallel_loop3A_478 = arith.index_cast %parallel_loop3A_477 : i32 to index
        %parallel_loop3A_479 = arith.index_cast %parallel_loop3A_451 : i32 to index
        %parallel_loop3A_480 = arith.constant 16 : index
        %parallel_loop3A_481 = tpu.vector_load %arg6[%parallel_loop3A_478, %parallel_loop3A_479, %parallel_loop3A_480] {strides = array<i32>} : memref<5x128x128xf32, #tpu.memory_space<vmem>>, vector<1x1x16xf32>,
        %parallel_loop3A_482 = vector.shape_cast %parallel_loop3A_481 : vector<1x1x16xf32> to vector<16xf32>
        %parallel_loop3A_483 = vector.shape_cast %parallel_loop3A_476 : vector<16xf32> to vector<1x1x16xf32>
        tpu.vector_store %arg6[%parallel_loop3A_478, %parallel_loop3A_479, %parallel_loop3A_480], %parallel_loop3A_483 {strides = array<i32>} : memref<5x128x128xf32, #tpu.memory_space<vmem>>, vector<1x1x16xf32>,
        %parallel_loop3A_484 = arith.constant 4 : i32
        %parallel_loop3A_485 = arith.index_cast %parallel_loop3A_484 : i32 to index
        %parallel_loop3A_486 = arith.index_cast %parallel_loop3A_451 : i32 to index
        %parallel_loop3A_487 = arith.constant 32 : index
        %parallel_loop3A_488 = tpu.vector_load %arg6[%parallel_loop3A_485, %parallel_loop3A_486, %parallel_loop3A_487] {strides = array<i32>} : memref<5x128x128xf32, #tpu.memory_space<vmem>>, vector<1x1x16xf32>,
        %parallel_loop3A_489 = vector.shape_cast %parallel_loop3A_488 : vector<1x1x16xf32> to vector<16xf32>
        %parallel_loop3A_490 = arith.constant 11.3137083 : f32
        %parallel_loop3A_491 = vector.broadcast %parallel_loop3A_490 : f32 to vector<16xf32>
        %parallel_loop3A_492 = arith.mulf %parallel_loop3A_489, %parallel_loop3A_491 : vector<16xf32>
        %parallel_loop3A_493 = arith.constant 4 : i32
        %parallel_loop3A_494 = arith.index_cast %parallel_loop3A_493 : i32 to index
        %parallel_loop3A_495 = arith.index_cast %parallel_loop3A_451 : i32 to index
        %parallel_loop3A_496 = arith.constant 32 : index
        %parallel_loop3A_497 = tpu.vector_load %arg6[%parallel_loop3A_494, %parallel_loop3A_495, %parallel_loop3A_496] {strides = array<i32>} : memref<5x128x128xf32, #tpu.memory_space<vmem>>, vector<1x1x16xf32>,
        %parallel_loop3A_498 = vector.shape_cast %parallel_loop3A_497 : vector<1x1x16xf32> to vector<16xf32>
        %parallel_loop3A_499 = vector.shape_cast %parallel_loop3A_492 : vector<16xf32> to vector<1x1x16xf32>
        tpu.vector_store %arg6[%parallel_loop3A_494, %parallel_loop3A_495, %parallel_loop3A_496], %parallel_loop3A_499 {strides = array<i32>} : memref<5x128x128xf32, #tpu.memory_space<vmem>>, vector<1x1x16xf32>,
        %parallel_loop3A_500 = arith.constant 4 : i32
        %parallel_loop3A_501 = arith.index_cast %parallel_loop3A_500 : i32 to index
        %parallel_loop3A_502 = arith.index_cast %parallel_loop3A_451 : i32 to index
        %parallel_loop3A_503 = arith.constant 48 : index
        %parallel_loop3A_504 = tpu.vector_load %arg6[%parallel_loop3A_501, %parallel_loop3A_502, %parallel_loop3A_503] {strides = array<i32>} : memref<5x128x128xf32, #tpu.memory_space<vmem>>, vector<1x1x16xf32>,
        %parallel_loop3A_505 = vector.shape_cast %parallel_loop3A_504 : vector<1x1x16xf32> to vector<16xf32>
        %parallel_loop3A_506 = arith.constant 11.3137083 : f32
        %parallel_loop3A_507 = vector.broadcast %parallel_loop3A_506 : f32 to vector<16xf32>
        %parallel_loop3A_508 = arith.mulf %parallel_loop3A_505, %parallel_loop3A_507 : vector<16xf32>
        %parallel_loop3A_509 = arith.constant 4 : i32
        %parallel_loop3A_510 = arith.index_cast %parallel_loop3A_509 : i32 to index
        %parallel_loop3A_511 = arith.index_cast %parallel_loop3A_451 : i32 to index
        %parallel_loop3A_512 = arith.constant 48 : index
        %parallel_loop3A_513 = tpu.vector_load %arg6[%parallel_loop3A_510, %parallel_loop3A_511, %parallel_loop3A_512] {strides = array<i32>} : memref<5x128x128xf32, #tpu.memory_space<vmem>>, vector<1x1x16xf32>,
        %parallel_loop3A_514 = vector.shape_cast %parallel_loop3A_513 : vector<1x1x16xf32> to vector<16xf32>
        %parallel_loop3A_515 = vector.shape_cast %parallel_loop3A_508 : vector<16xf32> to vector<1x1x16xf32>
        tpu.vector_store %arg6[%parallel_loop3A_510, %parallel_loop3A_511, %parallel_loop3A_512], %parallel_loop3A_515 {strides = array<i32>} : memref<5x128x128xf32, #tpu.memory_space<vmem>>, vector<1x1x16xf32>,
        %parallel_loop3A_516 = arith.constant 4 : i32
        %parallel_loop3A_517 = arith.index_cast %parallel_loop3A_516 : i32 to index
        %parallel_loop3A_518 = arith.index_cast %parallel_loop3A_451 : i32 to index
        %parallel_loop3A_519 = arith.constant 64 : index
        %parallel_loop3A_520 = tpu.vector_load %arg6[%parallel_loop3A_517, %parallel_loop3A_518, %parallel_loop3A_519] {strides = array<i32>} : memref<5x128x128xf32, #tpu.memory_space<vmem>>, vector<1x1x16xf32>,
        %parallel_loop3A_521 = vector.shape_cast %parallel_loop3A_520 : vector<1x1x16xf32> to vector<16xf32>
        %parallel_loop3A_522 = arith.constant 11.3137083 : f32
        %parallel_loop3A_523 = vector.broadcast %parallel_loop3A_522 : f32 to vector<16xf32>
        %parallel_loop3A_524 = arith.mulf %parallel_loop3A_521, %parallel_loop3A_523 : vector<16xf32>
        %parallel_loop3A_525 = arith.constant 4 : i32
        %parallel_loop3A_526 = arith.index_cast %parallel_loop3A_525 : i32 to index
        %parallel_loop3A_527 = arith.index_cast %parallel_loop3A_451 : i32 to index
        %parallel_loop3A_528 = arith.constant 64 : index
        %parallel_loop3A_529 = tpu.vector_load %arg6[%parallel_loop3A_526, %parallel_loop3A_527, %parallel_loop3A_528] {strides = array<i32>} : memref<5x128x128xf32, #tpu.memory_space<vmem>>, vector<1x1x16xf32>,
        %parallel_loop3A_530 = vector.shape_cast %parallel_loop3A_529 : vector<1x1x16xf32> to vector<16xf32>
        %parallel_loop3A_531 = vector.shape_cast %parallel_loop3A_524 : vector<16xf32> to vector<1x1x16xf32>
        tpu.vector_store %arg6[%parallel_loop3A_526, %parallel_loop3A_527, %parallel_loop3A_528], %parallel_loop3A_531 {strides = array<i32>} : memref<5x128x128xf32, #tpu.memory_space<vmem>>, vector<1x1x16xf32>,
        %parallel_loop3A_532 = arith.constant 4 : i32
        %parallel_loop3A_533 = arith.index_cast %parallel_loop3A_532 : i32 to index
        %parallel_loop3A_534 = arith.index_cast %parallel_loop3A_451 : i32 to index
        %parallel_loop3A_535 = arith.constant 80 : index
        %parallel_loop3A_536 = tpu.vector_load %arg6[%parallel_loop3A_533, %parallel_loop3A_534, %parallel_loop3A_535] {strides = array<i32>} : memref<5x128x128xf32, #tpu.memory_space<vmem>>, vector<1x1x16xf32>,
        %parallel_loop3A_537 = vector.shape_cast %parallel_loop3A_536 : vector<1x1x16xf32> to vector<16xf32>
        %parallel_loop3A_538 = arith.constant 11.3137083 : f32
        %parallel_loop3A_539 = vector.broadcast %parallel_loop3A_538 : f32 to vector<16xf32>
        %parallel_loop3A_540 = arith.mulf %parallel_loop3A_537, %parallel_loop3A_539 : vector<16xf32>
        %parallel_loop3A_541 = arith.constant 4 : i32
        %parallel_loop3A_542 = arith.index_cast %parallel_loop3A_541 : i32 to index
        %parallel_loop3A_543 = arith.index_cast %parallel_loop3A_451 : i32 to index
        %parallel_loop3A_544 = arith.constant 80 : index
        %parallel_loop3A_545 = tpu.vector_load %arg6[%parallel_loop3A_542, %parallel_loop3A_543, %parallel_loop3A_544] {strides = array<i32>} : memref<5x128x128xf32, #tpu.memory_space<vmem>>, vector<1x1x16xf32>,
        %parallel_loop3A_546 = vector.shape_cast %parallel_loop3A_545 : vector<1x1x16xf32> to vector<16xf32>
        %parallel_loop3A_547 = vector.shape_cast %parallel_loop3A_540 : vector<16xf32> to vector<1x1x16xf32>
        tpu.vector_store %arg6[%parallel_loop3A_542, %parallel_loop3A_543, %parallel_loop3A_544], %parallel_loop3A_547 {strides = array<i32>} : memref<5x128x128xf32, #tpu.memory_space<vmem>>, vector<1x1x16xf32>,
        %parallel_loop3A_548 = arith.constant 4 : i32
        %parallel_loop3A_549 = arith.index_cast %parallel_loop3A_548 : i32 to index
        %parallel_loop3A_550 = arith.index_cast %parallel_loop3A_451 : i32 to index
        %parallel_loop3A_551 = arith.constant 96 : index
        %parallel_loop3A_552 = tpu.vector_load %arg6[%parallel_loop3A_549, %parallel_loop3A_550, %parallel_loop3A_551] {strides = array<i32>} : memref<5x128x128xf32, #tpu.memory_space<vmem>>, vector<1x1x16xf32>,
        %parallel_loop3A_553 = vector.shape_cast %parallel_loop3A_552 : vector<1x1x16xf32> to vector<16xf32>
        %parallel_loop3A_554 = arith.constant 11.3137083 : f32
        %parallel_loop3A_555 = vector.broadcast %parallel_loop3A_554 : f32 to vector<16xf32>
        %parallel_loop3A_556 = arith.mulf %parallel_loop3A_553, %parallel_loop3A_555 : vector<16xf32>
        %parallel_loop3A_557 = arith.constant 4 : i32
        %parallel_loop3A_558 = arith.index_cast %parallel_loop3A_557 : i32 to index
        %parallel_loop3A_559 = arith.index_cast %parallel_loop3A_451 : i32 to index
        %parallel_loop3A_560 = arith.constant 96 : index
        %parallel_loop3A_561 = tpu.vector_load %arg6[%parallel_loop3A_558, %parallel_loop3A_559, %parallel_loop3A_560] {strides = array<i32>} : memref<5x128x128xf32, #tpu.memory_space<vmem>>, vector<1x1x16xf32>,
        %parallel_loop3A_562 = vector.shape_cast %parallel_loop3A_561 : vector<1x1x16xf32> to vector<16xf32>
        %parallel_loop3A_563 = vector.shape_cast %parallel_loop3A_556 : vector<16xf32> to vector<1x1x16xf32>
        tpu.vector_store %arg6[%parallel_loop3A_558, %parallel_loop3A_559, %parallel_loop3A_560], %parallel_loop3A_563 {strides = array<i32>} : memref<5x128x128xf32, #tpu.memory_space<vmem>>, vector<1x1x16xf32>,
        %parallel_loop3A_564 = arith.constant 4 : i32
        %parallel_loop3A_565 = arith.index_cast %parallel_loop3A_564 : i32 to index
        %parallel_loop3A_566 = arith.index_cast %parallel_loop3A_451 : i32 to index
        %parallel_loop3A_567 = arith.constant 112 : index
        %parallel_loop3A_568 = tpu.vector_load %arg6[%parallel_loop3A_565, %parallel_loop3A_566, %parallel_loop3A_567] {strides = array<i32>} : memref<5x128x128xf32, #tpu.memory_space<vmem>>, vector<1x1x16xf32>,
        %parallel_loop3A_569 = vector.shape_cast %parallel_loop3A_568 : vector<1x1x16xf32> to vector<16xf32>
        %parallel_loop3A_570 = arith.constant 11.3137083 : f32
        %parallel_loop3A_571 = vector.broadcast %parallel_loop3A_570 : f32 to vector<16xf32>
        %parallel_loop3A_572 = arith.mulf %parallel_loop3A_569, %parallel_loop3A_571 : vector<16xf32>
        %parallel_loop3A_573 = arith.constant 4 : i32
        %parallel_loop3A_574 = arith.index_cast %parallel_loop3A_573 : i32 to index
        %parallel_loop3A_575 = arith.index_cast %parallel_loop3A_451 : i32 to index
        %parallel_loop3A_576 = arith.constant 112 : index
        %parallel_loop3A_577 = tpu.vector_load %arg6[%parallel_loop3A_574, %parallel_loop3A_575, %parallel_loop3A_576] {strides = array<i32>} : memref<5x128x128xf32, #tpu.memory_space<vmem>>, vector<1x1x16xf32>,
        %parallel_loop3A_578 = vector.shape_cast %parallel_loop3A_577 : vector<1x1x16xf32> to vector<16xf32>
        %parallel_loop3A_579 = vector.shape_cast %parallel_loop3A_572 : vector<16xf32> to vector<1x1x16xf32>
        tpu.vector_store %arg6[%parallel_loop3A_574, %parallel_loop3A_575, %parallel_loop3A_576], %parallel_loop3A_579 {strides = array<i32>} : memref<5x128x128xf32, #tpu.memory_space<vmem>>, vector<1x1x16xf32>,
      } {sc.loop_unroll_factor = 4 : i64, sc.parallel_access}
      %dma_start3A_433 = arith.constant 4 : i32
      %dma_start3A_434 = arith.constant 4 : i32
      %dma_start3A_435 = arith.constant 0 : i32
      %dma_start3A_436 = arith.constant 0 : i32
      %dma_start3A_437 = tpu.memref_slice %arg6[%dma_start3A_433, %dma_start3A_435, %dma_start3A_436] : memref<5x128x128xf32, #tpu.memory_space<vmem>> -> memref<1x128x128xf32, #tpu.memory_space<vmem>>
      %dma_start3A_438 = tpu.memref_squeeze %dma_start3A_437 : memref<1x128x128xf32, #tpu.memory_space<vmem>> -> memref<128x128xf32, #tpu.memory_space<vmem>>
      %dma_start3A_439 = arith.constant 0 : i32
      %dma_start3A_440 = tpu.memref_slice %arg4[%add3A_399, %mul3A_2, %dma_start3A_439] : memref<50x4096x128xf32, #tpu.memory_space<hbm>> -> memref<1x128x128xf32, #tpu.memory_space<hbm>>
      %dma_start3A_441 = tpu.memref_squeeze %dma_start3A_440 : memref<1x128x128xf32, #tpu.memory_space<hbm>> -> memref<128x128xf32, #tpu.memory_space<hbm>>
      %dma_start3A_442 = tpu.memref_slice %arg8[%dma_start3A_434] : memref<5x!tpu.dma_semaphore, #tpu.memory_space<semaphore_mem>> -> memref<1x!tpu.dma_semaphore, #tpu.memory_space<semaphore_mem>>
      %dma_start3A_443 = tpu.memref_squeeze %dma_start3A_442 : memref<1x!tpu.dma_semaphore, #tpu.memory_space<semaphore_mem>> -> memref<!tpu.dma_semaphore, #tpu.memory_space<semaphore_mem>>
      %dma_start3A_444 = arith.constant 0 : i32
      %dma_start3A_445 = tpu.memref_slice %arg4[%add3A_399, %mul3A_2, %dma_start3A_444] : memref<50x4096x128xf32, #tpu.memory_space<hbm>> -> memref<1x128x128xf32, #tpu.memory_space<hbm>>
      %dma_start3A_446 = tpu.memref_squeeze %dma_start3A_445 : memref<1x128x128xf32, #tpu.memory_space<hbm>> -> memref<128x128xf32, #tpu.memory_space<hbm>>
      %dma_start3A_447 = arith.constant 0 : i32
      %dma_start3A_448 = arith.constant 0 : i32
      %dma_start3A_449 = tpu.memref_slice %arg6[%dma_start3A_433, %dma_start3A_447, %dma_start3A_448] : memref<5x128x128xf32, #tpu.memory_space<vmem>> -> memref<1x128x128xf32, #tpu.memory_space<vmem>>
      %dma_start3A_450 = tpu.memref_squeeze %dma_start3A_449 : memref<1x128x128xf32, #tpu.memory_space<vmem>> -> memref<128x128xf32, #tpu.memory_space<vmem>>
      tpu.enqueue_dma source(%dma_start3A_450 : memref<128x128xf32, #tpu.memory_space<vmem>>) target(%dma_start3A_446 : memref<128x128xf32, #tpu.memory_space<hbm>>) target_semaphore(%dma_start3A_443 : memref<!tpu.dma_semaphore, #tpu.memory_space<semaphore_mem>>)
    }
    %scan3A_85 = arith.constant 10 : i32
    %dma_wait3A_86 = arith.constant 0 : i32
    %dma_wait3A_87 = arith.constant 0 : i32
    %dma_wait3A_88 = arith.constant 0 : i32
    %dma_wait3A_89 = arith.constant 0 : i32
    %dma_wait3A_90 = arith.constant 0 : i32
    %dma_wait3A_91 = tpu.memref_slice %arg6[%dma_wait3A_86, %dma_wait3A_89, %dma_wait3A_90] : memref<5x128x128xf32, #tpu.memory_space<vmem>> -> memref<1x128x128xf32, #tpu.memory_space<vmem>>
    %dma_wait3A_92 = tpu.memref_squeeze %dma_wait3A_91 : memref<1x128x128xf32, #tpu.memory_space<vmem>> -> memref<128x128xf32, #tpu.memory_space<vmem>>
    %dma_wait3A_93 = arith.constant 0 : i32
    %dma_wait3A_94 = tpu.memref_slice %arg4[%dma_wait3A_87, %mul3A_2, %dma_wait3A_93] : memref<50x4096x128xf32, #tpu.memory_space<hbm>> -> memref<1x128x128xf32, #tpu.memory_space<hbm>>
    %dma_wait3A_95 = tpu.memref_squeeze %dma_wait3A_94 : memref<1x128x128xf32, #tpu.memory_space<hbm>> -> memref<128x128xf32, #tpu.memory_space<hbm>>
    %dma_wait3A_96 = tpu.memref_slice %arg8[%dma_wait3A_88] : memref<5x!tpu.dma_semaphore, #tpu.memory_space<semaphore_mem>> -> memref<1x!tpu.dma_semaphore, #tpu.memory_space<semaphore_mem>>
    %dma_wait3A_97 = tpu.memref_squeeze %dma_wait3A_96 : memref<1x!tpu.dma_semaphore, #tpu.memory_space<semaphore_mem>> -> memref<!tpu.dma_semaphore, #tpu.memory_space<semaphore_mem>>
    %dma_wait3A_98 = arith.constant 0 : i32
    %dma_wait3A_99 = tpu.memref_slice %arg4[%dma_wait3A_87, %mul3A_2, %dma_wait3A_98] : memref<50x4096x128xf32, #tpu.memory_space<hbm>> -> memref<1x128x128xf32, #tpu.memory_space<hbm>>
    %dma_wait3A_100 = tpu.memref_squeeze %dma_wait3A_99 : memref<1x128x128xf32, #tpu.memory_space<hbm>> -> memref<128x128xf32, #tpu.memory_space<hbm>>
    %dma_wait3A_101 = arith.constant 0 : i32
    %dma_wait3A_102 = arith.constant 0 : i32
    %dma_wait3A_103 = tpu.memref_slice %arg6[%dma_wait3A_86, %dma_wait3A_101, %dma_wait3A_102] : memref<5x128x128xf32, #tpu.memory_space<vmem>> -> memref<1x128x128xf32, #tpu.memory_space<vmem>>
    %dma_wait3A_104 = tpu.memref_squeeze %dma_wait3A_103 : memref<1x128x128xf32, #tpu.memory_space<vmem>> -> memref<128x128xf32, #tpu.memory_space<vmem>>
    tpu.wait_dma2 semaphore(%dma_wait3A_97 : memref<!tpu.dma_semaphore, #tpu.memory_space<semaphore_mem>>) src(%dma_wait3A_104 : memref<128x128xf32, #tpu.memory_space<vmem>>) dst(%dma_wait3A_100 : memref<128x128xf32, #tpu.memory_space<hbm>>)
    %dma_wait3A_105 = arith.constant 1 : i32
    %dma_wait3A_106 = arith.constant 0 : i32
    %dma_wait3A_107 = arith.constant 1 : i32
    %dma_wait3A_108 = arith.constant 0 : i32
    %dma_wait3A_109 = arith.constant 0 : i32
    %dma_wait3A_110 = tpu.memref_slice %arg6[%dma_wait3A_105, %dma_wait3A_108, %dma_wait3A_109] : memref<5x128x128xf32, #tpu.memory_space<vmem>> -> memref<1x128x128xf32, #tpu.memory_space<vmem>>
    %dma_wait3A_111 = tpu.memref_squeeze %dma_wait3A_110 : memref<1x128x128xf32, #tpu.memory_space<vmem>> -> memref<128x128xf32, #tpu.memory_space<vmem>>
    %dma_wait3A_112 = arith.constant 0 : i32
    %dma_wait3A_113 = tpu.memref_slice %arg4[%dma_wait3A_106, %mul3A_2, %dma_wait3A_112] : memref<50x4096x128xf32, #tpu.memory_space<hbm>> -> memref<1x128x128xf32, #tpu.memory_space<hbm>>
    %dma_wait3A_114 = tpu.memref_squeeze %dma_wait3A_113 : memref<1x128x128xf32, #tpu.memory_space<hbm>> -> memref<128x128xf32, #tpu.memory_space<hbm>>
    %dma_wait3A_115 = tpu.memref_slice %arg8[%dma_wait3A_107] : memref<5x!tpu.dma_semaphore, #tpu.memory_space<semaphore_mem>> -> memref<1x!tpu.dma_semaphore, #tpu.memory_space<semaphore_mem>>
    %dma_wait3A_116 = tpu.memref_squeeze %dma_wait3A_115 : memref<1x!tpu.dma_semaphore, #tpu.memory_space<semaphore_mem>> -> memref<!tpu.dma_semaphore, #tpu.memory_space<semaphore_mem>>
    %dma_wait3A_117 = arith.constant 0 : i32
    %dma_wait3A_118 = tpu.memref_slice %arg4[%dma_wait3A_106, %mul3A_2, %dma_wait3A_117] : memref<50x4096x128xf32, #tpu.memory_space<hbm>> -> memref<1x128x128xf32, #tpu.memory_space<hbm>>
    %dma_wait3A_119 = tpu.memref_squeeze %dma_wait3A_118 : memref<1x128x128xf32, #tpu.memory_space<hbm>> -> memref<128x128xf32, #tpu.memory_space<hbm>>
    %dma_wait3A_120 = arith.constant 0 : i32
    %dma_wait3A_121 = arith.constant 0 : i32
    %dma_wait3A_122 = tpu.memref_slice %arg6[%dma_wait3A_105, %dma_wait3A_120, %dma_wait3A_121] : memref<5x128x128xf32, #tpu.memory_space<vmem>> -> memref<1x128x128xf32, #tpu.memory_space<vmem>>
    %dma_wait3A_123 = tpu.memref_squeeze %dma_wait3A_122 : memref<1x128x128xf32, #tpu.memory_space<vmem>> -> memref<128x128xf32, #tpu.memory_space<vmem>>
    tpu.wait_dma2 semaphore(%dma_wait3A_116 : memref<!tpu.dma_semaphore, #tpu.memory_space<semaphore_mem>>) src(%dma_wait3A_123 : memref<128x128xf32, #tpu.memory_space<vmem>>) dst(%dma_wait3A_119 : memref<128x128xf32, #tpu.memory_space<hbm>>)
    %dma_wait3A_124 = arith.constant 2 : i32
    %dma_wait3A_125 = arith.constant 0 : i32
    %dma_wait3A_126 = arith.constant 2 : i32
    %dma_wait3A_127 = arith.constant 0 : i32
    %dma_wait3A_128 = arith.constant 0 : i32
    %dma_wait3A_129 = tpu.memref_slice %arg6[%dma_wait3A_124, %dma_wait3A_127, %dma_wait3A_128] : memref<5x128x128xf32, #tpu.memory_space<vmem>> -> memref<1x128x128xf32, #tpu.memory_space<vmem>>
    %dma_wait3A_130 = tpu.memref_squeeze %dma_wait3A_129 : memref<1x128x128xf32, #tpu.memory_space<vmem>> -> memref<128x128xf32, #tpu.memory_space<vmem>>
    %dma_wait3A_131 = arith.constant 0 : i32
    %dma_wait3A_132 = tpu.memref_slice %arg4[%dma_wait3A_125, %mul3A_2, %dma_wait3A_131] : memref<50x4096x128xf32, #tpu.memory_space<hbm>> -> memref<1x128x128xf32, #tpu.memory_space<hbm>>
    %dma_wait3A_133 = tpu.memref_squeeze %dma_wait3A_132 : memref<1x128x128xf32, #tpu.memory_space<hbm>> -> memref<128x128xf32, #tpu.memory_space<hbm>>
    %dma_wait3A_134 = tpu.memref_slice %arg8[%dma_wait3A_126] : memref<5x!tpu.dma_semaphore, #tpu.memory_space<semaphore_mem>> -> memref<1x!tpu.dma_semaphore, #tpu.memory_space<semaphore_mem>>
    %dma_wait3A_135 = tpu.memref_squeeze %dma_wait3A_134 : memref<1x!tpu.dma_semaphore, #tpu.memory_space<semaphore_mem>> -> memref<!tpu.dma_semaphore, #tpu.memory_space<semaphore_mem>>
    %dma_wait3A_136 = arith.constant 0 : i32
    %dma_wait3A_137 = tpu.memref_slice %arg4[%dma_wait3A_125, %mul3A_2, %dma_wait3A_136] : memref<50x4096x128xf32, #tpu.memory_space<hbm>> -> memref<1x128x128xf32, #tpu.memory_space<hbm>>
    %dma_wait3A_138 = tpu.memref_squeeze %dma_wait3A_137 : memref<1x128x128xf32, #tpu.memory_space<hbm>> -> memref<128x128xf32, #tpu.memory_space<hbm>>
    %dma_wait3A_139 = arith.constant 0 : i32
    %dma_wait3A_140 = arith.constant 0 : i32
    %dma_wait3A_141 = tpu.memref_slice %arg6[%dma_wait3A_124, %dma_wait3A_139, %dma_wait3A_140] : memref<5x128x128xf32, #tpu.memory_space<vmem>> -> memref<1x128x128xf32, #tpu.memory_space<vmem>>
    %dma_wait3A_142 = tpu.memref_squeeze %dma_wait3A_141 : memref<1x128x128xf32, #tpu.memory_space<vmem>> -> memref<128x128xf32, #tpu.memory_space<vmem>>
    tpu.wait_dma2 semaphore(%dma_wait3A_135 : memref<!tpu.dma_semaphore, #tpu.memory_space<semaphore_mem>>) src(%dma_wait3A_142 : memref<128x128xf32, #tpu.memory_space<vmem>>) dst(%dma_wait3A_138 : memref<128x128xf32, #tpu.memory_space<hbm>>)
    %dma_wait3A_143 = arith.constant 3 : i32
    %dma_wait3A_144 = arith.constant 0 : i32
    %dma_wait3A_145 = arith.constant 3 : i32
    %dma_wait3A_146 = arith.constant 0 : i32
    %dma_wait3A_147 = arith.constant 0 : i32
    %dma_wait3A_148 = tpu.memref_slice %arg6[%dma_wait3A_143, %dma_wait3A_146, %dma_wait3A_147] : memref<5x128x128xf32, #tpu.memory_space<vmem>> -> memref<1x128x128xf32, #tpu.memory_space<vmem>>
    %dma_wait3A_149 = tpu.memref_squeeze %dma_wait3A_148 : memref<1x128x128xf32, #tpu.memory_space<vmem>> -> memref<128x128xf32, #tpu.memory_space<vmem>>
    %dma_wait3A_150 = arith.constant 0 : i32
    %dma_wait3A_151 = tpu.memref_slice %arg4[%dma_wait3A_144, %mul3A_2, %dma_wait3A_150] : memref<50x4096x128xf32, #tpu.memory_space<hbm>> -> memref<1x128x128xf32, #tpu.memory_space<hbm>>
    %dma_wait3A_152 = tpu.memref_squeeze %dma_wait3A_151 : memref<1x128x128xf32, #tpu.memory_space<hbm>> -> memref<128x128xf32, #tpu.memory_space<hbm>>
    %dma_wait3A_153 = tpu.memref_slice %arg8[%dma_wait3A_145] : memref<5x!tpu.dma_semaphore, #tpu.memory_space<semaphore_mem>> -> memref<1x!tpu.dma_semaphore, #tpu.memory_space<semaphore_mem>>
    %dma_wait3A_154 = tpu.memref_squeeze %dma_wait3A_153 : memref<1x!tpu.dma_semaphore, #tpu.memory_space<semaphore_mem>> -> memref<!tpu.dma_semaphore, #tpu.memory_space<semaphore_mem>>
    %dma_wait3A_155 = arith.constant 0 : i32
    %dma_wait3A_156 = tpu.memref_slice %arg4[%dma_wait3A_144, %mul3A_2, %dma_wait3A_155] : memref<50x4096x128xf32, #tpu.memory_space<hbm>> -> memref<1x128x128xf32, #tpu.memory_space<hbm>>
    %dma_wait3A_157 = tpu.memref_squeeze %dma_wait3A_156 : memref<1x128x128xf32, #tpu.memory_space<hbm>> -> memref<128x128xf32, #tpu.memory_space<hbm>>
    %dma_wait3A_158 = arith.constant 0 : i32
    %dma_wait3A_159 = arith.constant 0 : i32
    %dma_wait3A_160 = tpu.memref_slice %arg6[%dma_wait3A_143, %dma_wait3A_158, %dma_wait3A_159] : memref<5x128x128xf32, #tpu.memory_space<vmem>> -> memref<1x128x128xf32, #tpu.memory_space<vmem>>
    %dma_wait3A_161 = tpu.memref_squeeze %dma_wait3A_160 : memref<1x128x128xf32, #tpu.memory_space<vmem>> -> memref<128x128xf32, #tpu.memory_space<vmem>>
    tpu.wait_dma2 semaphore(%dma_wait3A_154 : memref<!tpu.dma_semaphore, #tpu.memory_space<semaphore_mem>>) src(%dma_wait3A_161 : memref<128x128xf32, #tpu.memory_space<vmem>>) dst(%dma_wait3A_157 : memref<128x128xf32, #tpu.memory_space<hbm>>)
    %dma_wait3A_162 = arith.constant 4 : i32
    %dma_wait3A_163 = arith.constant 0 : i32
    %dma_wait3A_164 = arith.constant 4 : i32
    %dma_wait3A_165 = arith.constant 0 : i32
    %dma_wait3A_166 = arith.constant 0 : i32
    %dma_wait3A_167 = tpu.memref_slice %arg6[%dma_wait3A_162, %dma_wait3A_165, %dma_wait3A_166] : memref<5x128x128xf32, #tpu.memory_space<vmem>> -> memref<1x128x128xf32, #tpu.memory_space<vmem>>
    %dma_wait3A_168 = tpu.memref_squeeze %dma_wait3A_167 : memref<1x128x128xf32, #tpu.memory_space<vmem>> -> memref<128x128xf32, #tpu.memory_space<vmem>>
    %dma_wait3A_169 = arith.constant 0 : i32
    %dma_wait3A_170 = tpu.memref_slice %arg4[%dma_wait3A_163, %mul3A_2, %dma_wait3A_169] : memref<50x4096x128xf32, #tpu.memory_space<hbm>> -> memref<1x128x128xf32, #tpu.memory_space<hbm>>
    %dma_wait3A_171 = tpu.memref_squeeze %dma_wait3A_170 : memref<1x128x128xf32, #tpu.memory_space<hbm>> -> memref<128x128xf32, #tpu.memory_space<hbm>>
    %dma_wait3A_172 = tpu.memref_slice %arg8[%dma_wait3A_164] : memref<5x!tpu.dma_semaphore, #tpu.memory_space<semaphore_mem>> -> memref<1x!tpu.dma_semaphore, #tpu.memory_space<semaphore_mem>>
    %dma_wait3A_173 = tpu.memref_squeeze %dma_wait3A_172 : memref<1x!tpu.dma_semaphore, #tpu.memory_space<semaphore_mem>> -> memref<!tpu.dma_semaphore, #tpu.memory_space<semaphore_mem>>
    %dma_wait3A_174 = arith.constant 0 : i32
    %dma_wait3A_175 = tpu.memref_slice %arg4[%dma_wait3A_163, %mul3A_2, %dma_wait3A_174] : memref<50x4096x128xf32, #tpu.memory_space<hbm>> -> memref<1x128x128xf32, #tpu.memory_space<hbm>>
    %dma_wait3A_176 = tpu.memref_squeeze %dma_wait3A_175 : memref<1x128x128xf32, #tpu.memory_space<hbm>> -> memref<128x128xf32, #tpu.memory_space<hbm>>
    %dma_wait3A_177 = arith.constant 0 : i32
    %dma_wait3A_178 = arith.constant 0 : i32
    %dma_wait3A_179 = tpu.memref_slice %arg6[%dma_wait3A_162, %dma_wait3A_177, %dma_wait3A_178] : memref<5x128x128xf32, #tpu.memory_space<vmem>> -> memref<1x128x128xf32, #tpu.memory_space<vmem>>
    %dma_wait3A_180 = tpu.memref_squeeze %dma_wait3A_179 : memref<1x128x128xf32, #tpu.memory_space<vmem>> -> memref<128x128xf32, #tpu.memory_space<vmem>>
    tpu.wait_dma2 semaphore(%dma_wait3A_173 : memref<!tpu.dma_semaphore, #tpu.memory_space<semaphore_mem>>) src(%dma_wait3A_180 : memref<128x128xf32, #tpu.memory_space<vmem>>) dst(%dma_wait3A_176 : memref<128x128xf32, #tpu.memory_space<hbm>>)
    return
  }
}

</mosaic_0001>

<sc_bundles>
// kernel: kernel.3.cloned.1.call-start
scs
__scs_entry_jumppad:
0x0: {  	(pc) =	sbr.rel $0x88, $3  }
0x1: {  	(tag) =	ssettag $0x0;
	lr =	simm.s32 $0x1  }
0x2: {  	[smem:$0x3F9F] =	sst lr;
	_ =	strace $0xD0000000  }
0x3: {  	_ = 	snop  }
0x4: {  	_ = 	snop  }
0x5: {  	_ = 	snop  }
0x6: {  	_ = 	snop  }
0x7: {  	_ = 	snop  }
__scs_overlays_trampoline_lowered:
0x8: {  	[smem:$0x3FAE] =	sst s0  }
0x9: {  	[smem:$0x3FAF] =	sst s1  }
0xa: {  	[smem:$0x3FB0] =	sst s2  }
0xb: {  	[smem:$0x3FB1] =	sst s3  }
0xc: {  	[smem:$0x3FB2] =	sst s4  }
0xd: {  	[smem:$0x3FB3] =	sst s5  }
0xe: {  	[smem:$0x3FB4] =	sst s6  }
0xf: {  	[smem:$0x3FB5] =	sst s7  }
0x10: {  	[smem:$0x3FB6] =	sst s8  }
0x11: {  	[smem:$0x3FB7] =	sst s9;
	s0 =	simm.s32 @!p0 $0x0  }
0x12: {  	s1 =	sld [smem:$0x3F9D];
	s0 =	simm.s32 @p0 $0x1  }
0x13: {  	[smem:$0x3FB8] =	sst s0;
	s0 =	simm.s32 @!p1 $0x0  }
0x14: {  	s2 =	sld [smem:$0x3F9C];
	s0 =	simm.s32 @p1 $0x1  }
0x15: {  	[smem:$0x3FB9] =	sst s0;
	s0 =	simm.s32 @!p2 $0x0  }
0x16: {  	s3 =	sld [smem:$0x3FDB];
	s0 =	simm.s32 @p2 $0x1  }
0x17: {  	s4 =	simm.s32 $0x1BF5;
	[smem:$0x3FBB] =	sst s0  }
0x18: {  	s0 =	sld [smem:$0x3F9E];
	_ =	swait.ge [sflag:s4], $0x0  }
0x19: {  	s7 =	sld [smem:$0x3F9F]  }
0x1a: {  	s8 =	sadd.s32 $0xFFFFE003, lr  }
0x1b: {  	s9 =	sadd.s32 $0xFFFFFEF7, lr;
	s5 =	simm.s32 $0xFFFFFFFF;
	p2 =	slt.u32 s8, $0xFFFFF086  }
0x1c: {  	p1 =	slt.u32 s9, $0xF7A;
	s5 =	simm.s32 @!p2 $0x0  }
0x1d: {  	s5 =	simm.s32 @p1 $0x1;
	p0 =	seq.s32 s7, s2  }
0x1e: {  	s7 =	smul.u32 @!p0 $0xF7A, s2;
	p2 =	seq.s32 @!p0 s5, $0x0  }
0x1f: {  	s9 =	smul.u32 $0xF7A, s1;
	s8 =	simm.s32 @!p0 $0x1BF5;
	p2 =	por !p2, p0  }
0x20: {  	[sflag:s8] =	ssyncset.s32 @!p0 $0xFFFFF086;
	s6 =	sadd.s32 @!p0 s3, s7;
	s7 =	simm.s32 @!p0 $0x108  }
0x21: {  	s3 =	sadd.s32 s3, s9;
	s6 =	sadd.s32 @!p0 $0x88, s6;
	s7 =	simm.s32 @p2 $0x1082  }
0x22: {  	[simem:s7], [sflag:s8] =	dma.local @!p0 [hbm:s6], $0xF7A  }
0x23: {  	s9 =	sor.u32 $0xD0000000, s2;
	s6 =	simm.s32 $0x108;
	_ =	swait.ge @!p0 [sflag:s8], $0x0  }
0x24: {  	s3 =	sadd.s32 $0x88, s3;
	s6 =	simm.s32 @!p1 $0x1082;
	[sflag:s4] =	ssyncset.s32 $0xFFFFF086  }
0x25: {  	[simem:s6], [sflag:s4] =	dma.local [hbm:s3], $0xF7A  }
0x26: {  	[smem:$0x3F9F] =	sst s1;
	(tag) =	ssettag s2;
	_ =	strace s9  }
0x27: {  	s1 =	sld [smem:$0x3FAF]  }
0x28: {  	s2 =	sld [smem:$0x3FB0]  }
0x29: {  	s4 =	sld [smem:$0x3FB2]  }
0x2a: {  	p0 =	seq.s32 s5, $0x0;
	s5 =	sld [smem:$0x3FB3]  }
0x2b: {  	s6 =	sld [smem:$0x3FB4]  }
0x2c: {  	s7 =	sld [smem:$0x3FB5]  }
0x2d: {  	s3 =	simm.s32 $0x108;
	s8 =	sld [smem:$0x3FB6]  }
0x2e: {  	s3 =	simm.s32 @!p0 $0x1082;
	s9 =	sld [smem:$0x3FB7]  }
0x2f: {  	lr =	sadd.s32 s0, s3;
	s0 =	sld [smem:$0x3FAE]  }
0x30: {  	s3 =	sld [smem:$0x3FB1]  }
0x31: {  	[smem:$0x3FBA] =	sst s10  }
0x32: {  	s10 =	sld [smem:$0x3FB8];
	_ =	sdelay $0x3  }
0x33: {  	p0 =	seq.s32 s10, $0x1;
	s10 =	sld [smem:$0x3FBA];
	_ =	sdelay $0x3  }
0x34: {  	[smem:$0x3FBA] =	sst s10  }
0x35: {  	s10 =	sld [smem:$0x3FB9];
	_ =	sdelay $0x3  }
0x36: {  	p1 =	seq.s32 s10, $0x1;
	s10 =	sld [smem:$0x3FBA];
	_ =	sdelay $0x3  }
0x37: {  	[smem:$0x3FBA] =	sst s10  }
0x38: {  	s10 =	sld [smem:$0x3FBB]  }
0x39: {  	_ = 	snop;
	(pc) =	sbr.ind lr, $3  }
0x3a: {  	_ = 	snop  }
0x3b: {  	_ = 	snop  }
0x3c: {  	p2 =	seq.s32 s10, $0x1;
	s10 =	sld [smem:$0x3FBA]  }
0x3d: {  	_ =	shalt  }
0x3e: {  	_ =	shalt  }
0x3f: {  	_ =	shalt  }
0x40: {  	_ =	shalt  }
0x41: {  	_ =	shalt  }
0x42: {  	_ =	shalt  }
0x43: {  	_ =	shalt  }
0x44: {  	_ =	shalt  }
0x45: {  	_ =	shalt  }
0x46: {  	_ =	shalt  }
0x47: {  	_ =	shalt  }
0x48: {  	_ =	shalt  }
0x49: {  	_ =	shalt  }
0x4a: {  	_ =	shalt  }
0x4b: {  	_ =	shalt  }
0x4c: {  	_ =	shalt  }
0x4d: {  	_ =	shalt  }
0x4e: {  	_ =	shalt  }
0x4f: {  	_ =	shalt  }
0x50: {  	_ =	shalt  }
0x51: {  	_ =	shalt  }
0x52: {  	_ =	shalt  }
0x53: {  	_ =	shalt  }
0x54: {  	_ =	shalt  }
0x55: {  	_ =	shalt  }
0x56: {  	_ =	shalt  }
0x57: {  	_ =	shalt  }
0x58: {  	_ =	shalt  }
0x59: {  	_ =	shalt  }
0x5a: {  	_ =	shalt  }
0x5b: {  	_ =	shalt  }
0x5c: {  	_ =	shalt  }
0x5d: {  	_ =	shalt  }
0x5e: {  	_ =	shalt  }
0x5f: {  	_ =	shalt  }
0x60: {  	_ =	shalt  }
0x61: {  	_ =	shalt  }
0x62: {  	_ =	shalt  }
0x63: {  	_ =	shalt  }
0x64: {  	_ =	shalt  }
0x65: {  	_ =	shalt  }
0x66: {  	_ =	shalt  }
0x67: {  	_ =	shalt  }
0x68: {  	_ =	shalt  }
0x69: {  	_ =	shalt  }
0x6a: {  	_ =	shalt  }
0x6b: {  	_ =	shalt  }
0x6c: {  	_ =	shalt  }
0x6d: {  	_ =	shalt  }
0x6e: {  	_ =	shalt  }
0x6f: {  	_ =	shalt  }
0x70: {  	_ =	shalt  }
0x71: {  	_ =	shalt  }
0x72: {  	_ =	shalt  }
0x73: {  	_ =	shalt  }
0x74: {  	_ =	shalt  }
0x75: {  	_ =	shalt  }
0x76: {  	_ =	shalt  }
0x77: {  	_ =	shalt  }
0x78: {  	_ =	shalt  }
0x79: {  	_ =	shalt  }
0x7a: {  	_ =	shalt  }
0x7b: {  	_ =	shalt  }
0x7c: {  	_ =	shalt  }
0x7d: {  	_ =	shalt  }
0x7e: {  	_ =	shalt  }
0x7f: {  	_ =	shalt  }
0x80: {  	_ =	shalt  }
0x81: {  	_ =	shalt  }
0x82: {  	_ =	shalt  }
0x83: {  	_ =	shalt  }
0x84: {  	_ =	shalt  }
0x85: {  	_ =	shalt  }
0x86: {  	_ =	shalt  }
0x87: {  	_ =	shalt  }
.Lfunc_end0:
.L_simem_size_0:
called_computation_lowered:
.L_overlay_start_0:
0x88: {  	s2 =	sld [smem:$0x3FD9]  }
0x89: {  	s3 =	sld [smem:$0x3FFE];
	_ =	sdelay $0x1  }
0x8a: {  	s1 =	srdreg.scid  }
0x8b: {  	s0 =	sand.u32 $0x1, s1  }
0x8c: {  	s18 =	sshll.u32 s0, $0xA;
	s2 =	sadd.s32 s3, s2  }
0x8d: {  	s2 =	sadd.s32 s2, s18  }
0x8e: {  	[smem:$0x3FC6] =	sst s2  }
0x8f: {  	_ = 	snop  }
0x90: {  	s2 =	sld [smem:$0x3FC9]  }
0x91: {  	s19 =	sld [smem:$0x3FC8]  }
0x92: {  	s4 =	sld [smem:$0x3FD0];
	(tm) =	ssettm $0x1  }
0x93: {  	s5 =	sld [smem:$0x3FFB];
	_ =	sdelay $0x3  }
0x94: {  	_ =	strace s5  }
0x95: {  	s5 =	sld [smem:$0x3FFC];
	_ =	sdelay $0x3  }
0x96: {  	_ =	strace s5  }
0x97: {  	s5 =	sld [smem:$0x3FFD];
	_ =	sdelay $0x3  }
0x98: {  	_ =	strace s5  }
0x99: {  	_ =	strace $0x8FFFFFFF  }
0x9a: {  	s20 =	sld [smem:$0x3FDB];
	_ =	sdelay $0x1  }
0x9b: {  	s6 =	simm.s32 $_scs_section_size  }
0x9c: {  	s7 =	simm.s32 $_size__tile_overlayer_lowered;
	s8 =	simm.s32 $_tile_overlayer_lowered  }
0x9d: {  	s23 =	simm.s32 $0x1BFF;
	s22 =	sshll.u32 s8, $0x1;
	s5 =	sadd.s32 s6, s20  }
0x9e: {  	s9 =	simm.s32 $0x0;
	s21 =	sshll.u32 s7, $0x1;
	s7 =	sadd.s32 s22, s5  }
0x9f: {  	[timem:s9], [sflag:s23] =	dma.local [hbm:s7], s21  }
0xa0: {  	_ =	swait.ge [sflag:s23], s21  }
0xa1: {  	s6 =	ssub.s32 $0x0, s21;
	[sflag:s23] =	ssyncset.done $0x0  }
0xa2: {  	[sflag:s23] =	ssyncadd.s32 s6;
	_ =	sdelay $0x1  }
0xa3: {  	s24 =	simm.s32 $0x1B8B  }
0xa4: {  	_ =	swait.ge [sflag:s24], $0x1  }
0xa5: {  	[sflag:s24] =	ssyncset.done $0x0  }
0xa6: {  	s25 =	simm.s32 $0x1B8E;
	[sflag:s24] =	ssyncadd.s32 $0xFFFFFFFF  }
0xa7: {  	s26 =	simm.s32 $execute0_lowered;
	[smem:$0x3FD2] =	sst s25  }
0xa8: {  	s6 =	sshll.u32 s26, $0x1;
	_ =	strace $0x80000046;
	[dreg:$0x1] =	wrdreg $0xFFFFFFFF  }
0xa9: {  	s28 =	simm.s32 $_size_execute0_lowered;
	s5 =	sadd.s32 s5, s6;
	[dreg:$0x0] =	wrdreg $0x0  }
0xaa: {  	s6 =	sshll.u32 s28, $0x1;
	[dreg:$0x2] =	wrdreg s5  }
0xab: {  	[dreg:$0x3] =	wrdreg s6  }
0xac: {  	[dreg:$0x4] =	wrdreg $0xC0  }
0xad: {  	_ =	task [dreg:s9], $0x5FFFF  }
0xae: {  	[dreg:$0x1] =	wrdreg $0xFFFFFFFF  }
0xaf: {  	[dreg:$0x0] =	wrdreg $0x60  }
0xb0: {  	[dreg:$0x2] =	wrdreg s2  }
0xb1: {  	[dreg:$0x3] =	wrdreg s19  }
0xb2: {  	[dreg:$0x4] =	wrdreg s4  }
0xb3: {  	[dreg:$0x5] =	wrdreg $0x9  }
0xb4: {  	_ =	task.clear_ibuf [dreg:s9], $0x6FFFF;
	_ =	strace $0x90000046  }
0xb5: {  	s29 =	simm.s32 $0x9;
	_ =	strace $0x80000048  }
0xb6: {  	_ =	swait.ge [sflag:s29], $0x1  }
0xb7: {  	[sflag:s29] =	ssyncadd.s32 $0xFFFFFFFF  }
0xb8: {  	_ =	strace $0x90000048  }
0xb9: {  	_ =	sfence  }
0xba: {  	s30 =	sld [smem:$0x0];
	_ =	sdelay $0x2  }
0xbb: {  	s31 =	sshll.u32 s1, $0xD;
	s1 =	sshrl.u32 s1, $0x2  }
0xbc: {  	s3 =	sand.u32 $0x4000, s31;
	s1 =	sadd.s32 s1, s30  }
0xbd: {  	s0 =	sor.u32 s3, s0;
	s1 =	sshll.u32 s1, $0x11  }
0xbe: {  	s0 =	sor.u32 s1, s0  }
0xbf: {  	s0 =	sadd.s32 $0x8F2B, s0  }
0xc0: {  	[sflag:s0] =	ssyncadd.remote.s32 $0x1  }
0xc1: {  	_ =	sfence.sel $0xFFFF  }
0xc2: {  	[dreg:$0x0] =	wrdreg $0xFFFFFFFF;
	(pc) =	sbr.abs _section_cstart, $3  }
0xc3: {  	[dreg:$0x1] =	wrdreg $0xFFFFFFFF  }
0xc4: {  	_ =	task.clear_ibuf [dreg:s9], $0x2FFFF;
	_ =	strace $0x9FFFFFFF  }
0xc5: {  	(tm) =	ssettm $0x7FFFFFFF  }
tec
execute0_lowered:
.L_overlay_start_1:
0x0: {  	(tag) =	ssettag $0x1  }
0x1: {  	s0 =	rddreg [dreg:$0x0]  }
0x2: {  	s1 =	rddreg [dreg:$0x1]  }
0x3: {  	s2 =	rddreg [dreg:$0x2];
	s4 =	simm.s32 $0x0;
	s3 =	srdreg.scid  }
0x4: {  	s6 =	stileid.u32;
	s17 =	simm.s32 $0x80;
	s18 =	simm.s32 $0x1C00  }
0x5: {  	s19 =	simm.s32 $0x5C00;
	s21 =	simm.s32 $0x9C00;
	s23 =	simm.s32 $0xDC00  }
0x6: {  	s25 =	simm.s32 $0x1;
	s28 =	simm.s32 $0x2;
	s29 =	simm.s32 $0x3  }
0x7: {  	s30 =	simm.s32 $0x4;
	s31 =	simm.s32 $0x5;
	s13 =	simm.s32 $0x8  }
0x8: {  	s14 =	simm.s32 $0x9;
	s16 =	simm.s32 $0xA;
	s3 =	sand.u32 $0x1, s3  }
0x9: {  	s20 =	simm.s32 $0x0;
	[smem:$0x7FF] =	sst s4;
	s5 =	ssub.s32 $0x2, s3  }
0xa: {  	s6 =	sshll.u32 s6, $0x8;
	s3 =	sshll.u32 s3, $0x7;
	s7 =	sshrl.u32 s5, $0x1  }
0xb: {  	_ =	strace $0x80000047;
	s3 =	sor.u32 s3, s6;
	s5 =	ssub.s32 s5, s7  }
0xc: {  	s0 =	sadd.s32 s0, s3;
	s6 =	sshll.u32 s3, $0x7;
	s3 =	simm.s32 $0x7  }
0xd: {  	[dreg:$0x4] =	wrdreg s0;
	s0 =	sadd.s32 $0x1000, s0;
	s26 =	smax.u32 s5, $0x1  }
0xe: {  	s8 =	sor.u32 $0x80000, s6;
	s9 =	sor.u32 $0x100000, s6;
	[dreg:$0x6] =	wrdreg s26  }
0xf: {  	s10 =	sor.u32 $0x180000, s6;
	[dreg:$0x5] =	wrdreg s0;
	s0 =	sadd.s32 $0x5000, s0  }
0x10: {  	s26 =	simm.s32 $0x11C00;
	[dreg:$0x7] =	wrdreg s0;
	s0 =	simm.s32 $0x6  }
.LBB2_1:
0x11: {  	s5 =	rddreg [dreg:$0x4];
	s22 =	simm.s32 $0xC  }
0x12: {  	[tilespmem:s4], [sflag:$0xC] =	stream.linear.gather [hbm4b:s5+s4], $0x400, $0x38;
	[tilespmem:$0x15C00] =	vst v63  }
0x13: {  	_ =	swait.ge [sflag:s22], $0x400  }
0x14: {  	s7 =	simm.s32 $0x8000;
	[sflag:s22] =	ssyncset.done $0x0  }
0x15: {  	s11 =	simm.s32 $0x400;
	s24 =	rddreg [dreg:$0x5];
	[sflag:s22] =	ssyncadd.s32 $0xFFFFFC00  }
0x16: {  	[tilespmem:s11], [sflag:$0xB] =	stream.strided.gather [hbm4b:s24+s11], $0x1400, s7, s11, $0x38;
	[tilespmem:$0x15C00] =	vst v63  }
0x17: {  	s12 =	simm.s32 $0x1800;
	s11 =	rddreg [dreg:$0x7]  }
0x18: {  	[tilespmem:s12], [sflag:$0xB] =	stream.linear.gather [hbm4b:s11+s4], $0x100, $0x38;
	[tilespmem:$0x15C00] =	vst v63  }
0x19: {  	_ = 	snop  }
0x1a: {  	[tilespmem:s18], [sflag:$0x1] =	stream.indirect.gather [hbm4b:s1+s17], $0x80, s4, s17, $0xb8;
	[tilespmem:$0x15C00] =	vst v63  }
0x1b: {  	_ = 	snop  }
0x1c: {  	[tilespmem:s19], [sflag:$0x2] =	stream.indirect.gather [hbm4b:s1+s17], $0x80, s17, s17, $0xb8;
	[tilespmem:$0x15C00] =	vst v63  }
0x1d: {  	s15 =	simm.s32 $0x100  }
0x1e: {  	[tilespmem:s21], [sflag:$0x3] =	stream.indirect.gather [hbm4b:s1+s17], $0x80, s15, s17, $0xb8;
	[tilespmem:$0x15C00] =	vst v63  }
0x1f: {  	s22 =	simm.s32 $0x180;
	s24 =	simm.s32 $0xB  }
0x20: {  	[tilespmem:s23], [sflag:$0x4] =	stream.indirect.gather [hbm4b:s1+s17], $0x80, s22, s17, $0xb8;
	[tilespmem:$0x15C00] =	vst v63  }
0x21: {  	_ =	swait.ge [sflag:s24], $0x1500  }
0x22: {  	[sflag:s24] =	ssyncset.done $0x0  }
0x23: {  	s22 =	simm.s32 $0x0;
	[sflag:s24] =	ssyncadd.s32 $0xFFFFEB00  }
.LBB2_2:
0x24: {  	_ =	swait.ge [sflag:s25], $0x4000  }
0x25: {  	s5 =	smul.u32 $0x5, s22;
	p0 =	seq.s32 s22, $0x0;
	[sflag:s25] =	ssyncset.done $0x0  }
0x26: {  	s7 =	simm.s32 @!p0 $0xA;
	[sflag:s25] =	ssyncadd.s32 $0xFFFFC000  }
0x27: {  	s11 =	sadd.s32 $0x4, s5;
	_ =	swait.ge @!p0 [sflag:s7], $0x4000  }
0x28: {  	s5 =	sshll.u32 s11, $0x7;
	[sflag:s7] =	ssyncset.done @!p0 $0x0  }
0x29: {  	s5 =	sand.u32 $0x3FFFFF80, s5;
	[sflag:s7] =	ssyncadd.s32 @!p0 $0xFFFFC000  }
0x2a: {  	[tilespmem:s26], [sflag:$0x5] =	stream.indirect.gather [hbm4b:s1+s17], $0x80, s5, s17, $0xb8;
	[tilespmem:$0x15C00] =	vst v63  }
0x2b: {  	s5 =	simm.s32 $0x1D00  }
0x2c: {  	v0 =	vld [tilespmem:s5+$0xF0]  }
0x2d: {  	v1 =	vld [tilespmem:s5+$0xFFFFFF10]  }
0x2e: {  	v2 =	vld [tilespmem:s5+$0xFFFFFF20]  }
0x2f: {  	v3 =	vld [tilespmem:s5+$0xFFFFFF30]  }
0x30: {  	v6 =	vld [tilespmem:s5+$0xFFFFFF60]  }
0x31: {  	v4 =	vld [tilespmem:s5+$0xFFFFFF40]  }
0x32: {  	v5 =	vld [tilespmem:s5+$0xFFFFFF50];
	v0 =	vmul.f32 $1.131370830e+01, v0  }
0x33: {  	v8 =	vld [tilespmem:s5+$0xFFFFFF80];
	v1 =	vmul.f32 $1.131370830e+01, v1  }
0x34: {  	v7 =	vld [tilespmem:s5+$0xFFFFFF70];
	v2 =	vmul.f32 $1.131370830e+01, v2;
	[tilespmem:s5+$0xF0] =	vst v0  }
0x35: {  	v6 =	vmul.f32 $1.131370830e+01, v6;
	v0 =	vld [tilespmem:s5+$0xFFFFFF90];
	[tilespmem:s5+$0xFFFFFF10] =	vst v1  }
0x36: {  	v1 =	vmul.f32 $1.131370830e+01, v3;
	v3 =	vld [tilespmem:s5+$0xFFFFFFA0];
	[tilespmem:s5+$0xFFFFFF20] =	vst v2;
	v2 =	vmul.f32 $1.131370830e+01, v4  }
0x37: {  	[tilespmem:s5+$0xFFFFFF60] =	vst v6;
	v6 =	vld [tilespmem:s5+$0xFFFFFFF0]  }
0x38: {  	v4 =	vld [tilespmem:s5+$0xFFFFFFB0];
	[tilespmem:s5+$0xFFFFFF40] =	vst v2;
	v2 =	vmul.f32 $1.131370830e+01, v8  }
0x39: {  	[tilespmem:s5+$0xFFFFFF30] =	vst v1;
	v1 =	vmul.f32 $1.131370830e+01, v5;
	v5 =	vld [tilespmem:s5+$0xFFFFFFC0]  }
0x3a: {  	v8 =	vld [tilespmem:s5+$0xFFFFFFD0];
	[tilespmem:s5+$0xFFFFFF80] =	vst v2;
	v2 =	vmul.f32 $1.131370830e+01, v7  }
0x3b: {  	[tilespmem:s5+$0xFFFFFF50] =	vst v1;
	v1 =	vld [tilespmem:s5+$0xFFFFFFE0];
	v0 =	vmul.f32 $1.131370830e+01, v0  }
0x3c: {  	v7 =	vld [tilespmem:s5+$0x30];
	v6 =	vmul.f32 $1.131370830e+01, v6;
	[tilespmem:s5+$0xFFFFFF70] =	vst v2  }
0x3d: {  	v2 =	vmul.f32 $1.131370830e+01, v3;
	v3 =	vld [tilespmem:s5+$0x0];
	[tilespmem:s5+$0xFFFFFF90] =	vst v0  }
0x3e: {  	v0 =	vmul.f32 $1.131370830e+01, v4;
	v4 =	vld [tilespmem:s5+$0x10];
	[tilespmem:s5+$0xFFFFFFF0] =	vst v6  }
0x3f: {  	[tilespmem:s5+$0xFFFFFFA0] =	vst v2;
	v2 =	vmul.f32 $1.131370830e+01, v5;
	v5 =	vld [tilespmem:s5+$0x20]  }
0x40: {  	v6 =	vld [tilespmem:s5+$0x80];
	[tilespmem:s5+$0xFFFFFFB0] =	vst v0;
	v0 =	vmul.f32 $1.131370830e+01, v8  }
0x41: {  	v1 =	vmul.f32 $1.131370830e+01, v1;
	[tilespmem:s5+$0xFFFFFFC0] =	vst v2;
	v2 =	vld [tilespmem:s5+$0x40]  }
0x42: {  	[tilespmem:s5+$0xFFFFFFD0] =	vst v0;
	v0 =	vmul.f32 $1.131370830e+01, v3;
	v3 =	vld [tilespmem:s5+$0x50]  }
0x43: {  	[tilespmem:s5+$0xFFFFFFE0] =	vst v1;
	v1 =	vld [tilespmem:s5+$0x60];
	v4 =	vmul.f32 $1.131370830e+01, v4  }
0x44: {  	[tilespmem:s5+$0x0] =	vst v0;
	v0 =	vmul.f32 $1.131370830e+01, v5;
	v5 =	vld [tilespmem:s5+$0x70]  }
0x45: {  	v6 =	vmul.f32 $1.131370830e+01, v6;
	[tilespmem:s5+$0x10] =	vst v4  }
0x46: {  	v4 =	vmul.f32 $1.131370830e+01, v7;
	v7 =	vld [tilespmem:s5+$0x90];
	[tilespmem:s5+$0x20] =	vst v0;
	v0 =	vmul.f32 $1.131370830e+01, v2  }
0x47: {  	v8 =	vld [tilespmem:s5+$0xA0];
	[tilespmem:s5+$0x80] =	vst v6;
	v2 =	vmul.f32 $1.131370830e+01, v3  }
0x48: {  	v3 =	vmul.f32 $1.131370830e+01, v1;
	[tilespmem:s5+$0x40] =	vst v0;
	v0 =	vld [tilespmem:s5+$0xB0]  }
0x49: {  	v1 =	vld [tilespmem:s5+$0xC0];
	[tilespmem:s5+$0x50] =	vst v2;
	v2 =	vmul.f32 $1.131370830e+01, v5  }
0x4a: {  	[tilespmem:s5+$0x60] =	vst v3;
	v3 =	vld [tilespmem:s5+$0xD0]  }
0x4b: {  	v5 =	vmul.f32 $1.131370830e+01, v7;
	[tilespmem:s5+$0x70] =	vst v2;
	v2 =	vld [tilespmem:s5+$0xE0]  }
0x4c: {  	s12 =	simm.s32 $0x1F00;
	s7 =	simm.s32 $0x0;
	v6 =	vmul.f32 $1.131370830e+01, v8;
	[tilespmem:s5+$0x30] =	vst v4;
	v4 =	vld [tilespmem:s5+$0xFFFFFF00]  }
.LBB2_3:
0x4d: {  	v7 =	vld [tilespmem:s12+$0xF0];
	s7 =	sadd.s32 $0x4, s7;
	[tilespmem:s5+$0x90] =	vst v5;
	v0 =	vmul.f32 $1.131370830e+01, v0  }
0x4e: {  	v5 =	vld [tilespmem:s12+$0xFFFFFF10];
	p0 =	slt.u32 s7, $0x7C;
	[tilespmem:s5+$0xA0] =	vst v6;
	v1 =	vmul.f32 $1.131370830e+01, v1  }
0x4f: {  	v6 =	vld [tilespmem:s12+$0xFFFFFF20];
	[tilespmem:s5+$0xB0] =	vst v0;
	v0 =	vmul.f32 $1.131370830e+01, v3  }
0x50: {  	v3 =	vld [tilespmem:s12+$0xFFFFFF30];
	[tilespmem:s5+$0xC0] =	vst v1;
	v1 =	vmul.f32 $1.131370830e+01, v2  }
0x51: {  	v2 =	vld [tilespmem:s12+$0xFFFFFF40];
	v4 =	vmul.f32 $1.131370830e+01, v4;
	[tilespmem:s5+$0xD0] =	vst v0  }
0x52: {  	v0 =	vld [tilespmem:s12+$0xFFFFFF50];
	v7 =	vmul.f32 $1.131370830e+01, v7;
	[tilespmem:s5+$0xE0] =	vst v1  }
0x53: {  	v1 =	vmul.f32 $1.131370830e+01, v5;
	v5 =	vld [tilespmem:s12+$0xFFFFFF60];
	[tilespmem:s5+$0xFFFFFF00] =	vst v4;
	s5 =	smov.u32 s12  }
0x54: {  	v4 =	vmul.f32 $1.131370830e+01, v6;
	v6 =	vld [tilespmem:s12+$0xFFFFFF70];
	[tilespmem:s12+$0xF0] =	vst v7  }
0x55: {  	[tilespmem:s12+$0xFFFFFF10] =	vst v1;
	v1 =	vmul.f32 $1.131370830e+01, v3;
	v3 =	vld [tilespmem:s12+$0xFFFFFF80]  }
0x56: {  	[tilespmem:s12+$0xFFFFFF20] =	vst v4;
	v2 =	vmul.f32 $1.131370830e+01, v2;
	v4 =	vld [tilespmem:s12+$0xFFFFFF90]  }
0x57: {  	[tilespmem:s12+$0xFFFFFF30] =	vst v1;
	v0 =	vmul.f32 $1.131370830e+01, v0;
	v1 =	vld [tilespmem:s12+$0xFFFFFFA0]  }
0x58: {  	[tilespmem:s12+$0xFFFFFF40] =	vst v2;
	v2 =	vmul.f32 $1.131370830e+01, v5;
	v5 =	vld [tilespmem:s12+$0xFFFFFFB0]  }
0x59: {  	[tilespmem:s12+$0xFFFFFF50] =	vst v0;
	v0 =	vmul.f32 $1.131370830e+01, v6;
	v6 =	vld [tilespmem:s12+$0xFFFFFFC0]  }
0x5a: {  	[tilespmem:s12+$0xFFFFFF60] =	vst v2;
	v2 =	vmul.f32 $1.131370830e+01, v3;
	v3 =	vld [tilespmem:s12+$0xFFFFFFD0]  }
0x5b: {  	[tilespmem:s12+$0xFFFFFF70] =	vst v0;
	v0 =	vmul.f32 $1.131370830e+01, v4;
	v4 =	vld [tilespmem:s12+$0xFFFFFFE0]  }
0x5c: {  	[tilespmem:s12+$0xFFFFFF80] =	vst v2;
	v1 =	vmul.f32 $1.131370830e+01, v1;
	v2 =	vld [tilespmem:s12+$0xFFFFFFF0]  }
0x5d: {  	[tilespmem:s12+$0xFFFFFF90] =	vst v0;
	v0 =	vmul.f32 $1.131370830e+01, v5;
	v5 =	vld [tilespmem:s12+$0x0]  }
0x5e: {  	[tilespmem:s12+$0xFFFFFFA0] =	vst v1;
	v1 =	vmul.f32 $1.131370830e+01, v6;
	v6 =	vld [tilespmem:s12+$0x10]  }
0x5f: {  	[tilespmem:s12+$0xFFFFFFB0] =	vst v0;
	v0 =	vmul.f32 $1.131370830e+01, v3;
	v3 =	vld [tilespmem:s12+$0x20]  }
0x60: {  	[tilespmem:s12+$0xFFFFFFC0] =	vst v1;
	v1 =	vmul.f32 $1.131370830e+01, v4;
	v4 =	vld [tilespmem:s12+$0x30]  }
0x61: {  	[tilespmem:s12+$0xFFFFFFD0] =	vst v0;
	v0 =	vmul.f32 $1.131370830e+01, v2;
	v2 =	vld [tilespmem:s12+$0x40]  }
0x62: {  	[tilespmem:s12+$0xFFFFFFE0] =	vst v1;
	v1 =	vmul.f32 $1.131370830e+01, v5;
	v5 =	vld [tilespmem:s12+$0x50]  }
0x63: {  	[tilespmem:s12+$0xFFFFFFF0] =	vst v0;
	v0 =	vmul.f32 $1.131370830e+01, v6;
	v6 =	vld [tilespmem:s12+$0x60]  }
0x64: {  	[tilespmem:s12+$0x0] =	vst v1;
	v1 =	vmul.f32 $1.131370830e+01, v3;
	v3 =	vld [tilespmem:s12+$0x70]  }
0x65: {  	[tilespmem:s12+$0x10] =	vst v0;
	v0 =	vmul.f32 $1.131370830e+01, v4;
	v4 =	vld [tilespmem:s12+$0x80]  }
0x66: {  	[tilespmem:s12+$0x20] =	vst v1;
	v1 =	vmul.f32 $1.131370830e+01, v2;
	v2 =	vld [tilespmem:s12+$0x90]  }
0x67: {  	[tilespmem:s12+$0x30] =	vst v0;
	v5 =	vmul.f32 $1.131370830e+01, v5;
	v7 =	vld [tilespmem:s12+$0xA0]  }
.Ltmp0:
0x68: {  	[tilespmem:s12+$0x40] =	vst v1;
	v6 =	vmul.f32 $1.131370830e+01, v6;
	v0 =	vld [tilespmem:s12+$0xB0];
	(pc) =	sbr.rel @p0 .LBB2_3-.Ltmp0, $4  }
0x69: {  	[tilespmem:s12+$0x50] =	vst v5;
	v5 =	vmul.f32 $1.131370830e+01, v3;
	v1 =	vld [tilespmem:s12+$0xC0]  }
0x6a: {  	[tilespmem:s12+$0x60] =	vst v6;
	v6 =	vmul.f32 $1.131370830e+01, v4;
	v3 =	vld [tilespmem:s12+$0xD0]  }
0x6b: {  	[tilespmem:s12+$0x70] =	vst v5;
	v5 =	vmul.f32 $1.131370830e+01, v2;
	v2 =	vld [tilespmem:s12+$0xE0]  }
0x6c: {  	s12 =	sadd.s32 $0x200, s12;
	v4 =	vld [tilespmem:s5+$0xFFFFFF00];
	[tilespmem:s5+$0x80] =	vst v6;
	v6 =	vmul.f32 $1.131370830e+01, v7  }
0x6d: {  	[tilespmem:s5+$0x90] =	vst v5;
	v0 =	vmul.f32 $1.131370830e+01, v0  }
0x6e: {  	[tilespmem:s5+$0xA0] =	vst v6;
	v1 =	vmul.f32 $1.131370830e+01, v1  }
0x6f: {  	s15 =	smul.u32 $0x280000, s22;
	[tilespmem:s5+$0xB0] =	vst v0;
	v0 =	vmul.f32 $1.131370830e+01, v3  }
0x70: {  	[tilespmem:s5+$0xC0] =	vst v1;
	v1 =	vmul.f32 $1.131370830e+01, v2  }
0x71: {  	s7 =	sor.u32 s6, s15;
	v2 =	vmul.f32 $1.131370830e+01, v4;
	[tilespmem:s5+$0xD0] =	vst v0  }
0x72: {  	s7 =	sshrl.u32 s7, $0x3;
	[tilespmem:s5+$0xE0] =	vst v1  }
0x73: {  	s24 =	sadd.s32 s2, s7;
	[tilespmem:s5+$0xFFFFFF00] =	vst v2  }
0x74: {  	[hbm4b:s24+s4] =	stream.linear.scatter [tilespmem:s18], [sflag:$0x6], $0x4000, $0x38;
	[tilespmem:$0x15C00] =	vst v63  }
0x75: {  	_ =	swait.ge [sflag:s28], $0x4000  }
0x76: {  	p0 =	seq.s32 s22, $0x9;
	[sflag:s28] =	ssyncset.done $0x0  }
0x77: {  	s5 =	simm.s32 @!p0 $0x6;
	[sflag:s28] =	ssyncadd.s32 $0xFFFFC000  }
0x78: {  	s7 =	smul.u32 @!p0 $0xA00, s22;
	_ =	swait.ge @!p0 [sflag:s5], $0x4000  }
0x79: {  	[sflag:s5] =	ssyncset.done @!p0 $0x0  }
0x7a: {  	[sflag:s5] =	ssyncadd.s32 @!p0 $0xFFFFC000;
	s5 =	sshra.s32 @!p0 s7, $0x2  }
0x7b: {  	s12 =	simm.s32 @!p0 $0x80;
	s24 =	simm.s32 @!p0 $0x1C00;
	s7 =	sadd.s32 @!p0 $0x280, s5  }
0x7c: {  	[tilespmem:s24], [sflag:$0x1] =	stream.indirect.gather @!p0 [hbm4b:s1+s12], $0x80, s7, s12, $0xb8;
	[tilespmem:$0x15C00] =	vst v63  }
0x7d: {  	s7 =	simm.s32 $0x5C00  }
0x7e: {  	v0 =	vld [tilespmem:s7+$0x1F0]  }
0x7f: {  	v1 =	vld [tilespmem:s7+$0x10]  }
0x80: {  	v2 =	vld [tilespmem:s7+$0x20]  }
0x81: {  	v3 =	vld [tilespmem:s7+$0x30]  }
0x82: {  	v6 =	vld [tilespmem:s7+$0x60]  }
0x83: {  	v4 =	vld [tilespmem:s7+$0x40]  }
0x84: {  	v5 =	vld [tilespmem:s7+$0x50];
	v0 =	vmul.f32 $1.131370830e+01, v0  }
0x85: {  	v8 =	vld [tilespmem:s7+$0x80];
	v1 =	vmul.f32 $1.131370830e+01, v1  }
0x86: {  	v7 =	vld [tilespmem:s7+$0x70];
	v2 =	vmul.f32 $1.131370830e+01, v2;
	[tilespmem:s7+$0x1F0] =	vst v0  }
0x87: {  	v6 =	vmul.f32 $1.131370830e+01, v6;
	v0 =	vld [tilespmem:s7+$0x90];
	[tilespmem:s7+$0x10] =	vst v1  }
0x88: {  	v1 =	vmul.f32 $1.131370830e+01, v3;
	v3 =	vld [tilespmem:s7+$0xA0];
	[tilespmem:s7+$0x20] =	vst v2;
	v2 =	vmul.f32 $1.131370830e+01, v4  }
0x89: {  	[tilespmem:s7+$0x60] =	vst v6;
	v6 =	vld [tilespmem:s7+$0xF0]  }
0x8a: {  	v4 =	vld [tilespmem:s7+$0xB0];
	[tilespmem:s7+$0x40] =	vst v2;
	v2 =	vmul.f32 $1.131370830e+01, v8  }
0x8b: {  	[tilespmem:s7+$0x30] =	vst v1;
	v1 =	vmul.f32 $1.131370830e+01, v5;
	v5 =	vld [tilespmem:s7+$0xC0]  }
0x8c: {  	v8 =	vld [tilespmem:s7+$0xD0];
	[tilespmem:s7+$0x80] =	vst v2;
	v2 =	vmul.f32 $1.131370830e+01, v7  }
0x8d: {  	[tilespmem:s7+$0x50] =	vst v1;
	v1 =	vld [tilespmem:s7+$0xE0];
	v0 =	vmul.f32 $1.131370830e+01, v0  }
0x8e: {  	v7 =	vld [tilespmem:s7+$0x130];
	v6 =	vmul.f32 $1.131370830e+01, v6;
	[tilespmem:s7+$0x70] =	vst v2  }
0x8f: {  	v2 =	vmul.f32 $1.131370830e+01, v3;
	v3 =	vld [tilespmem:s7+$0x100];
	[tilespmem:s7+$0x90] =	vst v0  }
0x90: {  	v0 =	vmul.f32 $1.131370830e+01, v4;
	v4 =	vld [tilespmem:s7+$0x110];
	[tilespmem:s7+$0xF0] =	vst v6  }
0x91: {  	[tilespmem:s7+$0xA0] =	vst v2;
	v2 =	vmul.f32 $1.131370830e+01, v5;
	v5 =	vld [tilespmem:s7+$0x120]  }
0x92: {  	v6 =	vld [tilespmem:s7+$0x180];
	[tilespmem:s7+$0xB0] =	vst v0;
	v0 =	vmul.f32 $1.131370830e+01, v8  }
0x93: {  	v1 =	vmul.f32 $1.131370830e+01, v1;
	[tilespmem:s7+$0xC0] =	vst v2;
	v2 =	vld [tilespmem:s7+$0x140]  }
0x94: {  	[tilespmem:s7+$0xD0] =	vst v0;
	v0 =	vmul.f32 $1.131370830e+01, v3  }
0x95: {  	v3 =	vld [tilespmem:s7+$0x150];
	[tilespmem:s7+$0xE0] =	vst v1;
	v4 =	vmul.f32 $1.131370830e+01, v4  }
0x96: {  	v1 =	vld [tilespmem:s7+$0x160];
	[tilespmem:s7+$0x100] =	vst v0;
	v0 =	vmul.f32 $1.131370830e+01, v5  }
0x97: {  	v6 =	vmul.f32 $1.131370830e+01, v6;
	v5 =	vld [tilespmem:s7+$0x170];
	[tilespmem:s7+$0x110] =	vst v4  }
0x98: {  	v4 =	vmul.f32 $1.131370830e+01, v7;
	v7 =	vld [tilespmem:s7+$0x190];
	[tilespmem:s7+$0x120] =	vst v0;
	v0 =	vmul.f32 $1.131370830e+01, v2  }
0x99: {  	v8 =	vld [tilespmem:s7+$0x1A0];
	[tilespmem:s7+$0x180] =	vst v6  }
0x9a: {  	v2 =	vmul.f32 $1.131370830e+01, v3;
	[tilespmem:s7+$0x140] =	vst v0;
	v0 =	vld [tilespmem:s7+$0x1B0]  }
0x9b: {  	[tilespmem:s7+$0x130] =	vst v4;
	v3 =	vmul.f32 $1.131370830e+01, v1;
	v1 =	vld [tilespmem:s7+$0x1C0]  }
0x9c: {  	[tilespmem:s7+$0x150] =	vst v2;
	v4 =	vmul.f32 $1.131370830e+01, v5;
	v2 =	vld [tilespmem:s7+$0x1D0]  }
0x9d: {  	[tilespmem:s7+$0x160] =	vst v3;
	v3 =	vld [tilespmem:s7+$0x1E0];
	v5 =	vmul.f32 $1.131370830e+01, v7  }
0x9e: {  	s12 =	simm.s32 $0x0;
	s24 =	simm.s32 $0x5E00;
	v6 =	vmul.f32 $1.131370830e+01, v8;
	[tilespmem:s7+$0x170] =	vst v4;
	v4 =	vld [tilespmem:s7+$0x0]  }
.LBB2_5:
0x9f: {  	v7 =	vld [tilespmem:s24+$0x1F0];
	s12 =	sadd.s32 $0x4, s12;
	[tilespmem:s7+$0x190] =	vst v5;
	v0 =	vmul.f32 $1.131370830e+01, v0  }
0xa0: {  	v5 =	vld [tilespmem:s24+$0x10];
	p1 =	slt.u32 s12, $0x7C;
	[tilespmem:s7+$0x1A0] =	vst v6;
	v1 =	vmul.f32 $1.131370830e+01, v1  }
0xa1: {  	v6 =	vld [tilespmem:s24+$0x20];
	[tilespmem:s7+$0x1B0] =	vst v0;
	v0 =	vmul.f32 $1.131370830e+01, v2  }
0xa2: {  	v2 =	vld [tilespmem:s24+$0x30];
	[tilespmem:s7+$0x1C0] =	vst v1;
	v1 =	vmul.f32 $1.131370830e+01, v3  }
0xa3: {  	v3 =	vld [tilespmem:s24+$0x40];
	v4 =	vmul.f32 $1.131370830e+01, v4;
	[tilespmem:s7+$0x1D0] =	vst v0  }
0xa4: {  	v0 =	vld [tilespmem:s24+$0x50];
	v7 =	vmul.f32 $1.131370830e+01, v7;
	[tilespmem:s7+$0x1E0] =	vst v1  }
0xa5: {  	v1 =	vmul.f32 $1.131370830e+01, v5;
	v5 =	vld [tilespmem:s24+$0x60];
	[tilespmem:s7+$0x0] =	vst v4;
	s7 =	smov.u32 s24  }
0xa6: {  	v4 =	vmul.f32 $1.131370830e+01, v6;
	v6 =	vld [tilespmem:s24+$0x70];
	[tilespmem:s24+$0x1F0] =	vst v7  }
0xa7: {  	[tilespmem:s24+$0x10] =	vst v1;
	v1 =	vmul.f32 $1.131370830e+01, v2;
	v2 =	vld [tilespmem:s24+$0x80]  }
0xa8: {  	[tilespmem:s24+$0x20] =	vst v4;
	v3 =	vmul.f32 $1.131370830e+01, v3;
	v4 =	vld [tilespmem:s24+$0x90]  }
0xa9: {  	[tilespmem:s24+$0x30] =	vst v1;
	v0 =	vmul.f32 $1.131370830e+01, v0;
	v1 =	vld [tilespmem:s24+$0xA0]  }
0xaa: {  	[tilespmem:s24+$0x40] =	vst v3;
	v3 =	vmul.f32 $1.131370830e+01, v5;
	v5 =	vld [tilespmem:s24+$0xB0]  }
0xab: {  	[tilespmem:s24+$0x50] =	vst v0;
	v0 =	vmul.f32 $1.131370830e+01, v6;
	v6 =	vld [tilespmem:s24+$0xC0]  }
0xac: {  	[tilespmem:s24+$0x60] =	vst v3;
	v2 =	vmul.f32 $1.131370830e+01, v2;
	v3 =	vld [tilespmem:s24+$0xD0]  }
0xad: {  	[tilespmem:s24+$0x70] =	vst v0;
	v0 =	vmul.f32 $1.131370830e+01, v4;
	v4 =	vld [tilespmem:s24+$0xE0]  }
0xae: {  	[tilespmem:s24+$0x80] =	vst v2;
	v1 =	vmul.f32 $1.131370830e+01, v1;
	v2 =	vld [tilespmem:s24+$0xF0]  }
0xaf: {  	[tilespmem:s24+$0x90] =	vst v0;
	v0 =	vmul.f32 $1.131370830e+01, v5;
	v5 =	vld [tilespmem:s24+$0x100]  }
0xb0: {  	[tilespmem:s24+$0xA0] =	vst v1;
	v1 =	vmul.f32 $1.131370830e+01, v6;
	v6 =	vld [tilespmem:s24+$0x110]  }
0xb1: {  	[tilespmem:s24+$0xB0] =	vst v0;
	v0 =	vmul.f32 $1.131370830e+01, v3;
	v3 =	vld [tilespmem:s24+$0x120]  }
0xb2: {  	[tilespmem:s24+$0xC0] =	vst v1;
	v1 =	vmul.f32 $1.131370830e+01, v4;
	v4 =	vld [tilespmem:s24+$0x130]  }
0xb3: {  	[tilespmem:s24+$0xD0] =	vst v0;
	v0 =	vmul.f32 $1.131370830e+01, v2;
	v2 =	vld [tilespmem:s24+$0x140]  }
0xb4: {  	[tilespmem:s24+$0xE0] =	vst v1;
	v1 =	vmul.f32 $1.131370830e+01, v5;
	v5 =	vld [tilespmem:s24+$0x150]  }
0xb5: {  	[tilespmem:s24+$0xF0] =	vst v0;
	v0 =	vmul.f32 $1.131370830e+01, v6;
	v6 =	vld [tilespmem:s24+$0x160]  }
0xb6: {  	[tilespmem:s24+$0x100] =	vst v1;
	v1 =	vmul.f32 $1.131370830e+01, v3;
	v3 =	vld [tilespmem:s24+$0x170]  }
0xb7: {  	[tilespmem:s24+$0x110] =	vst v0;
	v0 =	vmul.f32 $1.131370830e+01, v4;
	v4 =	vld [tilespmem:s24+$0x180]  }
0xb8: {  	[tilespmem:s24+$0x120] =	vst v1;
	v1 =	vmul.f32 $1.131370830e+01, v2;
	v7 =	vld [tilespmem:s24+$0x190]  }
0xb9: {  	[tilespmem:s24+$0x130] =	vst v0;
	v2 =	vmul.f32 $1.131370830e+01, v5;
	v8 =	vld [tilespmem:s24+$0x1A0]  }
.Ltmp1:
0xba: {  	[tilespmem:s24+$0x140] =	vst v1;
	v5 =	vmul.f32 $1.131370830e+01, v6;
	v0 =	vld [tilespmem:s24+$0x1B0];
	(pc) =	sbr.rel @p1 .LBB2_5-.Ltmp1, $4  }
0xbb: {  	[tilespmem:s24+$0x150] =	vst v2;
	v3 =	vmul.f32 $1.131370830e+01, v3;
	v1 =	vld [tilespmem:s24+$0x1C0]  }
0xbc: {  	[tilespmem:s24+$0x160] =	vst v5;
	v6 =	vmul.f32 $1.131370830e+01, v4;
	v2 =	vld [tilespmem:s24+$0x1D0]  }
0xbd: {  	[tilespmem:s24+$0x170] =	vst v3;
	v5 =	vmul.f32 $1.131370830e+01, v7;
	v3 =	vld [tilespmem:s24+$0x1E0]  }
0xbe: {  	s24 =	sadd.s32 $0x200, s24;
	v4 =	vld [tilespmem:s7+$0x0];
	[tilespmem:s7+$0x180] =	vst v6;
	v6 =	vmul.f32 $1.131370830e+01, v8  }
0xbf: {  	[tilespmem:s7+$0x190] =	vst v5;
	v0 =	vmul.f32 $1.131370830e+01, v0  }
0xc0: {  	[tilespmem:s7+$0x1A0] =	vst v6;
	v1 =	vmul.f32 $1.131370830e+01, v1  }
0xc1: {  	[tilespmem:s7+$0x1B0] =	vst v0;
	v0 =	vmul.f32 $1.131370830e+01, v2  }
0xc2: {  	[tilespmem:s7+$0x1C0] =	vst v1;
	v1 =	vmul.f32 $1.131370830e+01, v3  }
0xc3: {  	s12 =	sadd.s32 s8, s15;
	v2 =	vmul.f32 $1.131370830e+01, v4;
	[tilespmem:s7+$0x1D0] =	vst v0  }
0xc4: {  	s12 =	sshrl.u32 s12, $0x3;
	[tilespmem:s7+$0x1E0] =	vst v1  }
0xc5: {  	s24 =	sadd.s32 s2, s12;
	[tilespmem:s7+$0x0] =	vst v2  }
0xc6: {  	[hbm4b:s24+s4] =	stream.linear.scatter [tilespmem:s19], [sflag:$0x7], $0x4000, $0x38;
	[tilespmem:$0x15C00] =	vst v63  }
0xc7: {  	_ =	swait.ge [sflag:s29], $0x4000  }
0xc8: {  	[sflag:s29] =	ssyncset.done $0x0  }
0xc9: {  	s7 =	simm.s32 @!p0 $0x7;
	[sflag:s29] =	ssyncadd.s32 $0xFFFFC000  }
0xca: {  	_ =	swait.ge @!p0 [sflag:s7], $0x4000  }
0xcb: {  	s12 =	simm.s32 @!p0 $0x80;
	[sflag:s7] =	ssyncset.done @!p0 $0x0  }
0xcc: {  	s24 =	simm.s32 @!p0 $0x5C00;
	[sflag:s7] =	ssyncadd.s32 @!p0 $0xFFFFC000;
	s7 =	sadd.s32 @!p0 $0x300, s5  }
0xcd: {  	[tilespmem:s24], [sflag:$0x2] =	stream.indirect.gather @!p0 [hbm4b:s1+s12], $0x80, s7, s12, $0xb8;
	[tilespmem:$0x15C00] =	vst v63  }
0xce: {  	s7 =	simm.s32 $0x9C00  }
0xcf: {  	v0 =	vld [tilespmem:s7+$0x1F0]  }
0xd0: {  	v1 =	vld [tilespmem:s7+$0x10]  }
0xd1: {  	v2 =	vld [tilespmem:s7+$0x20]  }
0xd2: {  	v3 =	vld [tilespmem:s7+$0x30]  }
0xd3: {  	v6 =	vld [tilespmem:s7+$0x60]  }
0xd4: {  	v4 =	vld [tilespmem:s7+$0x40]  }
0xd5: {  	v5 =	vld [tilespmem:s7+$0x50];
	v0 =	vmul.f32 $1.131370830e+01, v0  }
0xd6: {  	v8 =	vld [tilespmem:s7+$0x80];
	v1 =	vmul.f32 $1.131370830e+01, v1  }
0xd7: {  	v7 =	vld [tilespmem:s7+$0x70];
	v2 =	vmul.f32 $1.131370830e+01, v2;
	[tilespmem:s7+$0x1F0] =	vst v0  }
0xd8: {  	v6 =	vmul.f32 $1.131370830e+01, v6;
	v0 =	vld [tilespmem:s7+$0x90];
	[tilespmem:s7+$0x10] =	vst v1  }
0xd9: {  	v1 =	vmul.f32 $1.131370830e+01, v3;
	v3 =	vld [tilespmem:s7+$0xA0];
	[tilespmem:s7+$0x20] =	vst v2;
	v2 =	vmul.f32 $1.131370830e+01, v4  }
0xda: {  	[tilespmem:s7+$0x60] =	vst v6;
	v6 =	vld [tilespmem:s7+$0xF0]  }
0xdb: {  	v4 =	vld [tilespmem:s7+$0xB0];
	[tilespmem:s7+$0x40] =	vst v2;
	v2 =	vmul.f32 $1.131370830e+01, v8  }
0xdc: {  	[tilespmem:s7+$0x30] =	vst v1;
	v1 =	vmul.f32 $1.131370830e+01, v5;
	v5 =	vld [tilespmem:s7+$0xC0]  }
0xdd: {  	v8 =	vld [tilespmem:s7+$0xD0];
	[tilespmem:s7+$0x80] =	vst v2;
	v2 =	vmul.f32 $1.131370830e+01, v7  }
0xde: {  	[tilespmem:s7+$0x50] =	vst v1;
	v1 =	vld [tilespmem:s7+$0xE0];
	v0 =	vmul.f32 $1.131370830e+01, v0  }
0xdf: {  	v7 =	vld [tilespmem:s7+$0x130];
	v6 =	vmul.f32 $1.131370830e+01, v6;
	[tilespmem:s7+$0x70] =	vst v2  }
0xe0: {  	v2 =	vmul.f32 $1.131370830e+01, v3;
	v3 =	vld [tilespmem:s7+$0x100];
	[tilespmem:s7+$0x90] =	vst v0  }
0xe1: {  	v0 =	vmul.f32 $1.131370830e+01, v4;
	v4 =	vld [tilespmem:s7+$0x110];
	[tilespmem:s7+$0xF0] =	vst v6  }
0xe2: {  	[tilespmem:s7+$0xA0] =	vst v2;
	v2 =	vmul.f32 $1.131370830e+01, v5;
	v5 =	vld [tilespmem:s7+$0x120]  }
0xe3: {  	v6 =	vld [tilespmem:s7+$0x180];
	[tilespmem:s7+$0xB0] =	vst v0;
	v0 =	vmul.f32 $1.131370830e+01, v8  }
0xe4: {  	v1 =	vmul.f32 $1.131370830e+01, v1;
	[tilespmem:s7+$0xC0] =	vst v2;
	v2 =	vld [tilespmem:s7+$0x140]  }
0xe5: {  	[tilespmem:s7+$0xD0] =	vst v0;
	v0 =	vmul.f32 $1.131370830e+01, v3  }
0xe6: {  	v3 =	vld [tilespmem:s7+$0x150];
	[tilespmem:s7+$0xE0] =	vst v1;
	v4 =	vmul.f32 $1.131370830e+01, v4  }
0xe7: {  	v1 =	vld [tilespmem:s7+$0x160];
	[tilespmem:s7+$0x100] =	vst v0;
	v0 =	vmul.f32 $1.131370830e+01, v5  }
0xe8: {  	v6 =	vmul.f32 $1.131370830e+01, v6;
	v5 =	vld [tilespmem:s7+$0x170];
	[tilespmem:s7+$0x110] =	vst v4  }
0xe9: {  	v4 =	vmul.f32 $1.131370830e+01, v7;
	v7 =	vld [tilespmem:s7+$0x190];
	[tilespmem:s7+$0x120] =	vst v0;
	v0 =	vmul.f32 $1.131370830e+01, v2  }
0xea: {  	v8 =	vld [tilespmem:s7+$0x1A0];
	[tilespmem:s7+$0x180] =	vst v6  }
0xeb: {  	v2 =	vmul.f32 $1.131370830e+01, v3;
	[tilespmem:s7+$0x140] =	vst v0;
	v0 =	vld [tilespmem:s7+$0x1B0]  }
0xec: {  	[tilespmem:s7+$0x130] =	vst v4;
	v3 =	vmul.f32 $1.131370830e+01, v1;
	v1 =	vld [tilespmem:s7+$0x1C0]  }
0xed: {  	[tilespmem:s7+$0x150] =	vst v2;
	v4 =	vmul.f32 $1.131370830e+01, v5;
	v2 =	vld [tilespmem:s7+$0x1D0]  }
0xee: {  	[tilespmem:s7+$0x160] =	vst v3;
	v3 =	vld [tilespmem:s7+$0x1E0];
	v5 =	vmul.f32 $1.131370830e+01, v7  }
0xef: {  	s12 =	simm.s32 $0x0;
	s24 =	simm.s32 $0x9E00;
	v6 =	vmul.f32 $1.131370830e+01, v8;
	[tilespmem:s7+$0x170] =	vst v4;
	v4 =	vld [tilespmem:s7+$0x0]  }
.LBB2_7:
0xf0: {  	v7 =	vld [tilespmem:s24+$0x1F0];
	s12 =	sadd.s32 $0x4, s12;
	[tilespmem:s7+$0x190] =	vst v5;
	v0 =	vmul.f32 $1.131370830e+01, v0  }
0xf1: {  	v5 =	vld [tilespmem:s24+$0x10];
	p1 =	slt.u32 s12, $0x7C;
	[tilespmem:s7+$0x1A0] =	vst v6;
	v1 =	vmul.f32 $1.131370830e+01, v1  }
0xf2: {  	v6 =	vld [tilespmem:s24+$0x20];
	[tilespmem:s7+$0x1B0] =	vst v0;
	v0 =	vmul.f32 $1.131370830e+01, v2  }
0xf3: {  	v2 =	vld [tilespmem:s24+$0x30];
	[tilespmem:s7+$0x1C0] =	vst v1;
	v1 =	vmul.f32 $1.131370830e+01, v3  }
0xf4: {  	v3 =	vld [tilespmem:s24+$0x40];
	v4 =	vmul.f32 $1.131370830e+01, v4;
	[tilespmem:s7+$0x1D0] =	vst v0  }
0xf5: {  	v0 =	vld [tilespmem:s24+$0x50];
	v7 =	vmul.f32 $1.131370830e+01, v7;
	[tilespmem:s7+$0x1E0] =	vst v1  }
0xf6: {  	v1 =	vmul.f32 $1.131370830e+01, v5;
	v5 =	vld [tilespmem:s24+$0x60];
	[tilespmem:s7+$0x0] =	vst v4;
	s7 =	smov.u32 s24  }
0xf7: {  	v4 =	vmul.f32 $1.131370830e+01, v6;
	v6 =	vld [tilespmem:s24+$0x70];
	[tilespmem:s24+$0x1F0] =	vst v7  }
0xf8: {  	[tilespmem:s24+$0x10] =	vst v1;
	v1 =	vmul.f32 $1.131370830e+01, v2;
	v2 =	vld [tilespmem:s24+$0x80]  }
0xf9: {  	[tilespmem:s24+$0x20] =	vst v4;
	v3 =	vmul.f32 $1.131370830e+01, v3;
	v4 =	vld [tilespmem:s24+$0x90]  }
0xfa: {  	[tilespmem:s24+$0x30] =	vst v1;
	v0 =	vmul.f32 $1.131370830e+01, v0;
	v1 =	vld [tilespmem:s24+$0xA0]  }
0xfb: {  	[tilespmem:s24+$0x40] =	vst v3;
	v3 =	vmul.f32 $1.131370830e+01, v5;
	v5 =	vld [tilespmem:s24+$0xB0]  }
0xfc: {  	[tilespmem:s24+$0x50] =	vst v0;
	v0 =	vmul.f32 $1.131370830e+01, v6;
	v6 =	vld [tilespmem:s24+$0xC0]  }
0xfd: {  	[tilespmem:s24+$0x60] =	vst v3;
	v2 =	vmul.f32 $1.131370830e+01, v2;
	v3 =	vld [tilespmem:s24+$0xD0]  }
0xfe: {  	[tilespmem:s24+$0x70] =	vst v0;
	v0 =	vmul.f32 $1.131370830e+01, v4;
	v4 =	vld [tilespmem:s24+$0xE0]  }
0xff: {  	[tilespmem:s24+$0x80] =	vst v2;
	v1 =	vmul.f32 $1.131370830e+01, v1;
	v2 =	vld [tilespmem:s24+$0xF0]  }
0x100: {  	[tilespmem:s24+$0x90] =	vst v0;
	v0 =	vmul.f32 $1.131370830e+01, v5;
	v5 =	vld [tilespmem:s24+$0x100]  }
0x101: {  	[tilespmem:s24+$0xA0] =	vst v1;
	v1 =	vmul.f32 $1.131370830e+01, v6;
	v6 =	vld [tilespmem:s24+$0x110]  }
0x102: {  	[tilespmem:s24+$0xB0] =	vst v0;
	v0 =	vmul.f32 $1.131370830e+01, v3;
	v3 =	vld [tilespmem:s24+$0x120]  }
0x103: {  	[tilespmem:s24+$0xC0] =	vst v1;
	v1 =	vmul.f32 $1.131370830e+01, v4;
	v4 =	vld [tilespmem:s24+$0x130]  }
0x104: {  	[tilespmem:s24+$0xD0] =	vst v0;
	v0 =	vmul.f32 $1.131370830e+01, v2;
	v2 =	vld [tilespmem:s24+$0x140]  }
0x105: {  	[tilespmem:s24+$0xE0] =	vst v1;
	v1 =	vmul.f32 $1.131370830e+01, v5;
	v5 =	vld [tilespmem:s24+$0x150]  }
0x106: {  	[tilespmem:s24+$0xF0] =	vst v0;
	v0 =	vmul.f32 $1.131370830e+01, v6;
	v6 =	vld [tilespmem:s24+$0x160]  }
0x107: {  	[tilespmem:s24+$0x100] =	vst v1;
	v1 =	vmul.f32 $1.131370830e+01, v3;
	v3 =	vld [tilespmem:s24+$0x170]  }
0x108: {  	[tilespmem:s24+$0x110] =	vst v0;
	v0 =	vmul.f32 $1.131370830e+01, v4;
	v4 =	vld [tilespmem:s24+$0x180]  }
0x109: {  	[tilespmem:s24+$0x120] =	vst v1;
	v1 =	vmul.f32 $1.131370830e+01, v2;
	v7 =	vld [tilespmem:s24+$0x190]  }
0x10a: {  	[tilespmem:s24+$0x130] =	vst v0;
	v2 =	vmul.f32 $1.131370830e+01, v5;
	v8 =	vld [tilespmem:s24+$0x1A0]  }
.Ltmp2:
0x10b: {  	[tilespmem:s24+$0x140] =	vst v1;
	v5 =	vmul.f32 $1.131370830e+01, v6;
	v0 =	vld [tilespmem:s24+$0x1B0];
	(pc) =	sbr.rel @p1 .LBB2_7-.Ltmp2, $4  }
0x10c: {  	[tilespmem:s24+$0x150] =	vst v2;
	v3 =	vmul.f32 $1.131370830e+01, v3;
	v1 =	vld [tilespmem:s24+$0x1C0]  }
0x10d: {  	[tilespmem:s24+$0x160] =	vst v5;
	v6 =	vmul.f32 $1.131370830e+01, v4;
	v2 =	vld [tilespmem:s24+$0x1D0]  }
0x10e: {  	[tilespmem:s24+$0x170] =	vst v3;
	v5 =	vmul.f32 $1.131370830e+01, v7;
	v3 =	vld [tilespmem:s24+$0x1E0]  }
0x10f: {  	s24 =	sadd.s32 $0x200, s24;
	v4 =	vld [tilespmem:s7+$0x0];
	[tilespmem:s7+$0x180] =	vst v6;
	v6 =	vmul.f32 $1.131370830e+01, v8  }
0x110: {  	[tilespmem:s7+$0x190] =	vst v5;
	v0 =	vmul.f32 $1.131370830e+01, v0  }
0x111: {  	[tilespmem:s7+$0x1A0] =	vst v6;
	v1 =	vmul.f32 $1.131370830e+01, v1  }
0x112: {  	[tilespmem:s7+$0x1B0] =	vst v0;
	v0 =	vmul.f32 $1.131370830e+01, v2  }
0x113: {  	[tilespmem:s7+$0x1C0] =	vst v1;
	v1 =	vmul.f32 $1.131370830e+01, v3  }
0x114: {  	s12 =	sadd.s32 s9, s15;
	v2 =	vmul.f32 $1.131370830e+01, v4;
	[tilespmem:s7+$0x1D0] =	vst v0  }
0x115: {  	s12 =	sshrl.u32 s12, $0x3;
	[tilespmem:s7+$0x1E0] =	vst v1  }
0x116: {  	s24 =	sadd.s32 s2, s12;
	[tilespmem:s7+$0x0] =	vst v2  }
0x117: {  	[hbm4b:s24+s4] =	stream.linear.scatter [tilespmem:s21], [sflag:$0x8], $0x4000, $0x38;
	[tilespmem:$0x15C00] =	vst v63  }
0x118: {  	_ =	swait.ge [sflag:s30], $0x4000  }
0x119: {  	[sflag:s30] =	ssyncset.done $0x0  }
0x11a: {  	s7 =	simm.s32 @!p0 $0x8;
	[sflag:s30] =	ssyncadd.s32 $0xFFFFC000  }
0x11b: {  	_ =	swait.ge @!p0 [sflag:s7], $0x4000  }
0x11c: {  	s12 =	simm.s32 @!p0 $0x80;
	[sflag:s7] =	ssyncset.done @!p0 $0x0  }
0x11d: {  	s24 =	simm.s32 @!p0 $0x9C00;
	[sflag:s7] =	ssyncadd.s32 @!p0 $0xFFFFC000;
	s7 =	sadd.s32 @!p0 $0x380, s5  }
0x11e: {  	[tilespmem:s24], [sflag:$0x3] =	stream.indirect.gather @!p0 [hbm4b:s1+s12], $0x80, s7, s12, $0xb8;
	[tilespmem:$0x15C00] =	vst v63  }
0x11f: {  	s7 =	simm.s32 $0xDC00  }
0x120: {  	v0 =	vld [tilespmem:s7+$0x1F0]  }
0x121: {  	v1 =	vld [tilespmem:s7+$0x10]  }
0x122: {  	v2 =	vld [tilespmem:s7+$0x20]  }
0x123: {  	v3 =	vld [tilespmem:s7+$0x30]  }
0x124: {  	v6 =	vld [tilespmem:s7+$0x60]  }
0x125: {  	v4 =	vld [tilespmem:s7+$0x40]  }
0x126: {  	v5 =	vld [tilespmem:s7+$0x50];
	v0 =	vmul.f32 $1.131370830e+01, v0  }
0x127: {  	v8 =	vld [tilespmem:s7+$0x80];
	v1 =	vmul.f32 $1.131370830e+01, v1  }
0x128: {  	v7 =	vld [tilespmem:s7+$0x70];
	v2 =	vmul.f32 $1.131370830e+01, v2;
	[tilespmem:s7+$0x1F0] =	vst v0  }
0x129: {  	v6 =	vmul.f32 $1.131370830e+01, v6;
	v0 =	vld [tilespmem:s7+$0x90];
	[tilespmem:s7+$0x10] =	vst v1  }
0x12a: {  	v1 =	vmul.f32 $1.131370830e+01, v3;
	v3 =	vld [tilespmem:s7+$0xA0];
	[tilespmem:s7+$0x20] =	vst v2;
	v2 =	vmul.f32 $1.131370830e+01, v4  }
0x12b: {  	[tilespmem:s7+$0x60] =	vst v6;
	v6 =	vld [tilespmem:s7+$0xF0]  }
0x12c: {  	v4 =	vld [tilespmem:s7+$0xB0];
	[tilespmem:s7+$0x40] =	vst v2;
	v2 =	vmul.f32 $1.131370830e+01, v8  }
0x12d: {  	[tilespmem:s7+$0x30] =	vst v1;
	v1 =	vmul.f32 $1.131370830e+01, v5;
	v5 =	vld [tilespmem:s7+$0xC0]  }
0x12e: {  	v8 =	vld [tilespmem:s7+$0xD0];
	[tilespmem:s7+$0x80] =	vst v2;
	v2 =	vmul.f32 $1.131370830e+01, v7  }
0x12f: {  	[tilespmem:s7+$0x50] =	vst v1;
	v1 =	vld [tilespmem:s7+$0xE0];
	v0 =	vmul.f32 $1.131370830e+01, v0  }
0x130: {  	v7 =	vld [tilespmem:s7+$0x130];
	v6 =	vmul.f32 $1.131370830e+01, v6;
	[tilespmem:s7+$0x70] =	vst v2  }
0x131: {  	v2 =	vmul.f32 $1.131370830e+01, v3;
	v3 =	vld [tilespmem:s7+$0x100];
	[tilespmem:s7+$0x90] =	vst v0  }
0x132: {  	v0 =	vmul.f32 $1.131370830e+01, v4;
	v4 =	vld [tilespmem:s7+$0x110];
	[tilespmem:s7+$0xF0] =	vst v6  }
0x133: {  	[tilespmem:s7+$0xA0] =	vst v2;
	v2 =	vmul.f32 $1.131370830e+01, v5;
	v5 =	vld [tilespmem:s7+$0x120]  }
0x134: {  	v6 =	vld [tilespmem:s7+$0x180];
	[tilespmem:s7+$0xB0] =	vst v0;
	v0 =	vmul.f32 $1.131370830e+01, v8  }
0x135: {  	v1 =	vmul.f32 $1.131370830e+01, v1;
	[tilespmem:s7+$0xC0] =	vst v2;
	v2 =	vld [tilespmem:s7+$0x140]  }
0x136: {  	[tilespmem:s7+$0xD0] =	vst v0;
	v0 =	vmul.f32 $1.131370830e+01, v3  }
0x137: {  	v3 =	vld [tilespmem:s7+$0x150];
	[tilespmem:s7+$0xE0] =	vst v1;
	v4 =	vmul.f32 $1.131370830e+01, v4  }
0x138: {  	v1 =	vld [tilespmem:s7+$0x160];
	[tilespmem:s7+$0x100] =	vst v0;
	v0 =	vmul.f32 $1.131370830e+01, v5  }
0x139: {  	v6 =	vmul.f32 $1.131370830e+01, v6;
	v5 =	vld [tilespmem:s7+$0x170];
	[tilespmem:s7+$0x110] =	vst v4  }
0x13a: {  	v4 =	vmul.f32 $1.131370830e+01, v7;
	v7 =	vld [tilespmem:s7+$0x190];
	[tilespmem:s7+$0x120] =	vst v0;
	v0 =	vmul.f32 $1.131370830e+01, v2  }
0x13b: {  	v8 =	vld [tilespmem:s7+$0x1A0];
	[tilespmem:s7+$0x180] =	vst v6  }
0x13c: {  	v2 =	vmul.f32 $1.131370830e+01, v3;
	[tilespmem:s7+$0x140] =	vst v0;
	v0 =	vld [tilespmem:s7+$0x1B0]  }
0x13d: {  	[tilespmem:s7+$0x130] =	vst v4;
	v3 =	vmul.f32 $1.131370830e+01, v1;
	v1 =	vld [tilespmem:s7+$0x1C0]  }
0x13e: {  	[tilespmem:s7+$0x150] =	vst v2;
	v4 =	vmul.f32 $1.131370830e+01, v5;
	v2 =	vld [tilespmem:s7+$0x1D0]  }
0x13f: {  	[tilespmem:s7+$0x160] =	vst v3;
	v3 =	vld [tilespmem:s7+$0x1E0];
	v5 =	vmul.f32 $1.131370830e+01, v7  }
0x140: {  	s12 =	simm.s32 $0x0;
	s24 =	simm.s32 $0xDE00;
	v6 =	vmul.f32 $1.131370830e+01, v8;
	[tilespmem:s7+$0x170] =	vst v4;
	v4 =	vld [tilespmem:s7+$0x0]  }
.LBB2_9:
0x141: {  	v7 =	vld [tilespmem:s24+$0x1F0];
	s12 =	sadd.s32 $0x4, s12;
	[tilespmem:s7+$0x190] =	vst v5;
	v0 =	vmul.f32 $1.131370830e+01, v0  }
0x142: {  	v5 =	vld [tilespmem:s24+$0x10];
	p1 =	slt.u32 s12, $0x7C;
	[tilespmem:s7+$0x1A0] =	vst v6;
	v1 =	vmul.f32 $1.131370830e+01, v1  }
0x143: {  	v6 =	vld [tilespmem:s24+$0x20];
	[tilespmem:s7+$0x1B0] =	vst v0;
	v0 =	vmul.f32 $1.131370830e+01, v2  }
0x144: {  	v2 =	vld [tilespmem:s24+$0x30];
	[tilespmem:s7+$0x1C0] =	vst v1;
	v1 =	vmul.f32 $1.131370830e+01, v3  }
0x145: {  	v3 =	vld [tilespmem:s24+$0x40];
	v4 =	vmul.f32 $1.131370830e+01, v4;
	[tilespmem:s7+$0x1D0] =	vst v0  }
0x146: {  	v0 =	vld [tilespmem:s24+$0x50];
	v7 =	vmul.f32 $1.131370830e+01, v7;
	[tilespmem:s7+$0x1E0] =	vst v1  }
0x147: {  	v1 =	vmul.f32 $1.131370830e+01, v5;
	v5 =	vld [tilespmem:s24+$0x60];
	[tilespmem:s7+$0x0] =	vst v4;
	s7 =	smov.u32 s24  }
0x148: {  	v4 =	vmul.f32 $1.131370830e+01, v6;
	v6 =	vld [tilespmem:s24+$0x70];
	[tilespmem:s24+$0x1F0] =	vst v7  }
0x149: {  	[tilespmem:s24+$0x10] =	vst v1;
	v1 =	vmul.f32 $1.131370830e+01, v2;
	v2 =	vld [tilespmem:s24+$0x80]  }
0x14a: {  	[tilespmem:s24+$0x20] =	vst v4;
	v3 =	vmul.f32 $1.131370830e+01, v3;
	v4 =	vld [tilespmem:s24+$0x90]  }
0x14b: {  	[tilespmem:s24+$0x30] =	vst v1;
	v0 =	vmul.f32 $1.131370830e+01, v0;
	v1 =	vld [tilespmem:s24+$0xA0]  }
0x14c: {  	[tilespmem:s24+$0x40] =	vst v3;
	v3 =	vmul.f32 $1.131370830e+01, v5;
	v5 =	vld [tilespmem:s24+$0xB0]  }
0x14d: {  	[tilespmem:s24+$0x50] =	vst v0;
	v0 =	vmul.f32 $1.131370830e+01, v6;
	v6 =	vld [tilespmem:s24+$0xC0]  }
0x14e: {  	[tilespmem:s24+$0x60] =	vst v3;
	v2 =	vmul.f32 $1.131370830e+01, v2;
	v3 =	vld [tilespmem:s24+$0xD0]  }
0x14f: {  	[tilespmem:s24+$0x70] =	vst v0;
	v0 =	vmul.f32 $1.131370830e+01, v4;
	v4 =	vld [tilespmem:s24+$0xE0]  }
0x150: {  	[tilespmem:s24+$0x80] =	vst v2;
	v1 =	vmul.f32 $1.131370830e+01, v1;
	v2 =	vld [tilespmem:s24+$0xF0]  }
0x151: {  	[tilespmem:s24+$0x90] =	vst v0;
	v0 =	vmul.f32 $1.131370830e+01, v5;
	v5 =	vld [tilespmem:s24+$0x100]  }
0x152: {  	[tilespmem:s24+$0xA0] =	vst v1;
	v1 =	vmul.f32 $1.131370830e+01, v6;
	v6 =	vld [tilespmem:s24+$0x110]  }
0x153: {  	[tilespmem:s24+$0xB0] =	vst v0;
	v0 =	vmul.f32 $1.131370830e+01, v3;
	v3 =	vld [tilespmem:s24+$0x120]  }
0x154: {  	[tilespmem:s24+$0xC0] =	vst v1;
	v1 =	vmul.f32 $1.131370830e+01, v4;
	v4 =	vld [tilespmem:s24+$0x130]  }
0x155: {  	[tilespmem:s24+$0xD0] =	vst v0;
	v0 =	vmul.f32 $1.131370830e+01, v2;
	v2 =	vld [tilespmem:s24+$0x140]  }
0x156: {  	[tilespmem:s24+$0xE0] =	vst v1;
	v1 =	vmul.f32 $1.131370830e+01, v5;
	v5 =	vld [tilespmem:s24+$0x150]  }
0x157: {  	[tilespmem:s24+$0xF0] =	vst v0;
	v0 =	vmul.f32 $1.131370830e+01, v6;
	v6 =	vld [tilespmem:s24+$0x160]  }
0x158: {  	[tilespmem:s24+$0x100] =	vst v1;
	v1 =	vmul.f32 $1.131370830e+01, v3;
	v3 =	vld [tilespmem:s24+$0x170]  }
0x159: {  	[tilespmem:s24+$0x110] =	vst v0;
	v0 =	vmul.f32 $1.131370830e+01, v4;
	v4 =	vld [tilespmem:s24+$0x180]  }
0x15a: {  	[tilespmem:s24+$0x120] =	vst v1;
	v1 =	vmul.f32 $1.131370830e+01, v2;
	v7 =	vld [tilespmem:s24+$0x190]  }
0x15b: {  	[tilespmem:s24+$0x130] =	vst v0;
	v2 =	vmul.f32 $1.131370830e+01, v5;
	v8 =	vld [tilespmem:s24+$0x1A0]  }
.Ltmp3:
0x15c: {  	[tilespmem:s24+$0x140] =	vst v1;
	v5 =	vmul.f32 $1.131370830e+01, v6;
	v0 =	vld [tilespmem:s24+$0x1B0];
	(pc) =	sbr.rel @p1 .LBB2_9-.Ltmp3, $4  }
0x15d: {  	[tilespmem:s24+$0x150] =	vst v2;
	v3 =	vmul.f32 $1.131370830e+01, v3;
	v1 =	vld [tilespmem:s24+$0x1C0]  }
0x15e: {  	[tilespmem:s24+$0x160] =	vst v5;
	v6 =	vmul.f32 $1.131370830e+01, v4;
	v2 =	vld [tilespmem:s24+$0x1D0]  }
0x15f: {  	[tilespmem:s24+$0x170] =	vst v3;
	v5 =	vmul.f32 $1.131370830e+01, v7;
	v3 =	vld [tilespmem:s24+$0x1E0]  }
0x160: {  	s24 =	sadd.s32 $0x200, s24;
	v4 =	vld [tilespmem:s7+$0x0];
	[tilespmem:s7+$0x180] =	vst v6;
	v6 =	vmul.f32 $1.131370830e+01, v8  }
0x161: {  	[tilespmem:s7+$0x190] =	vst v5;
	v0 =	vmul.f32 $1.131370830e+01, v0  }
0x162: {  	[tilespmem:s7+$0x1A0] =	vst v6;
	v1 =	vmul.f32 $1.131370830e+01, v1  }
0x163: {  	[tilespmem:s7+$0x1B0] =	vst v0;
	v0 =	vmul.f32 $1.131370830e+01, v2  }
0x164: {  	[tilespmem:s7+$0x1C0] =	vst v1;
	v1 =	vmul.f32 $1.131370830e+01, v3  }
0x165: {  	s12 =	sadd.s32 s10, s15;
	v2 =	vmul.f32 $1.131370830e+01, v4;
	[tilespmem:s7+$0x1D0] =	vst v0  }
0x166: {  	s12 =	sshrl.u32 s12, $0x3;
	[tilespmem:s7+$0x1E0] =	vst v1  }
0x167: {  	s24 =	sadd.s32 s2, s12;
	[tilespmem:s7+$0x0] =	vst v2  }
0x168: {  	[hbm4b:s24+s4] =	stream.linear.scatter [tilespmem:s23], [sflag:$0x9], $0x4000, $0x38;
	[tilespmem:$0x15C00] =	vst v63  }
0x169: {  	_ =	swait.ge [sflag:s31], $0x4000  }
0x16a: {  	[sflag:s31] =	ssyncset.done $0x0  }
0x16b: {  	s7 =	simm.s32 @!p0 $0x9;
	[sflag:s31] =	ssyncadd.s32 $0xFFFFC000  }
0x16c: {  	_ =	swait.ge @!p0 [sflag:s7], $0x4000  }
0x16d: {  	s5 =	sadd.s32 @!p0 $0x400, s5;
	[sflag:s7] =	ssyncset.done @!p0 $0x0  }
0x16e: {  	s12 =	simm.s32 @!p0 $0xDC00;
	[sflag:s7] =	ssyncadd.s32 @!p0 $0xFFFFC000;
	s7 =	simm.s32 @!p0 $0x80  }
0x16f: {  	[tilespmem:s12], [sflag:$0x4] =	stream.indirect.gather @!p0 [hbm4b:s1+s7], $0x80, s5, s7, $0xb8;
	[tilespmem:$0x15C00] =	vst v63  }
0x170: {  	s5 =	simm.s32 $0x11C00  }
0x171: {  	v0 =	vld [tilespmem:s5+$0x1F0]  }
0x172: {  	v1 =	vld [tilespmem:s5+$0x10]  }
0x173: {  	v2 =	vld [tilespmem:s5+$0x20]  }
0x174: {  	v3 =	vld [tilespmem:s5+$0x30]  }
0x175: {  	v6 =	vld [tilespmem:s5+$0x60]  }
0x176: {  	v4 =	vld [tilespmem:s5+$0x40]  }
0x177: {  	v5 =	vld [tilespmem:s5+$0x50];
	v0 =	vmul.f32 $1.131370830e+01, v0  }
0x178: {  	v8 =	vld [tilespmem:s5+$0x80];
	v1 =	vmul.f32 $1.131370830e+01, v1  }
0x179: {  	v7 =	vld [tilespmem:s5+$0x70];
	v2 =	vmul.f32 $1.131370830e+01, v2;
	[tilespmem:s5+$0x1F0] =	vst v0  }
0x17a: {  	v6 =	vmul.f32 $1.131370830e+01, v6;
	v0 =	vld [tilespmem:s5+$0x90];
	[tilespmem:s5+$0x10] =	vst v1  }
0x17b: {  	v1 =	vmul.f32 $1.131370830e+01, v3;
	v3 =	vld [tilespmem:s5+$0xA0];
	[tilespmem:s5+$0x20] =	vst v2;
	v2 =	vmul.f32 $1.131370830e+01, v4  }
0x17c: {  	[tilespmem:s5+$0x60] =	vst v6;
	v6 =	vld [tilespmem:s5+$0xF0]  }
0x17d: {  	v4 =	vld [tilespmem:s5+$0xB0];
	[tilespmem:s5+$0x40] =	vst v2;
	v2 =	vmul.f32 $1.131370830e+01, v8  }
0x17e: {  	[tilespmem:s5+$0x30] =	vst v1;
	v1 =	vmul.f32 $1.131370830e+01, v5;
	v5 =	vld [tilespmem:s5+$0xC0]  }
0x17f: {  	v8 =	vld [tilespmem:s5+$0xD0];
	[tilespmem:s5+$0x80] =	vst v2;
	v2 =	vmul.f32 $1.131370830e+01, v7  }
0x180: {  	[tilespmem:s5+$0x50] =	vst v1;
	v1 =	vld [tilespmem:s5+$0xE0];
	v0 =	vmul.f32 $1.131370830e+01, v0  }
0x181: {  	v7 =	vld [tilespmem:s5+$0x130];
	v6 =	vmul.f32 $1.131370830e+01, v6;
	[tilespmem:s5+$0x70] =	vst v2  }
0x182: {  	v2 =	vmul.f32 $1.131370830e+01, v3;
	v3 =	vld [tilespmem:s5+$0x100];
	[tilespmem:s5+$0x90] =	vst v0  }
0x183: {  	v0 =	vmul.f32 $1.131370830e+01, v4;
	v4 =	vld [tilespmem:s5+$0x110];
	[tilespmem:s5+$0xF0] =	vst v6  }
0x184: {  	[tilespmem:s5+$0xA0] =	vst v2;
	v2 =	vmul.f32 $1.131370830e+01, v5;
	v5 =	vld [tilespmem:s5+$0x120]  }
0x185: {  	v6 =	vld [tilespmem:s5+$0x180];
	[tilespmem:s5+$0xB0] =	vst v0;
	v0 =	vmul.f32 $1.131370830e+01, v8  }
0x186: {  	v1 =	vmul.f32 $1.131370830e+01, v1;
	[tilespmem:s5+$0xC0] =	vst v2;
	v2 =	vld [tilespmem:s5+$0x140]  }
0x187: {  	[tilespmem:s5+$0xD0] =	vst v0;
	v0 =	vmul.f32 $1.131370830e+01, v3  }
0x188: {  	v3 =	vld [tilespmem:s5+$0x150];
	[tilespmem:s5+$0xE0] =	vst v1;
	v4 =	vmul.f32 $1.131370830e+01, v4  }
0x189: {  	v1 =	vld [tilespmem:s5+$0x160];
	[tilespmem:s5+$0x100] =	vst v0;
	v0 =	vmul.f32 $1.131370830e+01, v5  }
0x18a: {  	v6 =	vmul.f32 $1.131370830e+01, v6;
	v5 =	vld [tilespmem:s5+$0x170];
	[tilespmem:s5+$0x110] =	vst v4  }
0x18b: {  	v4 =	vmul.f32 $1.131370830e+01, v7;
	v7 =	vld [tilespmem:s5+$0x190];
	[tilespmem:s5+$0x120] =	vst v0;
	v0 =	vmul.f32 $1.131370830e+01, v2  }
0x18c: {  	v8 =	vld [tilespmem:s5+$0x1A0];
	[tilespmem:s5+$0x180] =	vst v6  }
0x18d: {  	v2 =	vmul.f32 $1.131370830e+01, v3;
	[tilespmem:s5+$0x140] =	vst v0;
	v0 =	vld [tilespmem:s5+$0x1B0]  }
0x18e: {  	[tilespmem:s5+$0x130] =	vst v4;
	v3 =	vmul.f32 $1.131370830e+01, v1;
	v1 =	vld [tilespmem:s5+$0x1C0]  }
0x18f: {  	[tilespmem:s5+$0x150] =	vst v2;
	v4 =	vmul.f32 $1.131370830e+01, v5;
	v2 =	vld [tilespmem:s5+$0x1D0]  }
0x190: {  	[tilespmem:s5+$0x160] =	vst v3;
	v3 =	vld [tilespmem:s5+$0x1E0];
	v5 =	vmul.f32 $1.131370830e+01, v7  }
0x191: {  	s7 =	simm.s32 $0x0;
	s12 =	simm.s32 $0x11E00;
	v6 =	vmul.f32 $1.131370830e+01, v8;
	[tilespmem:s5+$0x170] =	vst v4;
	v4 =	vld [tilespmem:s5+$0x0]  }
.LBB2_11:
0x192: {  	v7 =	vld [tilespmem:s12+$0x1F0];
	s7 =	sadd.s32 $0x4, s7;
	[tilespmem:s5+$0x190] =	vst v5;
	v0 =	vmul.f32 $1.131370830e+01, v0  }
0x193: {  	v5 =	vld [tilespmem:s12+$0x10];
	p0 =	slt.u32 s7, $0x7C;
	[tilespmem:s5+$0x1A0] =	vst v6;
	v1 =	vmul.f32 $1.131370830e+01, v1  }
0x194: {  	v6 =	vld [tilespmem:s12+$0x20];
	[tilespmem:s5+$0x1B0] =	vst v0;
	v0 =	vmul.f32 $1.131370830e+01, v2  }
0x195: {  	v2 =	vld [tilespmem:s12+$0x30];
	[tilespmem:s5+$0x1C0] =	vst v1;
	v1 =	vmul.f32 $1.131370830e+01, v3  }
0x196: {  	v3 =	vld [tilespmem:s12+$0x40];
	v4 =	vmul.f32 $1.131370830e+01, v4;
	[tilespmem:s5+$0x1D0] =	vst v0  }
0x197: {  	v0 =	vld [tilespmem:s12+$0x50];
	v7 =	vmul.f32 $1.131370830e+01, v7;
	[tilespmem:s5+$0x1E0] =	vst v1  }
0x198: {  	v1 =	vmul.f32 $1.131370830e+01, v5;
	v5 =	vld [tilespmem:s12+$0x60];
	[tilespmem:s5+$0x0] =	vst v4;
	s5 =	smov.u32 s12  }
0x199: {  	v4 =	vmul.f32 $1.131370830e+01, v6;
	v6 =	vld [tilespmem:s12+$0x70];
	[tilespmem:s12+$0x1F0] =	vst v7  }
0x19a: {  	[tilespmem:s12+$0x10] =	vst v1;
	v1 =	vmul.f32 $1.131370830e+01, v2;
	v2 =	vld [tilespmem:s12+$0x80]  }
0x19b: {  	[tilespmem:s12+$0x20] =	vst v4;
	v3 =	vmul.f32 $1.131370830e+01, v3;
	v4 =	vld [tilespmem:s12+$0x90]  }
0x19c: {  	[tilespmem:s12+$0x30] =	vst v1;
	v0 =	vmul.f32 $1.131370830e+01, v0;
	v1 =	vld [tilespmem:s12+$0xA0]  }
0x19d: {  	[tilespmem:s12+$0x40] =	vst v3;
	v3 =	vmul.f32 $1.131370830e+01, v5;
	v5 =	vld [tilespmem:s12+$0xB0]  }
0x19e: {  	[tilespmem:s12+$0x50] =	vst v0;
	v0 =	vmul.f32 $1.131370830e+01, v6;
	v6 =	vld [tilespmem:s12+$0xC0]  }
0x19f: {  	[tilespmem:s12+$0x60] =	vst v3;
	v2 =	vmul.f32 $1.131370830e+01, v2;
	v3 =	vld [tilespmem:s12+$0xD0]  }
0x1a0: {  	[tilespmem:s12+$0x70] =	vst v0;
	v0 =	vmul.f32 $1.131370830e+01, v4;
	v4 =	vld [tilespmem:s12+$0xE0]  }
0x1a1: {  	[tilespmem:s12+$0x80] =	vst v2;
	v1 =	vmul.f32 $1.131370830e+01, v1;
	v2 =	vld [tilespmem:s12+$0xF0]  }
0x1a2: {  	[tilespmem:s12+$0x90] =	vst v0;
	v0 =	vmul.f32 $1.131370830e+01, v5;
	v5 =	vld [tilespmem:s12+$0x100]  }
0x1a3: {  	[tilespmem:s12+$0xA0] =	vst v1;
	v1 =	vmul.f32 $1.131370830e+01, v6;
	v6 =	vld [tilespmem:s12+$0x110]  }
0x1a4: {  	[tilespmem:s12+$0xB0] =	vst v0;
	v0 =	vmul.f32 $1.131370830e+01, v3;
	v3 =	vld [tilespmem:s12+$0x120]  }
0x1a5: {  	[tilespmem:s12+$0xC0] =	vst v1;
	v1 =	vmul.f32 $1.131370830e+01, v4;
	v4 =	vld [tilespmem:s12+$0x130]  }
0x1a6: {  	[tilespmem:s12+$0xD0] =	vst v0;
	v0 =	vmul.f32 $1.131370830e+01, v2;
	v2 =	vld [tilespmem:s12+$0x140]  }
0x1a7: {  	[tilespmem:s12+$0xE0] =	vst v1;
	v1 =	vmul.f32 $1.131370830e+01, v5;
	v5 =	vld [tilespmem:s12+$0x150]  }
0x1a8: {  	[tilespmem:s12+$0xF0] =	vst v0;
	v0 =	vmul.f32 $1.131370830e+01, v6;
	v6 =	vld [tilespmem:s12+$0x160]  }
0x1a9: {  	[tilespmem:s12+$0x100] =	vst v1;
	v1 =	vmul.f32 $1.131370830e+01, v3;
	v3 =	vld [tilespmem:s12+$0x170]  }
0x1aa: {  	[tilespmem:s12+$0x110] =	vst v0;
	v0 =	vmul.f32 $1.131370830e+01, v4;
	v4 =	vld [tilespmem:s12+$0x180]  }
0x1ab: {  	[tilespmem:s12+$0x120] =	vst v1;
	v1 =	vmul.f32 $1.131370830e+01, v2;
	v7 =	vld [tilespmem:s12+$0x190]  }
0x1ac: {  	[tilespmem:s12+$0x130] =	vst v0;
	v2 =	vmul.f32 $1.131370830e+01, v5;
	v8 =	vld [tilespmem:s12+$0x1A0]  }
.Ltmp4:
0x1ad: {  	[tilespmem:s12+$0x140] =	vst v1;
	v5 =	vmul.f32 $1.131370830e+01, v6;
	v0 =	vld [tilespmem:s12+$0x1B0];
	(pc) =	sbr.rel @p0 .LBB2_11-.Ltmp4, $4  }
0x1ae: {  	[tilespmem:s12+$0x150] =	vst v2;
	v3 =	vmul.f32 $1.131370830e+01, v3;
	v1 =	vld [tilespmem:s12+$0x1C0]  }
0x1af: {  	[tilespmem:s12+$0x160] =	vst v5;
	v6 =	vmul.f32 $1.131370830e+01, v4;
	v2 =	vld [tilespmem:s12+$0x1D0]  }
0x1b0: {  	[tilespmem:s12+$0x170] =	vst v3;
	v5 =	vmul.f32 $1.131370830e+01, v7;
	v3 =	vld [tilespmem:s12+$0x1E0]  }
0x1b1: {  	s12 =	sadd.s32 $0x200, s12;
	v4 =	vld [tilespmem:s5+$0x0];
	[tilespmem:s5+$0x180] =	vst v6;
	v6 =	vmul.f32 $1.131370830e+01, v8  }
0x1b2: {  	[tilespmem:s5+$0x190] =	vst v5;
	v0 =	vmul.f32 $1.131370830e+01, v0  }
0x1b3: {  	s22 =	sadd.s32 $0x1, s22;
	[tilespmem:s5+$0x1A0] =	vst v6;
	v1 =	vmul.f32 $1.131370830e+01, v1  }
0x1b4: {  	p0 =	sne.s32 s22, $0xA;
	[tilespmem:s5+$0x1B0] =	vst v0;
	v61 =	vmul.f32 $1.131370830e+01, v2  }
.Ltmp5:
0x1b5: {  	s7 =	sshll.u32 s11, $0x13;
	[tilespmem:s5+$0x1C0] =	vst v1;
	v62 =	vmul.f32 $1.131370830e+01, v3;
	(pc) =	sbr.rel @p0 .LBB2_2-.Ltmp5, $4  }
0x1b6: {  	s7 =	sor.u32 s6, s7;
	v63 =	vmul.f32 $1.131370830e+01, v4;
	[tilespmem:s5+$0x1D0] =	vst v61  }
0x1b7: {  	s7 =	sshrl.u32 s7, $0x3;
	[tilespmem:s5+$0x1E0] =	vst v62  }
0x1b8: {  	s24 =	sadd.s32 s2, s7;
	[tilespmem:s5+$0x0] =	vst v63  }
0x1b9: {  	[hbm4b:s24+s4] =	stream.linear.scatter [tilespmem:s26], [sflag:$0xA], $0x4000, $0x38;
	[tilespmem:$0x15C00] =	vst v63  }
0x1ba: {  	_ =	swait.ge [sflag:s0], $0x4000  }
0x1bb: {  	[sflag:s0] =	ssyncset.done $0x0  }
0x1bc: {  	[sflag:s0] =	ssyncadd.s32 $0xFFFFC000  }
0x1bd: {  	_ =	swait.ge [sflag:s3], $0x4000  }
0x1be: {  	[sflag:s3] =	ssyncset.done $0x0  }
0x1bf: {  	[sflag:s3] =	ssyncadd.s32 $0xFFFFC000  }
0x1c0: {  	_ =	swait.ge [sflag:s13], $0x4000  }
0x1c1: {  	[sflag:s13] =	ssyncset.done $0x0  }
0x1c2: {  	[sflag:s13] =	ssyncadd.s32 $0xFFFFC000  }
0x1c3: {  	_ =	swait.ge [sflag:s14], $0x4000  }
0x1c4: {  	[sflag:s14] =	ssyncset.done $0x0  }
0x1c5: {  	[sflag:s14] =	ssyncadd.s32 $0xFFFFC000  }
0x1c6: {  	_ =	swait.ge [sflag:s16], $0x4000  }
0x1c7: {  	s20 =	sadd.s32 $0x1, s20;
	s5 =	rddreg [dreg:$0x6]  }
0x1c8: {  	p0 =	sne.s32 s20, s5  }
.Ltmp6:
0x1c9: {  	_ = 	snop;
	(pc) =	sbr.rel @p0 .LBB2_1-.Ltmp6, $3  }
0x1ca: {  	_ =	sdelay $0x1  }
0x1cb: {  	[sflag:s16] =	ssyncset.done $0x0  }
0x1cc: {  	[sflag:s16] =	ssyncadd.s32 $0xFFFFC000  }
0x1cd: {  	_ =	sfence.sel $0x180000  }
0x1ce: {  	[bflag:$0x0] =	sbarrier.arrive $0xFFFF  }
0x1cf: {  	_ =	strace $0x90000047  }
0x1d0: {  	s0 =	stileid.u32;
	[bflag:$0x2] =	sbarrier.arrive $0xFFFF  }
0x1d1: {  	p0 =	sne.s32 s0, $0x0;
	s0 =	rddreg [dreg:$0x3]  }
0x1d2: {  	s0 =	sadd.s32 @!p0 $0x100000, s0  }
0x1d3: {  	[sflag:s0] =	ssyncadd.tile.s32 @!p0 $0x1;
	_ =	shalt  }
.Lfunc_end2:
_tile_overlayer_lowered:
.L_overlay_start_2:
0x1d4: {  	(tag) =	ssettag $0x2  }
0x1d5: {  	s0 =	rddreg [dreg:$0x0];
	s2 =	stileid.u32  }
0x1d6: {  	s1 =	rddreg [dreg:$0x1];
	p0 =	sne.s32 s2, $0x0  }
0x1d7: {  	s3 =	rddreg [dreg:$0x2];
	[bflag:$0x3] =	sbarrier.arrive $0xFFFF;
	s2 =	simm.s32 @!p0 $0x1C0C  }
0x1d8: {  	[timem:s3], [sflag:s2] =	dma.local @!p0 [hbm:s0], s1  }
0x1d9: {  	s0 =	simm.s32 @!p0 $0xC  }
0x1da: {  	_ =	swait.ge @!p0 [sflag:s0], s1  }
0x1db: {  	s1 =	ssub.s32 @!p0 $0x0, s1;
	[sflag:s0] =	ssyncset.done @!p0 $0x0  }
0x1dc: {  	[sflag:s0] =	ssyncadd.s32 @!p0 s1  }
0x1dd: {  	[bflag:$0x3] =	sbarrier.arrive $0xFFFF  }
0x1de: {  	_ =	shalt  }

</sc_bundles>
